<compile_context>
chip_gen: v7x
topology: tpu7x:2x2x1
jax: 0.10.2.dev20260603
libtpu: 0.0.44.dev20260713+nightly
codegen_flags: <defaults>
</compile_context>

<pallas_src>
import functools

import jax
import jax.numpy as jnp
from jax import lax
from jax.experimental import pallas as pl
from jax.experimental.pallas import tpu as pltpu
from jax.experimental.pallas import tpu_sc as plsc

N_NODES = 100000
DIM = 128
NROWS = 65
NC, NS = 2, 16
NW = NC * NS
CHUNK = 400
NCHUNKS = N_NODES // CHUNK
MAXK = (NCHUNKS + NW - 1) // NW


def _make_sc_gather():
    mesh = plsc.VectorSubcoreMesh(core_axis_name="c", subcore_axis_name="s")

    @functools.partial(
        pl.kernel,
        out_type=jax.ShapeDtypeStruct((N_NODES * DIM,), jnp.float32),
        mesh=mesh,
        compiler_params=pltpu.CompilerParams(needs_layout_passes=False),
        scratch_types=[
            pltpu.VMEM((NROWS, DIM), jnp.float32),
            pltpu.VMEM((CHUNK,), jnp.int32),
            pltpu.VMEM((CHUNK * DIM,), jnp.float32),
            pltpu.VMEM((CHUNK * DIM,), jnp.float32),
            pltpu.SemaphoreType.DMA,
            pltpu.SemaphoreType.DMA,
        ],
    )
    def sc_gather(deg_hbm, table_hbm, out_hbm,
                  table_v, idx_v, rows0, rows1, sem0, sem1):
        wid = lax.axis_index("s") * NC + lax.axis_index("c")
        nk = (NCHUNKS - wid + NW - 1) // NW
        rows, sems = (rows0, rows1), (sem0, sem1)

        pltpu.sync_copy(table_hbm, table_v)

        lane = lax.iota(jnp.int32, 16)

        def gather_rows(b, lo, hi):
            @plsc.parallel_loop(lo, hi, unroll=4)
            def _(r):
                d_slice = idx_v[pl.ds((r >> 4) << 4, 16)]
                d_bcast = lax.gather(
                    d_slice,
                    jnp.full((16, 1), 0, jnp.int32) + (r & 15),
                    lax.GatherDimensionNumbers(
                        offset_dims=(), collapsed_slice_dims=(0,),
                        start_index_map=(0,)),
                    slice_sizes=(1,),
                    mode=lax.GatherScatterMode.PROMISE_IN_BOUNDS)
                for j in range(DIM // 16):
                    v = plsc.load_gather(table_v, [d_bcast, lane + j * 16])
                    rows[b][pl.ds(r * DIM + j * 16, 16)] = v

        def process(k, b):
            base = (wid + k * NW) * CHUNK

            pl.when(k >= 2)(lambda: pltpu.make_async_copy(
                rows[b], out_hbm.at[pl.ds(0, CHUNK * DIM)], sems[b]).wait())

            pltpu.sync_copy(deg_hbm.at[pl.ds(base, CHUNK)], idx_v)

            def first():
                for lo, hi in ((0, 96), (96, 192), (192, 288), (288, CHUNK)):
                    gather_rows(b, lo, hi)
                    pltpu.async_copy(
                        rows[b].at[pl.ds(lo * DIM, (hi - lo) * DIM)],
                        out_hbm.at[pl.ds((base + lo) * DIM, (hi - lo) * DIM)],
                        sems[b])

            def rest():
                gather_rows(b, 0, CHUNK)
                pltpu.async_copy(
                    rows[b], out_hbm.at[pl.ds(base * DIM, CHUNK * DIM)],
                    sems[b])

            pl.when(k == 0)(first)
            pl.when(k > 0)(rest)

        def outer(i, _):
            for b in range(2):
                k = i * 2 + b
                pl.when(k < nk)(lambda k=k, b=b: process(k, b))
            return 0

        lax.fori_loop(0, (MAXK + 1) // 2, outer, 0)

        for b in range(2):
            pltpu.make_async_copy(
                rows[b], out_hbm.at[pl.ds(0, CHUNK * DIM)], sems[b]).wait()

    return sc_gather


_sc_gather = _make_sc_gather()


def kernel(degrees, table):
    out = _sc_gather(degrees.astype(jnp.int32), table)
    return out.reshape(N_NODES, DIM)

# --- scband reference (transcript-rebuilt; emitter-appended) ---
"""Pipeline reference for scband-centrality-encoder-47717086658596 (READ-ONLY COPY).

The authoritative reference and input builder live on the scoring server;
editing this copy changes nothing except your own understanding.
"""

import jax, jax.numpy as jnp
import numpy as np

MAX_DEGREE = 64
DIM = 128
N_NODES = 100000

def setup_inputs(seed: int = 0) -> dict:
    key = jax.random.key(seed)
    k1, k2 = jax.random.split(key)
    degrees = jax.random.randint(k1, (N_NODES,), 0, MAX_DEGREE + 1, dtype=jnp.int64 if jax.config.jax_enable_x64 else jnp.int32)
    table = jax.random.uniform(k2, (MAX_DEGREE + 1, DIM), dtype=jnp.float32, minval=-0.1, maxval=0.1)
    return {"degrees": degrees, "table": table}

def reference(degrees, table):
    # nn.Embedding lookup: gather rows of the degree embedding table
    degree_emb = jnp.take(table, degrees, axis=0)
    return degree_emb

if __name__ == "__main__":
    import jax
    _d = setup_inputs()
    print(jax.jit(kernel)(*tuple(_d.values())))

</pallas_src>

<mosaic_0001>
#map = affine_map<(d0, d1) -> (0)>
#map1 = affine_map<(d0, d1) -> (0, 0)>
module attributes {stable_mosaic.version = 14 : i64} {
  func.func @sc_gather(%arg0: i32, %arg1: i32, %arg2: memref<100000xi32, #tpu.memory_space<hbm>>, %arg3: memref<65x128xf32, #tpu.memory_space<hbm>>, %arg4: memref<12800000xf32, #tpu.memory_space<hbm>>, %arg5: memref<65x128xf32, #tpu.memory_space<vmem>>, %arg6: memref<400xi32, #tpu.memory_space<vmem>>, %arg7: memref<51200xf32, #tpu.memory_space<vmem>>, %arg8: memref<51200xf32, #tpu.memory_space<vmem>>, %arg9: memref<!tpu.dma_semaphore, #tpu.memory_space<semaphore_mem>>, %arg10: memref<!tpu.dma_semaphore, #tpu.memory_space<semaphore_mem>>) attributes {dimension_semantics = [#tpu.dimension_semantics<core_parallel>, #tpu.dimension_semantics<subcore_parallel>], iteration_bounds = array<i64: 2, 16>, scalar_prefetch = 0 : i64, scratch_operands = 6 : i64, tpu.core_type = #tpu.core_type<sc_vector_subcore>, window_params = [{transform_indices = #map}, {transform_indices = #map1}, {transform_indices = #map}]} {
    %mul3A = arith.constant 2 : i32
    %mul3A_0 = arith.muli %arg1, %mul3A : i32
    %add3A = arith.addi %mul3A_0, %arg0 : i32
    %sub3A = arith.constant 250 : i32
    %sub3A_1 = arith.subi %sub3A, %add3A : i32
    %add3A_2 = arith.constant 32 : i32
    %add3A_3 = arith.addi %sub3A_1, %add3A_2 : i32
    %sub3A_4 = arith.constant 1 : i32
    %sub3A_5 = arith.subi %add3A_3, %sub3A_4 : i32
    %jit3A = arith.constant 32 : i32
    %div3A = arith.divsi %sub3A_5, %jit3A : i32
    %sign3A = arith.constant 0 : i32
    %sign3A_6 = arith.cmpi sgt, %sub3A_5, %sign3A : i32
    %sign3A_7 = arith.extui %sign3A_6 : i1 to i32
    %sign3A_8 = arith.constant 0 : i32
    %sign3A_9 = arith.cmpi slt, %sub3A_5, %sign3A_8 : i32
    %sign3A_10 = arith.extui %sign3A_9 : i1 to i32
    %sign3A_11 = arith.subi %sign3A_7, %sign3A_10 : i32
    %sign3A_12 = arith.constant 0 : i32
    %sign3A_13 = arith.cmpi sgt, %jit3A, %sign3A_12 : i32
    %sign3A_14 = arith.extui %sign3A_13 : i1 to i32
    %sign3A_15 = arith.constant 0 : i32
    %sign3A_16 = arith.cmpi slt, %jit3A, %sign3A_15 : i32
    %sign3A_17 = arith.extui %sign3A_16 : i1 to i32
    %sign3A_18 = arith.subi %sign3A_14, %sign3A_17 : i32
    %ne3A = arith.cmpi ne, %sign3A_11, %sign3A_18 : i32
    %rem3A = arith.remsi %sub3A_5, %jit3A : i32
    %ne3A_19 = arith.constant 0 : i32
    %ne3A_20 = arith.cmpi ne, %rem3A, %ne3A_19 : i32
    %and3A = arith.andi %ne3A, %ne3A_20 : i1
    %sub3A_21 = arith.constant 1 : i32
    %sub3A_22 = arith.subi %div3A, %sub3A_21 : i32
    %select_n3A = arith.select %and3A, %sub3A_22, %div3A : i32
    "tpu.region"() ({
      %run_scoped3A = tpu.sem_alloc : memref<!tpu.dma_semaphore, #tpu.memory_space<semaphore_mem>>
      tpu.enqueue_dma source(%arg3 : memref<65x128xf32, #tpu.memory_space<hbm>>) target(%arg5 : memref<65x128xf32, #tpu.memory_space<vmem>>) target_semaphore(%run_scoped3A : memref<!tpu.dma_semaphore, #tpu.memory_space<semaphore_mem>>)
      tpu.wait_dma2 semaphore(%run_scoped3A : memref<!tpu.dma_semaphore, #tpu.memory_space<semaphore_mem>>) src(%arg3 : memref<65x128xf32, #tpu.memory_space<hbm>>) dst(%arg5 : memref<65x128xf32, #tpu.memory_space<vmem>>)
      tpu.yield
    }) : () -> ()
    %iota3A = tpu.iota {dimensions = array<i32: 0>} : vector<16xi32>
    %scan3A = arith.constant 0 : i32
    %scan3A_23 = arith.constant 0 : i32
    %scan3A_24 = arith.constant 4 : i32
    %scan3A_25 = arith.addi %scan3A_23, %scan3A_24 : i32
    %scan3A_26 = arith.constant 1 : i32
    %scan3A_27 = scf.for %scan3A_36 = %scan3A_23 to %scan3A_25 step %scan3A_26 iter_args(%scan3A_37 = %scan3A) -> (i32)  : i32 {
      %mul3A_38 = arith.constant 2 : i32
      %mul3A_39 = arith.muli %scan3A_36, %mul3A_38 : i32
      %add3A_40 = arith.constant 0 : i32
      %add3A_41 = arith.addi %mul3A_39, %add3A_40 : i32
      %lt3A = arith.cmpi slt, %add3A_41, %select_n3A : i32
      %convert_element_type3A = arith.extui %lt3A : i1 to i32
      %cond3A = arith.constant 0 : i32
      %cond3A_42 = arith.cmpi ne, %convert_element_type3A, %cond3A : i32
      scf.if %cond3A_42 {
        %mul3A_52 = arith.constant 32 : i32
        %mul3A_53 = arith.muli %add3A_41, %mul3A_52 : i32
        %add3A_54 = arith.addi %add3A, %mul3A_53 : i32
        %mul3A_55 = arith.constant 400 : i32
        %mul3A_56 = arith.muli %add3A_54, %mul3A_55 : i32
        %ge3A = arith.constant 2 : i32
        %ge3A_57 = arith.cmpi sge, %add3A_41, %ge3A : i32
        %convert_element_type3A_58 = arith.extui %ge3A_57 : i1 to i32
        %cond3A_59 = arith.constant 0 : i32
        %cond3A_60 = arith.cmpi ne, %convert_element_type3A_58, %cond3A_59 : i32
        scf.if %cond3A_60 {
          %dma_wait3A_69 = arith.constant 0 : i32
          %dma_wait3A_70 = tpu.memref_slice %arg4[%dma_wait3A_69] : memref<12800000xf32, #tpu.memory_space<hbm>> -> memref<51200xf32, #tpu.memory_space<hbm>>
          %dma_wait3A_71 = arith.constant 0 : i32
          %dma_wait3A_72 = tpu.memref_slice %arg4[%dma_wait3A_71] : memref<12800000xf32, #tpu.memory_space<hbm>> -> memref<51200xf32, #tpu.memory_space<hbm>>
          tpu.wait_dma2 semaphore(%arg9 : memref<!tpu.dma_semaphore, #tpu.memory_space<semaphore_mem>>) src(%arg7 : memref<51200xf32, #tpu.memory_space<vmem>>) dst(%dma_wait3A_72 : memref<51200xf32, #tpu.memory_space<hbm>>)
        } else {
        }
        "tpu.region"() ({
          %run_scoped3A = tpu.sem_alloc : memref<!tpu.dma_semaphore, #tpu.memory_space<semaphore_mem>>
          %dma_start3A = tpu.memref_slice %arg2[%mul3A_56] : memref<100000xi32, #tpu.memory_space<hbm>> -> memref<400xi32, #tpu.memory_space<hbm>>
          %dma_start3A_69 = tpu.memref_slice %arg2[%mul3A_56] : memref<100000xi32, #tpu.memory_space<hbm>> -> memref<400xi32, #tpu.memory_space<hbm>>
          tpu.enqueue_dma source(%dma_start3A_69 : memref<400xi32, #tpu.memory_space<hbm>>) target(%arg6 : memref<400xi32, #tpu.memory_space<vmem>>) target_semaphore(%run_scoped3A : memref<!tpu.dma_semaphore, #tpu.memory_space<semaphore_mem>>)
          %dma_wait3A_70 = tpu.memref_slice %arg2[%mul3A_56] : memref<100000xi32, #tpu.memory_space<hbm>> -> memref<400xi32, #tpu.memory_space<hbm>>
          %dma_wait3A_71 = tpu.memref_slice %arg2[%mul3A_56] : memref<100000xi32, #tpu.memory_space<hbm>> -> memref<400xi32, #tpu.memory_space<hbm>>
          tpu.wait_dma2 semaphore(%run_scoped3A : memref<!tpu.dma_semaphore, #tpu.memory_space<semaphore_mem>>) src(%dma_wait3A_71 : memref<400xi32, #tpu.memory_space<hbm>>) dst(%arg6 : memref<400xi32, #tpu.memory_space<vmem>>)
          tpu.yield
        }) : () -> ()
        %eq3A = arith.constant 0 : i32
        %eq3A_61 = arith.cmpi eq, %add3A_41, %eq3A : i32
        %convert_element_type3A_62 = arith.extui %eq3A_61 : i1 to i32
        %cond3A_63 = arith.constant 0 : i32
        %cond3A_64 = arith.cmpi ne, %convert_element_type3A_62, %cond3A_63 : i32
        scf.if %cond3A_64 {
          %parallel_loop3A = arith.constant 0 : i32
          %parallel_loop3A_69 = arith.constant 96 : i32
          %parallel_loop3A_70 = arith.constant 1 : i32
          scf.for %parallel_loop3A_119 = %parallel_loop3A to %parallel_loop3A_69 step %parallel_loop3A_70  : i32 {
            %parallel_loop3A_120 = arith.constant 4 : i32
            %parallel_loop3A_121 = arith.shrsi %parallel_loop3A_119, %parallel_loop3A_120 : i32
            %parallel_loop3A_122 = arith.constant 4 : i32
            %parallel_loop3A_123 = arith.shli %parallel_loop3A_121, %parallel_loop3A_122 : i32
            %parallel_loop3A_124 = arith.index_cast %parallel_loop3A_123 : i32 to index
            %parallel_loop3A_125 = tpu.vector_load %arg6[%parallel_loop3A_124] {strides = array<i32>} : memref<400xi32, #tpu.memory_space<vmem>>, vector<16xi32>,
            %parallel_loop3A_126 = arith.constant 0 : i32
            %parallel_loop3A_127 = vector.broadcast %parallel_loop3A_126 : i32 to vector<16x1xi32>
            %parallel_loop3A_128 = arith.constant 15 : i32
            %parallel_loop3A_129 = arith.andi %parallel_loop3A_119, %parallel_loop3A_128 : i32
            %parallel_loop3A_130 = vector.broadcast %parallel_loop3A_129 : i32 to vector<16x1xi32>
            %parallel_loop3A_131 = arith.addi %parallel_loop3A_127, %parallel_loop3A_130 : vector<16x1xi32>
            %parallel_loop3A_132 = vector.shape_cast %parallel_loop3A_131 : vector<16x1xi32> to vector<16xi32>
            %parallel_loop3A_133 = tpu.dynamic_gather %parallel_loop3A_125[%parallel_loop3A_132] in [0] : vector<16xi32>, vector<16xi32> -> vector<16xi32>
            %parallel_loop3A_134 = arith.constant 0 : i32
            %parallel_loop3A_135 = vector.broadcast %parallel_loop3A_134 : i32 to vector<16xi32>
            %parallel_loop3A_136 = arith.addi %iota3A, %parallel_loop3A_135 : vector<16xi32>
            %parallel_loop3A_137 = tpu.vector_load_idx %arg5[%parallel_loop3A_133, %parallel_loop3A_136] : memref<65x128xf32, #tpu.memory_space<vmem>>[vector<16xi32>, vector<16xi32>], vector<16xf32>,
            %parallel_loop3A_138 = arith.constant 128 : i32
            %parallel_loop3A_139 = arith.muli %parallel_loop3A_119, %parallel_loop3A_138 : i32
            %parallel_loop3A_140 = arith.constant 0 : i32
            %parallel_loop3A_141 = arith.addi %parallel_loop3A_139, %parallel_loop3A_140 : i32
            %parallel_loop3A_142 = arith.index_cast %parallel_loop3A_141 : i32 to index
            %parallel_loop3A_143 = tpu.vector_load %arg7[%parallel_loop3A_142] {strides = array<i32>} : memref<51200xf32, #tpu.memory_space<vmem>>, vector<16xf32>,
            tpu.vector_store %arg7[%parallel_loop3A_142], %parallel_loop3A_137 {strides = array<i32>} : memref<51200xf32, #tpu.memory_space<vmem>>, vector<16xf32>,
            %parallel_loop3A_144 = arith.constant 16 : i32
            %parallel_loop3A_145 = vector.broadcast %parallel_loop3A_144 : i32 to vector<16xi32>
            %parallel_loop3A_146 = arith.addi %iota3A, %parallel_loop3A_145 : vector<16xi32>
            %parallel_loop3A_147 = tpu.vector_load_idx %arg5[%parallel_loop3A_133, %parallel_loop3A_146] : memref<65x128xf32, #tpu.memory_space<vmem>>[vector<16xi32>, vector<16xi32>], vector<16xf32>,
            %parallel_loop3A_148 = arith.constant 128 : i32
            %parallel_loop3A_149 = arith.muli %parallel_loop3A_119, %parallel_loop3A_148 : i32
            %parallel_loop3A_150 = arith.constant 16 : i32
            %parallel_loop3A_151 = arith.addi %parallel_loop3A_149, %parallel_loop3A_150 : i32
            %parallel_loop3A_152 = arith.index_cast %parallel_loop3A_151 : i32 to index
            %parallel_loop3A_153 = tpu.vector_load %arg7[%parallel_loop3A_152] {strides = array<i32>} : memref<51200xf32, #tpu.memory_space<vmem>>, vector<16xf32>,
            tpu.vector_store %arg7[%parallel_loop3A_152], %parallel_loop3A_147 {strides = array<i32>} : memref<51200xf32, #tpu.memory_space<vmem>>, vector<16xf32>,
            %parallel_loop3A_154 = arith.constant 32 : i32
            %parallel_loop3A_155 = vector.broadcast %parallel_loop3A_154 : i32 to vector<16xi32>
            %parallel_loop3A_156 = arith.addi %iota3A, %parallel_loop3A_155 : vector<16xi32>
            %parallel_loop3A_157 = tpu.vector_load_idx %arg5[%parallel_loop3A_133, %parallel_loop3A_156] : memref<65x128xf32, #tpu.memory_space<vmem>>[vector<16xi32>, vector<16xi32>], vector<16xf32>,
            %parallel_loop3A_158 = arith.constant 128 : i32
            %parallel_loop3A_159 = arith.muli %parallel_loop3A_119, %parallel_loop3A_158 : i32
            %parallel_loop3A_160 = arith.constant 32 : i32
            %parallel_loop3A_161 = arith.addi %parallel_loop3A_159, %parallel_loop3A_160 : i32
            %parallel_loop3A_162 = arith.index_cast %parallel_loop3A_161 : i32 to index
            %parallel_loop3A_163 = tpu.vector_load %arg7[%parallel_loop3A_162] {strides = array<i32>} : memref<51200xf32, #tpu.memory_space<vmem>>, vector<16xf32>,
            tpu.vector_store %arg7[%parallel_loop3A_162], %parallel_loop3A_157 {strides = array<i32>} : memref<51200xf32, #tpu.memory_space<vmem>>, vector<16xf32>,
            %parallel_loop3A_164 = arith.constant 48 : i32
            %parallel_loop3A_165 = vector.broadcast %parallel_loop3A_164 : i32 to vector<16xi32>
            %parallel_loop3A_166 = arith.addi %iota3A, %parallel_loop3A_165 : vector<16xi32>
            %parallel_loop3A_167 = tpu.vector_load_idx %arg5[%parallel_loop3A_133, %parallel_loop3A_166] : memref<65x128xf32, #tpu.memory_space<vmem>>[vector<16xi32>, vector<16xi32>], vector<16xf32>,
            %parallel_loop3A_168 = arith.constant 128 : i32
            %parallel_loop3A_169 = arith.muli %parallel_loop3A_119, %parallel_loop3A_168 : i32
            %parallel_loop3A_170 = arith.constant 48 : i32
            %parallel_loop3A_171 = arith.addi %parallel_loop3A_169, %parallel_loop3A_170 : i32
            %parallel_loop3A_172 = arith.index_cast %parallel_loop3A_171 : i32 to index
            %parallel_loop3A_173 = tpu.vector_load %arg7[%parallel_loop3A_172] {strides = array<i32>} : memref<51200xf32, #tpu.memory_space<vmem>>, vector<16xf32>,
            tpu.vector_store %arg7[%parallel_loop3A_172], %parallel_loop3A_167 {strides = array<i32>} : memref<51200xf32, #tpu.memory_space<vmem>>, vector<16xf32>,
            %parallel_loop3A_174 = arith.constant 64 : i32
            %parallel_loop3A_175 = vector.broadcast %parallel_loop3A_174 : i32 to vector<16xi32>
            %parallel_loop3A_176 = arith.addi %iota3A, %parallel_loop3A_175 : vector<16xi32>
            %parallel_loop3A_177 = tpu.vector_load_idx %arg5[%parallel_loop3A_133, %parallel_loop3A_176] : memref<65x128xf32, #tpu.memory_space<vmem>>[vector<16xi32>, vector<16xi32>], vector<16xf32>,
            %parallel_loop3A_178 = arith.constant 128 : i32
            %parallel_loop3A_179 = arith.muli %parallel_loop3A_119, %parallel_loop3A_178 : i32
            %parallel_loop3A_180 = arith.constant 64 : i32
            %parallel_loop3A_181 = arith.addi %parallel_loop3A_179, %parallel_loop3A_180 : i32
            %parallel_loop3A_182 = arith.index_cast %parallel_loop3A_181 : i32 to index
            %parallel_loop3A_183 = tpu.vector_load %arg7[%parallel_loop3A_182] {strides = array<i32>} : memref<51200xf32, #tpu.memory_space<vmem>>, vector<16xf32>,
            tpu.vector_store %arg7[%parallel_loop3A_182], %parallel_loop3A_177 {strides = array<i32>} : memref<51200xf32, #tpu.memory_space<vmem>>, vector<16xf32>,
            %parallel_loop3A_184 = arith.constant 80 : i32
            %parallel_loop3A_185 = vector.broadcast %parallel_loop3A_184 : i32 to vector<16xi32>
            %parallel_loop3A_186 = arith.addi %iota3A, %parallel_loop3A_185 : vector<16xi32>
            %parallel_loop3A_187 = tpu.vector_load_idx %arg5[%parallel_loop3A_133, %parallel_loop3A_186] : memref<65x128xf32, #tpu.memory_space<vmem>>[vector<16xi32>, vector<16xi32>], vector<16xf32>,
            %parallel_loop3A_188 = arith.constant 128 : i32
            %parallel_loop3A_189 = arith.muli %parallel_loop3A_119, %parallel_loop3A_188 : i32
            %parallel_loop3A_190 = arith.constant 80 : i32
            %parallel_loop3A_191 = arith.addi %parallel_loop3A_189, %parallel_loop3A_190 : i32
            %parallel_loop3A_192 = arith.index_cast %parallel_loop3A_191 : i32 to index
            %parallel_loop3A_193 = tpu.vector_load %arg7[%parallel_loop3A_192] {strides = array<i32>} : memref<51200xf32, #tpu.memory_space<vmem>>, vector<16xf32>,
            tpu.vector_store %arg7[%parallel_loop3A_192], %parallel_loop3A_187 {strides = array<i32>} : memref<51200xf32, #tpu.memory_space<vmem>>, vector<16xf32>,
            %parallel_loop3A_194 = arith.constant 96 : i32
            %parallel_loop3A_195 = vector.broadcast %parallel_loop3A_194 : i32 to vector<16xi32>
            %parallel_loop3A_196 = arith.addi %iota3A, %parallel_loop3A_195 : vector<16xi32>
            %parallel_loop3A_197 = tpu.vector_load_idx %arg5[%parallel_loop3A_133, %parallel_loop3A_196] : memref<65x128xf32, #tpu.memory_space<vmem>>[vector<16xi32>, vector<16xi32>], vector<16xf32>,
            %parallel_loop3A_198 = arith.constant 128 : i32
            %parallel_loop3A_199 = arith.muli %parallel_loop3A_119, %parallel_loop3A_198 : i32
            %parallel_loop3A_200 = arith.constant 96 : i32
            %parallel_loop3A_201 = arith.addi %parallel_loop3A_199, %parallel_loop3A_200 : i32
            %parallel_loop3A_202 = arith.index_cast %parallel_loop3A_201 : i32 to index
            %parallel_loop3A_203 = tpu.vector_load %arg7[%parallel_loop3A_202] {strides = array<i32>} : memref<51200xf32, #tpu.memory_space<vmem>>, vector<16xf32>,
            tpu.vector_store %arg7[%parallel_loop3A_202], %parallel_loop3A_197 {strides = array<i32>} : memref<51200xf32, #tpu.memory_space<vmem>>, vector<16xf32>,
            %parallel_loop3A_204 = arith.constant 112 : i32
            %parallel_loop3A_205 = vector.broadcast %parallel_loop3A_204 : i32 to vector<16xi32>
            %parallel_loop3A_206 = arith.addi %iota3A, %parallel_loop3A_205 : vector<16xi32>
            %parallel_loop3A_207 = tpu.vector_load_idx %arg5[%parallel_loop3A_133, %parallel_loop3A_206] : memref<65x128xf32, #tpu.memory_space<vmem>>[vector<16xi32>, vector<16xi32>], vector<16xf32>,
            %parallel_loop3A_208 = arith.constant 128 : i32
            %parallel_loop3A_209 = arith.muli %parallel_loop3A_119, %parallel_loop3A_208 : i32
            %parallel_loop3A_210 = arith.constant 112 : i32
            %parallel_loop3A_211 = arith.addi %parallel_loop3A_209, %parallel_loop3A_210 : i32
            %parallel_loop3A_212 = arith.index_cast %parallel_loop3A_211 : i32 to index
            %parallel_loop3A_213 = tpu.vector_load %arg7[%parallel_loop3A_212] {strides = array<i32>} : memref<51200xf32, #tpu.memory_space<vmem>>, vector<16xf32>,
            tpu.vector_store %arg7[%parallel_loop3A_212], %parallel_loop3A_207 {strides = array<i32>} : memref<51200xf32, #tpu.memory_space<vmem>>, vector<16xf32>,
          } {sc.loop_unroll_factor = 4 : i64, sc.parallel_access}
          %add3A_71 = arith.constant 0 : i32
          %add3A_72 = arith.addi %mul3A_56, %add3A_71 : i32
          %mul3A_73 = arith.constant 128 : i32
          %mul3A_74 = arith.muli %add3A_72, %mul3A_73 : i32
          %dma_start3A = arith.constant 0 : i32
          %dma_start3A_75 = tpu.memref_slice %arg7[%dma_start3A] : memref<51200xf32, #tpu.memory_space<vmem>> -> memref<12288xf32, #tpu.memory_space<vmem>>
          %dma_start3A_76 = tpu.memref_slice %arg4[%mul3A_74] : memref<12800000xf32, #tpu.memory_space<hbm>> -> memref<12288xf32, #tpu.memory_space<hbm>>
          %dma_start3A_77 = tpu.memref_slice %arg4[%mul3A_74] : memref<12800000xf32, #tpu.memory_space<hbm>> -> memref<12288xf32, #tpu.memory_space<hbm>>
          %dma_start3A_78 = arith.constant 0 : i32
          %dma_start3A_79 = tpu.memref_slice %arg7[%dma_start3A_78] : memref<51200xf32, #tpu.memory_space<vmem>> -> memref<12288xf32, #tpu.memory_space<vmem>>
          tpu.enqueue_dma source(%dma_start3A_79 : memref<12288xf32, #tpu.memory_space<vmem>>) target(%dma_start3A_77 : memref<12288xf32, #tpu.memory_space<hbm>>) target_semaphore(%arg9 : memref<!tpu.dma_semaphore, #tpu.memory_space<semaphore_mem>>)
          %parallel_loop3A_80 = arith.constant 96 : i32
          %parallel_loop3A_81 = arith.constant 192 : i32
          %parallel_loop3A_82 = arith.constant 1 : i32
          scf.for %parallel_loop3A_119 = %parallel_loop3A_80 to %parallel_loop3A_81 step %parallel_loop3A_82  : i32 {
            %parallel_loop3A_120 = arith.constant 4 : i32
            %parallel_loop3A_121 = arith.shrsi %parallel_loop3A_119, %parallel_loop3A_120 : i32
            %parallel_loop3A_122 = arith.constant 4 : i32
            %parallel_loop3A_123 = arith.shli %parallel_loop3A_121, %parallel_loop3A_122 : i32
            %parallel_loop3A_124 = arith.index_cast %parallel_loop3A_123 : i32 to index
            %parallel_loop3A_125 = tpu.vector_load %arg6[%parallel_loop3A_124] {strides = array<i32>} : memref<400xi32, #tpu.memory_space<vmem>>, vector<16xi32>,
            %parallel_loop3A_126 = arith.constant 0 : i32
            %parallel_loop3A_127 = vector.broadcast %parallel_loop3A_126 : i32 to vector<16x1xi32>
            %parallel_loop3A_128 = arith.constant 15 : i32
            %parallel_loop3A_129 = arith.andi %parallel_loop3A_119, %parallel_loop3A_128 : i32
            %parallel_loop3A_130 = vector.broadcast %parallel_loop3A_129 : i32 to vector<16x1xi32>
            %parallel_loop3A_131 = arith.addi %parallel_loop3A_127, %parallel_loop3A_130 : vector<16x1xi32>
            %parallel_loop3A_132 = vector.shape_cast %parallel_loop3A_131 : vector<16x1xi32> to vector<16xi32>
            %parallel_loop3A_133 = tpu.dynamic_gather %parallel_loop3A_125[%parallel_loop3A_132] in [0] : vector<16xi32>, vector<16xi32> -> vector<16xi32>
            %parallel_loop3A_134 = arith.constant 0 : i32
            %parallel_loop3A_135 = vector.broadcast %parallel_loop3A_134 : i32 to vector<16xi32>
            %parallel_loop3A_136 = arith.addi %iota3A, %parallel_loop3A_135 : vector<16xi32>
            %parallel_loop3A_137 = tpu.vector_load_idx %arg5[%parallel_loop3A_133, %parallel_loop3A_136] : memref<65x128xf32, #tpu.memory_space<vmem>>[vector<16xi32>, vector<16xi32>], vector<16xf32>,
            %parallel_loop3A_138 = arith.constant 128 : i32
            %parallel_loop3A_139 = arith.muli %parallel_loop3A_119, %parallel_loop3A_138 : i32
            %parallel_loop3A_140 = arith.constant 0 : i32
            %parallel_loop3A_141 = arith.addi %parallel_loop3A_139, %parallel_loop3A_140 : i32
            %parallel_loop3A_142 = arith.index_cast %parallel_loop3A_141 : i32 to index
            %parallel_loop3A_143 = tpu.vector_load %arg7[%parallel_loop3A_142] {strides = array<i32>} : memref<51200xf32, #tpu.memory_space<vmem>>, vector<16xf32>,
            tpu.vector_store %arg7[%parallel_loop3A_142], %parallel_loop3A_137 {strides = array<i32>} : memref<51200xf32, #tpu.memory_space<vmem>>, vector<16xf32>,
            %parallel_loop3A_144 = arith.constant 16 : i32
            %parallel_loop3A_145 = vector.broadcast %parallel_loop3A_144 : i32 to vector<16xi32>
            %parallel_loop3A_146 = arith.addi %iota3A, %parallel_loop3A_145 : vector<16xi32>
            %parallel_loop3A_147 = tpu.vector_load_idx %arg5[%parallel_loop3A_133, %parallel_loop3A_146] : memref<65x128xf32, #tpu.memory_space<vmem>>[vector<16xi32>, vector<16xi32>], vector<16xf32>,
            %parallel_loop3A_148 = arith.constant 128 : i32
            %parallel_loop3A_149 = arith.muli %parallel_loop3A_119, %parallel_loop3A_148 : i32
            %parallel_loop3A_150 = arith.constant 16 : i32
            %parallel_loop3A_151 = arith.addi %parallel_loop3A_149, %parallel_loop3A_150 : i32
            %parallel_loop3A_152 = arith.index_cast %parallel_loop3A_151 : i32 to index
            %parallel_loop3A_153 = tpu.vector_load %arg7[%parallel_loop3A_152] {strides = array<i32>} : memref<51200xf32, #tpu.memory_space<vmem>>, vector<16xf32>,
            tpu.vector_store %arg7[%parallel_loop3A_152], %parallel_loop3A_147 {strides = array<i32>} : memref<51200xf32, #tpu.memory_space<vmem>>, vector<16xf32>,
            %parallel_loop3A_154 = arith.constant 32 : i32
            %parallel_loop3A_155 = vector.broadcast %parallel_loop3A_154 : i32 to vector<16xi32>
            %parallel_loop3A_156 = arith.addi %iota3A, %parallel_loop3A_155 : vector<16xi32>
            %parallel_loop3A_157 = tpu.vector_load_idx %arg5[%parallel_loop3A_133, %parallel_loop3A_156] : memref<65x128xf32, #tpu.memory_space<vmem>>[vector<16xi32>, vector<16xi32>], vector<16xf32>,
            %parallel_loop3A_158 = arith.constant 128 : i32
            %parallel_loop3A_159 = arith.muli %parallel_loop3A_119, %parallel_loop3A_158 : i32
            %parallel_loop3A_160 = arith.constant 32 : i32
            %parallel_loop3A_161 = arith.addi %parallel_loop3A_159, %parallel_loop3A_160 : i32
            %parallel_loop3A_162 = arith.index_cast %parallel_loop3A_161 : i32 to index
            %parallel_loop3A_163 = tpu.vector_load %arg7[%parallel_loop3A_162] {strides = array<i32>} : memref<51200xf32, #tpu.memory_space<vmem>>, vector<16xf32>,
            tpu.vector_store %arg7[%parallel_loop3A_162], %parallel_loop3A_157 {strides = array<i32>} : memref<51200xf32, #tpu.memory_space<vmem>>, vector<16xf32>,
            %parallel_loop3A_164 = arith.constant 48 : i32
            %parallel_loop3A_165 = vector.broadcast %parallel_loop3A_164 : i32 to vector<16xi32>
            %parallel_loop3A_166 = arith.addi %iota3A, %parallel_loop3A_165 : vector<16xi32>
            %parallel_loop3A_167 = tpu.vector_load_idx %arg5[%parallel_loop3A_133, %parallel_loop3A_166] : memref<65x128xf32, #tpu.memory_space<vmem>>[vector<16xi32>, vector<16xi32>], vector<16xf32>,
            %parallel_loop3A_168 = arith.constant 128 : i32
            %parallel_loop3A_169 = arith.muli %parallel_loop3A_119, %parallel_loop3A_168 : i32
            %parallel_loop3A_170 = arith.constant 48 : i32
            %parallel_loop3A_171 = arith.addi %parallel_loop3A_169, %parallel_loop3A_170 : i32
            %parallel_loop3A_172 = arith.index_cast %parallel_loop3A_171 : i32 to index
            %parallel_loop3A_173 = tpu.vector_load %arg7[%parallel_loop3A_172] {strides = array<i32>} : memref<51200xf32, #tpu.memory_space<vmem>>, vector<16xf32>,
            tpu.vector_store %arg7[%parallel_loop3A_172], %parallel_loop3A_167 {strides = array<i32>} : memref<51200xf32, #tpu.memory_space<vmem>>, vector<16xf32>,
            %parallel_loop3A_174 = arith.constant 64 : i32
            %parallel_loop3A_175 = vector.broadcast %parallel_loop3A_174 : i32 to vector<16xi32>
            %parallel_loop3A_176 = arith.addi %iota3A, %parallel_loop3A_175 : vector<16xi32>
            %parallel_loop3A_177 = tpu.vector_load_idx %arg5[%parallel_loop3A_133, %parallel_loop3A_176] : memref<65x128xf32, #tpu.memory_space<vmem>>[vector<16xi32>, vector<16xi32>], vector<16xf32>,
            %parallel_loop3A_178 = arith.constant 128 : i32
            %parallel_loop3A_179 = arith.muli %parallel_loop3A_119, %parallel_loop3A_178 : i32
            %parallel_loop3A_180 = arith.constant 64 : i32
            %parallel_loop3A_181 = arith.addi %parallel_loop3A_179, %parallel_loop3A_180 : i32
            %parallel_loop3A_182 = arith.index_cast %parallel_loop3A_181 : i32 to index
            %parallel_loop3A_183 = tpu.vector_load %arg7[%parallel_loop3A_182] {strides = array<i32>} : memref<51200xf32, #tpu.memory_space<vmem>>, vector<16xf32>,
            tpu.vector_store %arg7[%parallel_loop3A_182], %parallel_loop3A_177 {strides = array<i32>} : memref<51200xf32, #tpu.memory_space<vmem>>, vector<16xf32>,
            %parallel_loop3A_184 = arith.constant 80 : i32
            %parallel_loop3A_185 = vector.broadcast %parallel_loop3A_184 : i32 to vector<16xi32>
            %parallel_loop3A_186 = arith.addi %iota3A, %parallel_loop3A_185 : vector<16xi32>
            %parallel_loop3A_187 = tpu.vector_load_idx %arg5[%parallel_loop3A_133, %parallel_loop3A_186] : memref<65x128xf32, #tpu.memory_space<vmem>>[vector<16xi32>, vector<16xi32>], vector<16xf32>,
            %parallel_loop3A_188 = arith.constant 128 : i32
            %parallel_loop3A_189 = arith.muli %parallel_loop3A_119, %parallel_loop3A_188 : i32
            %parallel_loop3A_190 = arith.constant 80 : i32
            %parallel_loop3A_191 = arith.addi %parallel_loop3A_189, %parallel_loop3A_190 : i32
            %parallel_loop3A_192 = arith.index_cast %parallel_loop3A_191 : i32 to index
            %parallel_loop3A_193 = tpu.vector_load %arg7[%parallel_loop3A_192] {strides = array<i32>} : memref<51200xf32, #tpu.memory_space<vmem>>, vector<16xf32>,
            tpu.vector_store %arg7[%parallel_loop3A_192], %parallel_loop3A_187 {strides = array<i32>} : memref<51200xf32, #tpu.memory_space<vmem>>, vector<16xf32>,
            %parallel_loop3A_194 = arith.constant 96 : i32
            %parallel_loop3A_195 = vector.broadcast %parallel_loop3A_194 : i32 to vector<16xi32>
            %parallel_loop3A_196 = arith.addi %iota3A, %parallel_loop3A_195 : vector<16xi32>
            %parallel_loop3A_197 = tpu.vector_load_idx %arg5[%parallel_loop3A_133, %parallel_loop3A_196] : memref<65x128xf32, #tpu.memory_space<vmem>>[vector<16xi32>, vector<16xi32>], vector<16xf32>,
            %parallel_loop3A_198 = arith.constant 128 : i32
            %parallel_loop3A_199 = arith.muli %parallel_loop3A_119, %parallel_loop3A_198 : i32
            %parallel_loop3A_200 = arith.constant 96 : i32
            %parallel_loop3A_201 = arith.addi %parallel_loop3A_199, %parallel_loop3A_200 : i32
            %parallel_loop3A_202 = arith.index_cast %parallel_loop3A_201 : i32 to index
            %parallel_loop3A_203 = tpu.vector_load %arg7[%parallel_loop3A_202] {strides = array<i32>} : memref<51200xf32, #tpu.memory_space<vmem>>, vector<16xf32>,
            tpu.vector_store %arg7[%parallel_loop3A_202], %parallel_loop3A_197 {strides = array<i32>} : memref<51200xf32, #tpu.memory_space<vmem>>, vector<16xf32>,
            %parallel_loop3A_204 = arith.constant 112 : i32
            %parallel_loop3A_205 = vector.broadcast %parallel_loop3A_204 : i32 to vector<16xi32>
            %parallel_loop3A_206 = arith.addi %iota3A, %parallel_loop3A_205 : vector<16xi32>
            %parallel_loop3A_207 = tpu.vector_load_idx %arg5[%parallel_loop3A_133, %parallel_loop3A_206] : memref<65x128xf32, #tpu.memory_space<vmem>>[vector<16xi32>, vector<16xi32>], vector<16xf32>,
            %parallel_loop3A_208 = arith.constant 128 : i32
            %parallel_loop3A_209 = arith.muli %parallel_loop3A_119, %parallel_loop3A_208 : i32
            %parallel_loop3A_210 = arith.constant 112 : i32
            %parallel_loop3A_211 = arith.addi %parallel_loop3A_209, %parallel_loop3A_210 : i32
            %parallel_loop3A_212 = arith.index_cast %parallel_loop3A_211 : i32 to index
            %parallel_loop3A_213 = tpu.vector_load %arg7[%parallel_loop3A_212] {strides = array<i32>} : memref<51200xf32, #tpu.memory_space<vmem>>, vector<16xf32>,
            tpu.vector_store %arg7[%parallel_loop3A_212], %parallel_loop3A_207 {strides = array<i32>} : memref<51200xf32, #tpu.memory_space<vmem>>, vector<16xf32>,
          } {sc.loop_unroll_factor = 4 : i64, sc.parallel_access}
          %add3A_83 = arith.constant 96 : i32
          %add3A_84 = arith.addi %mul3A_56, %add3A_83 : i32
          %mul3A_85 = arith.constant 128 : i32
          %mul3A_86 = arith.muli %add3A_84, %mul3A_85 : i32
          %dma_start3A_87 = arith.constant 12288 : i32
          %dma_start3A_88 = tpu.memref_slice %arg7[%dma_start3A_87] : memref<51200xf32, #tpu.memory_space<vmem>> -> memref<12288xf32, #tpu.memory_space<vmem>>
          %dma_start3A_89 = tpu.memref_slice %arg4[%mul3A_86] : memref<12800000xf32, #tpu.memory_space<hbm>> -> memref<12288xf32, #tpu.memory_space<hbm>>
          %dma_start3A_90 = tpu.memref_slice %arg4[%mul3A_86] : memref<12800000xf32, #tpu.memory_space<hbm>> -> memref<12288xf32, #tpu.memory_space<hbm>>
          %dma_start3A_91 = arith.constant 12288 : i32
          %dma_start3A_92 = tpu.memref_slice %arg7[%dma_start3A_91] : memref<51200xf32, #tpu.memory_space<vmem>> -> memref<12288xf32, #tpu.memory_space<vmem>>
          tpu.enqueue_dma source(%dma_start3A_92 : memref<12288xf32, #tpu.memory_space<vmem>>) target(%dma_start3A_90 : memref<12288xf32, #tpu.memory_space<hbm>>) target_semaphore(%arg9 : memref<!tpu.dma_semaphore, #tpu.memory_space<semaphore_mem>>)
          %parallel_loop3A_93 = arith.constant 192 : i32
          %parallel_loop3A_94 = arith.constant 288 : i32
          %parallel_loop3A_95 = arith.constant 1 : i32
          scf.for %parallel_loop3A_119 = %parallel_loop3A_93 to %parallel_loop3A_94 step %parallel_loop3A_95  : i32 {
            %parallel_loop3A_120 = arith.constant 4 : i32
            %parallel_loop3A_121 = arith.shrsi %parallel_loop3A_119, %parallel_loop3A_120 : i32
            %parallel_loop3A_122 = arith.constant 4 : i32
            %parallel_loop3A_123 = arith.shli %parallel_loop3A_121, %parallel_loop3A_122 : i32
            %parallel_loop3A_124 = arith.index_cast %parallel_loop3A_123 : i32 to index
            %parallel_loop3A_125 = tpu.vector_load %arg6[%parallel_loop3A_124] {strides = array<i32>} : memref<400xi32, #tpu.memory_space<vmem>>, vector<16xi32>,
            %parallel_loop3A_126 = arith.constant 0 : i32
            %parallel_loop3A_127 = vector.broadcast %parallel_loop3A_126 : i32 to vector<16x1xi32>
            %parallel_loop3A_128 = arith.constant 15 : i32
            %parallel_loop3A_129 = arith.andi %parallel_loop3A_119, %parallel_loop3A_128 : i32
            %parallel_loop3A_130 = vector.broadcast %parallel_loop3A_129 : i32 to vector<16x1xi32>
            %parallel_loop3A_131 = arith.addi %parallel_loop3A_127, %parallel_loop3A_130 : vector<16x1xi32>
            %parallel_loop3A_132 = vector.shape_cast %parallel_loop3A_131 : vector<16x1xi32> to vector<16xi32>
            %parallel_loop3A_133 = tpu.dynamic_gather %parallel_loop3A_125[%parallel_loop3A_132] in [0] : vector<16xi32>, vector<16xi32> -> vector<16xi32>
            %parallel_loop3A_134 = arith.constant 0 : i32
            %parallel_loop3A_135 = vector.broadcast %parallel_loop3A_134 : i32 to vector<16xi32>
            %parallel_loop3A_136 = arith.addi %iota3A, %parallel_loop3A_135 : vector<16xi32>
            %parallel_loop3A_137 = tpu.vector_load_idx %arg5[%parallel_loop3A_133, %parallel_loop3A_136] : memref<65x128xf32, #tpu.memory_space<vmem>>[vector<16xi32>, vector<16xi32>], vector<16xf32>,
            %parallel_loop3A_138 = arith.constant 128 : i32
            %parallel_loop3A_139 = arith.muli %parallel_loop3A_119, %parallel_loop3A_138 : i32
            %parallel_loop3A_140 = arith.constant 0 : i32
            %parallel_loop3A_141 = arith.addi %parallel_loop3A_139, %parallel_loop3A_140 : i32
            %parallel_loop3A_142 = arith.index_cast %parallel_loop3A_141 : i32 to index
            %parallel_loop3A_143 = tpu.vector_load %arg7[%parallel_loop3A_142] {strides = array<i32>} : memref<51200xf32, #tpu.memory_space<vmem>>, vector<16xf32>,
            tpu.vector_store %arg7[%parallel_loop3A_142], %parallel_loop3A_137 {strides = array<i32>} : memref<51200xf32, #tpu.memory_space<vmem>>, vector<16xf32>,
            %parallel_loop3A_144 = arith.constant 16 : i32
            %parallel_loop3A_145 = vector.broadcast %parallel_loop3A_144 : i32 to vector<16xi32>
            %parallel_loop3A_146 = arith.addi %iota3A, %parallel_loop3A_145 : vector<16xi32>
            %parallel_loop3A_147 = tpu.vector_load_idx %arg5[%parallel_loop3A_133, %parallel_loop3A_146] : memref<65x128xf32, #tpu.memory_space<vmem>>[vector<16xi32>, vector<16xi32>], vector<16xf32>,
            %parallel_loop3A_148 = arith.constant 128 : i32
            %parallel_loop3A_149 = arith.muli %parallel_loop3A_119, %parallel_loop3A_148 : i32
            %parallel_loop3A_150 = arith.constant 16 : i32
            %parallel_loop3A_151 = arith.addi %parallel_loop3A_149, %parallel_loop3A_150 : i32
            %parallel_loop3A_152 = arith.index_cast %parallel_loop3A_151 : i32 to index
            %parallel_loop3A_153 = tpu.vector_load %arg7[%parallel_loop3A_152] {strides = array<i32>} : memref<51200xf32, #tpu.memory_space<vmem>>, vector<16xf32>,
            tpu.vector_store %arg7[%parallel_loop3A_152], %parallel_loop3A_147 {strides = array<i32>} : memref<51200xf32, #tpu.memory_space<vmem>>, vector<16xf32>,
            %parallel_loop3A_154 = arith.constant 32 : i32
            %parallel_loop3A_155 = vector.broadcast %parallel_loop3A_154 : i32 to vector<16xi32>
            %parallel_loop3A_156 = arith.addi %iota3A, %parallel_loop3A_155 : vector<16xi32>
            %parallel_loop3A_157 = tpu.vector_load_idx %arg5[%parallel_loop3A_133, %parallel_loop3A_156] : memref<65x128xf32, #tpu.memory_space<vmem>>[vector<16xi32>, vector<16xi32>], vector<16xf32>,
            %parallel_loop3A_158 = arith.constant 128 : i32
            %parallel_loop3A_159 = arith.muli %parallel_loop3A_119, %parallel_loop3A_158 : i32
            %parallel_loop3A_160 = arith.constant 32 : i32
            %parallel_loop3A_161 = arith.addi %parallel_loop3A_159, %parallel_loop3A_160 : i32
            %parallel_loop3A_162 = arith.index_cast %parallel_loop3A_161 : i32 to index
            %parallel_loop3A_163 = tpu.vector_load %arg7[%parallel_loop3A_162] {strides = array<i32>} : memref<51200xf32, #tpu.memory_space<vmem>>, vector<16xf32>,
            tpu.vector_store %arg7[%parallel_loop3A_162], %parallel_loop3A_157 {strides = array<i32>} : memref<51200xf32, #tpu.memory_space<vmem>>, vector<16xf32>,
            %parallel_loop3A_164 = arith.constant 48 : i32
            %parallel_loop3A_165 = vector.broadcast %parallel_loop3A_164 : i32 to vector<16xi32>
            %parallel_loop3A_166 = arith.addi %iota3A, %parallel_loop3A_165 : vector<16xi32>
            %parallel_loop3A_167 = tpu.vector_load_idx %arg5[%parallel_loop3A_133, %parallel_loop3A_166] : memref<65x128xf32, #tpu.memory_space<vmem>>[vector<16xi32>, vector<16xi32>], vector<16xf32>,
            %parallel_loop3A_168 = arith.constant 128 : i32
            %parallel_loop3A_169 = arith.muli %parallel_loop3A_119, %parallel_loop3A_168 : i32
            %parallel_loop3A_170 = arith.constant 48 : i32
            %parallel_loop3A_171 = arith.addi %parallel_loop3A_169, %parallel_loop3A_170 : i32
            %parallel_loop3A_172 = arith.index_cast %parallel_loop3A_171 : i32 to index
            %parallel_loop3A_173 = tpu.vector_load %arg7[%parallel_loop3A_172] {strides = array<i32>} : memref<51200xf32, #tpu.memory_space<vmem>>, vector<16xf32>,
            tpu.vector_store %arg7[%parallel_loop3A_172], %parallel_loop3A_167 {strides = array<i32>} : memref<51200xf32, #tpu.memory_space<vmem>>, vector<16xf32>,
            %parallel_loop3A_174 = arith.constant 64 : i32
            %parallel_loop3A_175 = vector.broadcast %parallel_loop3A_174 : i32 to vector<16xi32>
            %parallel_loop3A_176 = arith.addi %iota3A, %parallel_loop3A_175 : vector<16xi32>
            %parallel_loop3A_177 = tpu.vector_load_idx %arg5[%parallel_loop3A_133, %parallel_loop3A_176] : memref<65x128xf32, #tpu.memory_space<vmem>>[vector<16xi32>, vector<16xi32>], vector<16xf32>,
            %parallel_loop3A_178 = arith.constant 128 : i32
            %parallel_loop3A_179 = arith.muli %parallel_loop3A_119, %parallel_loop3A_178 : i32
            %parallel_loop3A_180 = arith.constant 64 : i32
            %parallel_loop3A_181 = arith.addi %parallel_loop3A_179, %parallel_loop3A_180 : i32
            %parallel_loop3A_182 = arith.index_cast %parallel_loop3A_181 : i32 to index
            %parallel_loop3A_183 = tpu.vector_load %arg7[%parallel_loop3A_182] {strides = array<i32>} : memref<51200xf32, #tpu.memory_space<vmem>>, vector<16xf32>,
            tpu.vector_store %arg7[%parallel_loop3A_182], %parallel_loop3A_177 {strides = array<i32>} : memref<51200xf32, #tpu.memory_space<vmem>>, vector<16xf32>,
            %parallel_loop3A_184 = arith.constant 80 : i32
            %parallel_loop3A_185 = vector.broadcast %parallel_loop3A_184 : i32 to vector<16xi32>
            %parallel_loop3A_186 = arith.addi %iota3A, %parallel_loop3A_185 : vector<16xi32>
            %parallel_loop3A_187 = tpu.vector_load_idx %arg5[%parallel_loop3A_133, %parallel_loop3A_186] : memref<65x128xf32, #tpu.memory_space<vmem>>[vector<16xi32>, vector<16xi32>], vector<16xf32>,
            %parallel_loop3A_188 = arith.constant 128 : i32
            %parallel_loop3A_189 = arith.muli %parallel_loop3A_119, %parallel_loop3A_188 : i32
            %parallel_loop3A_190 = arith.constant 80 : i32
            %parallel_loop3A_191 = arith.addi %parallel_loop3A_189, %parallel_loop3A_190 : i32
            %parallel_loop3A_192 = arith.index_cast %parallel_loop3A_191 : i32 to index
            %parallel_loop3A_193 = tpu.vector_load %arg7[%parallel_loop3A_192] {strides = array<i32>} : memref<51200xf32, #tpu.memory_space<vmem>>, vector<16xf32>,
            tpu.vector_store %arg7[%parallel_loop3A_192], %parallel_loop3A_187 {strides = array<i32>} : memref<51200xf32, #tpu.memory_space<vmem>>, vector<16xf32>,
            %parallel_loop3A_194 = arith.constant 96 : i32
            %parallel_loop3A_195 = vector.broadcast %parallel_loop3A_194 : i32 to vector<16xi32>
            %parallel_loop3A_196 = arith.addi %iota3A, %parallel_loop3A_195 : vector<16xi32>
            %parallel_loop3A_197 = tpu.vector_load_idx %arg5[%parallel_loop3A_133, %parallel_loop3A_196] : memref<65x128xf32, #tpu.memory_space<vmem>>[vector<16xi32>, vector<16xi32>], vector<16xf32>,
            %parallel_loop3A_198 = arith.constant 128 : i32
            %parallel_loop3A_199 = arith.muli %parallel_loop3A_119, %parallel_loop3A_198 : i32
            %parallel_loop3A_200 = arith.constant 96 : i32
            %parallel_loop3A_201 = arith.addi %parallel_loop3A_199, %parallel_loop3A_200 : i32
            %parallel_loop3A_202 = arith.index_cast %parallel_loop3A_201 : i32 to index
            %parallel_loop3A_203 = tpu.vector_load %arg7[%parallel_loop3A_202] {strides = array<i32>} : memref<51200xf32, #tpu.memory_space<vmem>>, vector<16xf32>,
            tpu.vector_store %arg7[%parallel_loop3A_202], %parallel_loop3A_197 {strides = array<i32>} : memref<51200xf32, #tpu.memory_space<vmem>>, vector<16xf32>,
            %parallel_loop3A_204 = arith.constant 112 : i32
            %parallel_loop3A_205 = vector.broadcast %parallel_loop3A_204 : i32 to vector<16xi32>
            %parallel_loop3A_206 = arith.addi %iota3A, %parallel_loop3A_205 : vector<16xi32>
            %parallel_loop3A_207 = tpu.vector_load_idx %arg5[%parallel_loop3A_133, %parallel_loop3A_206] : memref<65x128xf32, #tpu.memory_space<vmem>>[vector<16xi32>, vector<16xi32>], vector<16xf32>,
            %parallel_loop3A_208 = arith.constant 128 : i32
            %parallel_loop3A_209 = arith.muli %parallel_loop3A_119, %parallel_loop3A_208 : i32
            %parallel_loop3A_210 = arith.constant 112 : i32
            %parallel_loop3A_211 = arith.addi %parallel_loop3A_209, %parallel_loop3A_210 : i32
            %parallel_loop3A_212 = arith.index_cast %parallel_loop3A_211 : i32 to index
            %parallel_loop3A_213 = tpu.vector_load %arg7[%parallel_loop3A_212] {strides = array<i32>} : memref<51200xf32, #tpu.memory_space<vmem>>, vector<16xf32>,
            tpu.vector_store %arg7[%parallel_loop3A_212], %parallel_loop3A_207 {strides = array<i32>} : memref<51200xf32, #tpu.memory_space<vmem>>, vector<16xf32>,
          } {sc.loop_unroll_factor = 4 : i64, sc.parallel_access}
          %add3A_96 = arith.constant 192 : i32
          %add3A_97 = arith.addi %mul3A_56, %add3A_96 : i32
          %mul3A_98 = arith.constant 128 : i32
          %mul3A_99 = arith.muli %add3A_97, %mul3A_98 : i32
          %dma_start3A_100 = arith.constant 24576 : i32
          %dma_start3A_101 = tpu.memref_slice %arg7[%dma_start3A_100] : memref<51200xf32, #tpu.memory_space<vmem>> -> memref<12288xf32, #tpu.memory_space<vmem>>
          %dma_start3A_102 = tpu.memref_slice %arg4[%mul3A_99] : memref<12800000xf32, #tpu.memory_space<hbm>> -> memref<12288xf32, #tpu.memory_space<hbm>>
          %dma_start3A_103 = tpu.memref_slice %arg4[%mul3A_99] : memref<12800000xf32, #tpu.memory_space<hbm>> -> memref<12288xf32, #tpu.memory_space<hbm>>
          %dma_start3A_104 = arith.constant 24576 : i32
          %dma_start3A_105 = tpu.memref_slice %arg7[%dma_start3A_104] : memref<51200xf32, #tpu.memory_space<vmem>> -> memref<12288xf32, #tpu.memory_space<vmem>>
          tpu.enqueue_dma source(%dma_start3A_105 : memref<12288xf32, #tpu.memory_space<vmem>>) target(%dma_start3A_103 : memref<12288xf32, #tpu.memory_space<hbm>>) target_semaphore(%arg9 : memref<!tpu.dma_semaphore, #tpu.memory_space<semaphore_mem>>)
          %parallel_loop3A_106 = arith.constant 288 : i32
          %parallel_loop3A_107 = arith.constant 400 : i32
          %parallel_loop3A_108 = arith.constant 1 : i32
          scf.for %parallel_loop3A_119 = %parallel_loop3A_106 to %parallel_loop3A_107 step %parallel_loop3A_108  : i32 {
            %parallel_loop3A_120 = arith.constant 4 : i32
            %parallel_loop3A_121 = arith.shrsi %parallel_loop3A_119, %parallel_loop3A_120 : i32
            %parallel_loop3A_122 = arith.constant 4 : i32
            %parallel_loop3A_123 = arith.shli %parallel_loop3A_121, %parallel_loop3A_122 : i32
            %parallel_loop3A_124 = arith.index_cast %parallel_loop3A_123 : i32 to index
            %parallel_loop3A_125 = tpu.vector_load %arg6[%parallel_loop3A_124] {strides = array<i32>} : memref<400xi32, #tpu.memory_space<vmem>>, vector<16xi32>,
            %parallel_loop3A_126 = arith.constant 0 : i32
            %parallel_loop3A_127 = vector.broadcast %parallel_loop3A_126 : i32 to vector<16x1xi32>
            %parallel_loop3A_128 = arith.constant 15 : i32
            %parallel_loop3A_129 = arith.andi %parallel_loop3A_119, %parallel_loop3A_128 : i32
            %parallel_loop3A_130 = vector.broadcast %parallel_loop3A_129 : i32 to vector<16x1xi32>
            %parallel_loop3A_131 = arith.addi %parallel_loop3A_127, %parallel_loop3A_130 : vector<16x1xi32>
            %parallel_loop3A_132 = vector.shape_cast %parallel_loop3A_131 : vector<16x1xi32> to vector<16xi32>
            %parallel_loop3A_133 = tpu.dynamic_gather %parallel_loop3A_125[%parallel_loop3A_132] in [0] : vector<16xi32>, vector<16xi32> -> vector<16xi32>
            %parallel_loop3A_134 = arith.constant 0 : i32
            %parallel_loop3A_135 = vector.broadcast %parallel_loop3A_134 : i32 to vector<16xi32>
            %parallel_loop3A_136 = arith.addi %iota3A, %parallel_loop3A_135 : vector<16xi32>
            %parallel_loop3A_137 = tpu.vector_load_idx %arg5[%parallel_loop3A_133, %parallel_loop3A_136] : memref<65x128xf32, #tpu.memory_space<vmem>>[vector<16xi32>, vector<16xi32>], vector<16xf32>,
            %parallel_loop3A_138 = arith.constant 128 : i32
            %parallel_loop3A_139 = arith.muli %parallel_loop3A_119, %parallel_loop3A_138 : i32
            %parallel_loop3A_140 = arith.constant 0 : i32
            %parallel_loop3A_141 = arith.addi %parallel_loop3A_139, %parallel_loop3A_140 : i32
            %parallel_loop3A_142 = arith.index_cast %parallel_loop3A_141 : i32 to index
            %parallel_loop3A_143 = tpu.vector_load %arg7[%parallel_loop3A_142] {strides = array<i32>} : memref<51200xf32, #tpu.memory_space<vmem>>, vector<16xf32>,
            tpu.vector_store %arg7[%parallel_loop3A_142], %parallel_loop3A_137 {strides = array<i32>} : memref<51200xf32, #tpu.memory_space<vmem>>, vector<16xf32>,
            %parallel_loop3A_144 = arith.constant 16 : i32
            %parallel_loop3A_145 = vector.broadcast %parallel_loop3A_144 : i32 to vector<16xi32>
            %parallel_loop3A_146 = arith.addi %iota3A, %parallel_loop3A_145 : vector<16xi32>
            %parallel_loop3A_147 = tpu.vector_load_idx %arg5[%parallel_loop3A_133, %parallel_loop3A_146] : memref<65x128xf32, #tpu.memory_space<vmem>>[vector<16xi32>, vector<16xi32>], vector<16xf32>,
            %parallel_loop3A_148 = arith.constant 128 : i32
            %parallel_loop3A_149 = arith.muli %parallel_loop3A_119, %parallel_loop3A_148 : i32
            %parallel_loop3A_150 = arith.constant 16 : i32
            %parallel_loop3A_151 = arith.addi %parallel_loop3A_149, %parallel_loop3A_150 : i32
            %parallel_loop3A_152 = arith.index_cast %parallel_loop3A_151 : i32 to index
            %parallel_loop3A_153 = tpu.vector_load %arg7[%parallel_loop3A_152] {strides = array<i32>} : memref<51200xf32, #tpu.memory_space<vmem>>, vector<16xf32>,
            tpu.vector_store %arg7[%parallel_loop3A_152], %parallel_loop3A_147 {strides = array<i32>} : memref<51200xf32, #tpu.memory_space<vmem>>, vector<16xf32>,
            %parallel_loop3A_154 = arith.constant 32 : i32
            %parallel_loop3A_155 = vector.broadcast %parallel_loop3A_154 : i32 to vector<16xi32>
            %parallel_loop3A_156 = arith.addi %iota3A, %parallel_loop3A_155 : vector<16xi32>
            %parallel_loop3A_157 = tpu.vector_load_idx %arg5[%parallel_loop3A_133, %parallel_loop3A_156] : memref<65x128xf32, #tpu.memory_space<vmem>>[vector<16xi32>, vector<16xi32>], vector<16xf32>,
            %parallel_loop3A_158 = arith.constant 128 : i32
            %parallel_loop3A_159 = arith.muli %parallel_loop3A_119, %parallel_loop3A_158 : i32
            %parallel_loop3A_160 = arith.constant 32 : i32
            %parallel_loop3A_161 = arith.addi %parallel_loop3A_159, %parallel_loop3A_160 : i32
            %parallel_loop3A_162 = arith.index_cast %parallel_loop3A_161 : i32 to index
            %parallel_loop3A_163 = tpu.vector_load %arg7[%parallel_loop3A_162] {strides = array<i32>} : memref<51200xf32, #tpu.memory_space<vmem>>, vector<16xf32>,
            tpu.vector_store %arg7[%parallel_loop3A_162], %parallel_loop3A_157 {strides = array<i32>} : memref<51200xf32, #tpu.memory_space<vmem>>, vector<16xf32>,
            %parallel_loop3A_164 = arith.constant 48 : i32
            %parallel_loop3A_165 = vector.broadcast %parallel_loop3A_164 : i32 to vector<16xi32>
            %parallel_loop3A_166 = arith.addi %iota3A, %parallel_loop3A_165 : vector<16xi32>
            %parallel_loop3A_167 = tpu.vector_load_idx %arg5[%parallel_loop3A_133, %parallel_loop3A_166] : memref<65x128xf32, #tpu.memory_space<vmem>>[vector<16xi32>, vector<16xi32>], vector<16xf32>,
            %parallel_loop3A_168 = arith.constant 128 : i32
            %parallel_loop3A_169 = arith.muli %parallel_loop3A_119, %parallel_loop3A_168 : i32
            %parallel_loop3A_170 = arith.constant 48 : i32
            %parallel_loop3A_171 = arith.addi %parallel_loop3A_169, %parallel_loop3A_170 : i32
            %parallel_loop3A_172 = arith.index_cast %parallel_loop3A_171 : i32 to index
            %parallel_loop3A_173 = tpu.vector_load %arg7[%parallel_loop3A_172] {strides = array<i32>} : memref<51200xf32, #tpu.memory_space<vmem>>, vector<16xf32>,
            tpu.vector_store %arg7[%parallel_loop3A_172], %parallel_loop3A_167 {strides = array<i32>} : memref<51200xf32, #tpu.memory_space<vmem>>, vector<16xf32>,
            %parallel_loop3A_174 = arith.constant 64 : i32
            %parallel_loop3A_175 = vector.broadcast %parallel_loop3A_174 : i32 to vector<16xi32>
            %parallel_loop3A_176 = arith.addi %iota3A, %parallel_loop3A_175 : vector<16xi32>
            %parallel_loop3A_177 = tpu.vector_load_idx %arg5[%parallel_loop3A_133, %parallel_loop3A_176] : memref<65x128xf32, #tpu.memory_space<vmem>>[vector<16xi32>, vector<16xi32>], vector<16xf32>,
            %parallel_loop3A_178 = arith.constant 128 : i32
            %parallel_loop3A_179 = arith.muli %parallel_loop3A_119, %parallel_loop3A_178 : i32
            %parallel_loop3A_180 = arith.constant 64 : i32
            %parallel_loop3A_181 = arith.addi %parallel_loop3A_179, %parallel_loop3A_180 : i32
            %parallel_loop3A_182 = arith.index_cast %parallel_loop3A_181 : i32 to index
            %parallel_loop3A_183 = tpu.vector_load %arg7[%parallel_loop3A_182] {strides = array<i32>} : memref<51200xf32, #tpu.memory_space<vmem>>, vector<16xf32>,
            tpu.vector_store %arg7[%parallel_loop3A_182], %parallel_loop3A_177 {strides = array<i32>} : memref<51200xf32, #tpu.memory_space<vmem>>, vector<16xf32>,
            %parallel_loop3A_184 = arith.constant 80 : i32
            %parallel_loop3A_185 = vector.broadcast %parallel_loop3A_184 : i32 to vector<16xi32>
            %parallel_loop3A_186 = arith.addi %iota3A, %parallel_loop3A_185 : vector<16xi32>
            %parallel_loop3A_187 = tpu.vector_load_idx %arg5[%parallel_loop3A_133, %parallel_loop3A_186] : memref<65x128xf32, #tpu.memory_space<vmem>>[vector<16xi32>, vector<16xi32>], vector<16xf32>,
            %parallel_loop3A_188 = arith.constant 128 : i32
            %parallel_loop3A_189 = arith.muli %parallel_loop3A_119, %parallel_loop3A_188 : i32
            %parallel_loop3A_190 = arith.constant 80 : i32
            %parallel_loop3A_191 = arith.addi %parallel_loop3A_189, %parallel_loop3A_190 : i32
            %parallel_loop3A_192 = arith.index_cast %parallel_loop3A_191 : i32 to index
            %parallel_loop3A_193 = tpu.vector_load %arg7[%parallel_loop3A_192] {strides = array<i32>} : memref<51200xf32, #tpu.memory_space<vmem>>, vector<16xf32>,
            tpu.vector_store %arg7[%parallel_loop3A_192], %parallel_loop3A_187 {strides = array<i32>} : memref<51200xf32, #tpu.memory_space<vmem>>, vector<16xf32>,
            %parallel_loop3A_194 = arith.constant 96 : i32
            %parallel_loop3A_195 = vector.broadcast %parallel_loop3A_194 : i32 to vector<16xi32>
            %parallel_loop3A_196 = arith.addi %iota3A, %parallel_loop3A_195 : vector<16xi32>
            %parallel_loop3A_197 = tpu.vector_load_idx %arg5[%parallel_loop3A_133, %parallel_loop3A_196] : memref<65x128xf32, #tpu.memory_space<vmem>>[vector<16xi32>, vector<16xi32>], vector<16xf32>,
            %parallel_loop3A_198 = arith.constant 128 : i32
            %parallel_loop3A_199 = arith.muli %parallel_loop3A_119, %parallel_loop3A_198 : i32
            %parallel_loop3A_200 = arith.constant 96 : i32
            %parallel_loop3A_201 = arith.addi %parallel_loop3A_199, %parallel_loop3A_200 : i32
            %parallel_loop3A_202 = arith.index_cast %parallel_loop3A_201 : i32 to index
            %parallel_loop3A_203 = tpu.vector_load %arg7[%parallel_loop3A_202] {strides = array<i32>} : memref<51200xf32, #tpu.memory_space<vmem>>, vector<16xf32>,
            tpu.vector_store %arg7[%parallel_loop3A_202], %parallel_loop3A_197 {strides = array<i32>} : memref<51200xf32, #tpu.memory_space<vmem>>, vector<16xf32>,
            %parallel_loop3A_204 = arith.constant 112 : i32
            %parallel_loop3A_205 = vector.broadcast %parallel_loop3A_204 : i32 to vector<16xi32>
            %parallel_loop3A_206 = arith.addi %iota3A, %parallel_loop3A_205 : vector<16xi32>
            %parallel_loop3A_207 = tpu.vector_load_idx %arg5[%parallel_loop3A_133, %parallel_loop3A_206] : memref<65x128xf32, #tpu.memory_space<vmem>>[vector<16xi32>, vector<16xi32>], vector<16xf32>,
            %parallel_loop3A_208 = arith.constant 128 : i32
            %parallel_loop3A_209 = arith.muli %parallel_loop3A_119, %parallel_loop3A_208 : i32
            %parallel_loop3A_210 = arith.constant 112 : i32
            %parallel_loop3A_211 = arith.addi %parallel_loop3A_209, %parallel_loop3A_210 : i32
            %parallel_loop3A_212 = arith.index_cast %parallel_loop3A_211 : i32 to index
            %parallel_loop3A_213 = tpu.vector_load %arg7[%parallel_loop3A_212] {strides = array<i32>} : memref<51200xf32, #tpu.memory_space<vmem>>, vector<16xf32>,
            tpu.vector_store %arg7[%parallel_loop3A_212], %parallel_loop3A_207 {strides = array<i32>} : memref<51200xf32, #tpu.memory_space<vmem>>, vector<16xf32>,
          } {sc.loop_unroll_factor = 4 : i64, sc.parallel_access}
          %add3A_109 = arith.constant 288 : i32
          %add3A_110 = arith.addi %mul3A_56, %add3A_109 : i32
          %mul3A_111 = arith.constant 128 : i32
          %mul3A_112 = arith.muli %add3A_110, %mul3A_111 : i32
          %dma_start3A_113 = arith.constant 36864 : i32
          %dma_start3A_114 = tpu.memref_slice %arg7[%dma_start3A_113] : memref<51200xf32, #tpu.memory_space<vmem>> -> memref<14336xf32, #tpu.memory_space<vmem>>
          %dma_start3A_115 = tpu.memref_slice %arg4[%mul3A_112] : memref<12800000xf32, #tpu.memory_space<hbm>> -> memref<14336xf32, #tpu.memory_space<hbm>>
          %dma_start3A_116 = tpu.memref_slice %arg4[%mul3A_112] : memref<12800000xf32, #tpu.memory_space<hbm>> -> memref<14336xf32, #tpu.memory_space<hbm>>
          %dma_start3A_117 = arith.constant 36864 : i32
          %dma_start3A_118 = tpu.memref_slice %arg7[%dma_start3A_117] : memref<51200xf32, #tpu.memory_space<vmem>> -> memref<14336xf32, #tpu.memory_space<vmem>>
          tpu.enqueue_dma source(%dma_start3A_118 : memref<14336xf32, #tpu.memory_space<vmem>>) target(%dma_start3A_116 : memref<14336xf32, #tpu.memory_space<hbm>>) target_semaphore(%arg9 : memref<!tpu.dma_semaphore, #tpu.memory_space<semaphore_mem>>)
        } else {
        }
        %gt3A = arith.constant 0 : i32
        %gt3A_65 = arith.cmpi sgt, %add3A_41, %gt3A : i32
        %convert_element_type3A_66 = arith.extui %gt3A_65 : i1 to i32
        %cond3A_67 = arith.constant 0 : i32
        %cond3A_68 = arith.cmpi ne, %convert_element_type3A_66, %cond3A_67 : i32
        scf.if %cond3A_68 {
          %parallel_loop3A = arith.constant 0 : i32
          %parallel_loop3A_69 = arith.constant 400 : i32
          %parallel_loop3A_70 = arith.constant 1 : i32
          scf.for %parallel_loop3A_74 = %parallel_loop3A to %parallel_loop3A_69 step %parallel_loop3A_70  : i32 {
            %parallel_loop3A_75 = arith.constant 4 : i32
            %parallel_loop3A_76 = arith.shrsi %parallel_loop3A_74, %parallel_loop3A_75 : i32
            %parallel_loop3A_77 = arith.constant 4 : i32
            %parallel_loop3A_78 = arith.shli %parallel_loop3A_76, %parallel_loop3A_77 : i32
            %parallel_loop3A_79 = arith.index_cast %parallel_loop3A_78 : i32 to index
            %parallel_loop3A_80 = tpu.vector_load %arg6[%parallel_loop3A_79] {strides = array<i32>} : memref<400xi32, #tpu.memory_space<vmem>>, vector<16xi32>,
            %parallel_loop3A_81 = arith.constant 0 : i32
            %parallel_loop3A_82 = vector.broadcast %parallel_loop3A_81 : i32 to vector<16x1xi32>
            %parallel_loop3A_83 = arith.constant 15 : i32
            %parallel_loop3A_84 = arith.andi %parallel_loop3A_74, %parallel_loop3A_83 : i32
            %parallel_loop3A_85 = vector.broadcast %parallel_loop3A_84 : i32 to vector<16x1xi32>
            %parallel_loop3A_86 = arith.addi %parallel_loop3A_82, %parallel_loop3A_85 : vector<16x1xi32>
            %parallel_loop3A_87 = vector.shape_cast %parallel_loop3A_86 : vector<16x1xi32> to vector<16xi32>
            %parallel_loop3A_88 = tpu.dynamic_gather %parallel_loop3A_80[%parallel_loop3A_87] in [0] : vector<16xi32>, vector<16xi32> -> vector<16xi32>
            %parallel_loop3A_89 = arith.constant 0 : i32
            %parallel_loop3A_90 = vector.broadcast %parallel_loop3A_89 : i32 to vector<16xi32>
            %parallel_loop3A_91 = arith.addi %iota3A, %parallel_loop3A_90 : vector<16xi32>
            %parallel_loop3A_92 = tpu.vector_load_idx %arg5[%parallel_loop3A_88, %parallel_loop3A_91] : memref<65x128xf32, #tpu.memory_space<vmem>>[vector<16xi32>, vector<16xi32>], vector<16xf32>,
            %parallel_loop3A_93 = arith.constant 128 : i32
            %parallel_loop3A_94 = arith.muli %parallel_loop3A_74, %parallel_loop3A_93 : i32
            %parallel_loop3A_95 = arith.constant 0 : i32
            %parallel_loop3A_96 = arith.addi %parallel_loop3A_94, %parallel_loop3A_95 : i32
            %parallel_loop3A_97 = arith.index_cast %parallel_loop3A_96 : i32 to index
            %parallel_loop3A_98 = tpu.vector_load %arg7[%parallel_loop3A_97] {strides = array<i32>} : memref<51200xf32, #tpu.memory_space<vmem>>, vector<16xf32>,
            tpu.vector_store %arg7[%parallel_loop3A_97], %parallel_loop3A_92 {strides = array<i32>} : memref<51200xf32, #tpu.memory_space<vmem>>, vector<16xf32>,
            %parallel_loop3A_99 = arith.constant 16 : i32
            %parallel_loop3A_100 = vector.broadcast %parallel_loop3A_99 : i32 to vector<16xi32>
            %parallel_loop3A_101 = arith.addi %iota3A, %parallel_loop3A_100 : vector<16xi32>
            %parallel_loop3A_102 = tpu.vector_load_idx %arg5[%parallel_loop3A_88, %parallel_loop3A_101] : memref<65x128xf32, #tpu.memory_space<vmem>>[vector<16xi32>, vector<16xi32>], vector<16xf32>,
            %parallel_loop3A_103 = arith.constant 128 : i32
            %parallel_loop3A_104 = arith.muli %parallel_loop3A_74, %parallel_loop3A_103 : i32
            %parallel_loop3A_105 = arith.constant 16 : i32
            %parallel_loop3A_106 = arith.addi %parallel_loop3A_104, %parallel_loop3A_105 : i32
            %parallel_loop3A_107 = arith.index_cast %parallel_loop3A_106 : i32 to index
            %parallel_loop3A_108 = tpu.vector_load %arg7[%parallel_loop3A_107] {strides = array<i32>} : memref<51200xf32, #tpu.memory_space<vmem>>, vector<16xf32>,
            tpu.vector_store %arg7[%parallel_loop3A_107], %parallel_loop3A_102 {strides = array<i32>} : memref<51200xf32, #tpu.memory_space<vmem>>, vector<16xf32>,
            %parallel_loop3A_109 = arith.constant 32 : i32
            %parallel_loop3A_110 = vector.broadcast %parallel_loop3A_109 : i32 to vector<16xi32>
            %parallel_loop3A_111 = arith.addi %iota3A, %parallel_loop3A_110 : vector<16xi32>
            %parallel_loop3A_112 = tpu.vector_load_idx %arg5[%parallel_loop3A_88, %parallel_loop3A_111] : memref<65x128xf32, #tpu.memory_space<vmem>>[vector<16xi32>, vector<16xi32>], vector<16xf32>,
            %parallel_loop3A_113 = arith.constant 128 : i32
            %parallel_loop3A_114 = arith.muli %parallel_loop3A_74, %parallel_loop3A_113 : i32
            %parallel_loop3A_115 = arith.constant 32 : i32
            %parallel_loop3A_116 = arith.addi %parallel_loop3A_114, %parallel_loop3A_115 : i32
            %parallel_loop3A_117 = arith.index_cast %parallel_loop3A_116 : i32 to index
            %parallel_loop3A_118 = tpu.vector_load %arg7[%parallel_loop3A_117] {strides = array<i32>} : memref<51200xf32, #tpu.memory_space<vmem>>, vector<16xf32>,
            tpu.vector_store %arg7[%parallel_loop3A_117], %parallel_loop3A_112 {strides = array<i32>} : memref<51200xf32, #tpu.memory_space<vmem>>, vector<16xf32>,
            %parallel_loop3A_119 = arith.constant 48 : i32
            %parallel_loop3A_120 = vector.broadcast %parallel_loop3A_119 : i32 to vector<16xi32>
            %parallel_loop3A_121 = arith.addi %iota3A, %parallel_loop3A_120 : vector<16xi32>
            %parallel_loop3A_122 = tpu.vector_load_idx %arg5[%parallel_loop3A_88, %parallel_loop3A_121] : memref<65x128xf32, #tpu.memory_space<vmem>>[vector<16xi32>, vector<16xi32>], vector<16xf32>,
            %parallel_loop3A_123 = arith.constant 128 : i32
            %parallel_loop3A_124 = arith.muli %parallel_loop3A_74, %parallel_loop3A_123 : i32
            %parallel_loop3A_125 = arith.constant 48 : i32
            %parallel_loop3A_126 = arith.addi %parallel_loop3A_124, %parallel_loop3A_125 : i32
            %parallel_loop3A_127 = arith.index_cast %parallel_loop3A_126 : i32 to index
            %parallel_loop3A_128 = tpu.vector_load %arg7[%parallel_loop3A_127] {strides = array<i32>} : memref<51200xf32, #tpu.memory_space<vmem>>, vector<16xf32>,
            tpu.vector_store %arg7[%parallel_loop3A_127], %parallel_loop3A_122 {strides = array<i32>} : memref<51200xf32, #tpu.memory_space<vmem>>, vector<16xf32>,
            %parallel_loop3A_129 = arith.constant 64 : i32
            %parallel_loop3A_130 = vector.broadcast %parallel_loop3A_129 : i32 to vector<16xi32>
            %parallel_loop3A_131 = arith.addi %iota3A, %parallel_loop3A_130 : vector<16xi32>
            %parallel_loop3A_132 = tpu.vector_load_idx %arg5[%parallel_loop3A_88, %parallel_loop3A_131] : memref<65x128xf32, #tpu.memory_space<vmem>>[vector<16xi32>, vector<16xi32>], vector<16xf32>,
            %parallel_loop3A_133 = arith.constant 128 : i32
            %parallel_loop3A_134 = arith.muli %parallel_loop3A_74, %parallel_loop3A_133 : i32
            %parallel_loop3A_135 = arith.constant 64 : i32
            %parallel_loop3A_136 = arith.addi %parallel_loop3A_134, %parallel_loop3A_135 : i32
            %parallel_loop3A_137 = arith.index_cast %parallel_loop3A_136 : i32 to index
            %parallel_loop3A_138 = tpu.vector_load %arg7[%parallel_loop3A_137] {strides = array<i32>} : memref<51200xf32, #tpu.memory_space<vmem>>, vector<16xf32>,
            tpu.vector_store %arg7[%parallel_loop3A_137], %parallel_loop3A_132 {strides = array<i32>} : memref<51200xf32, #tpu.memory_space<vmem>>, vector<16xf32>,
            %parallel_loop3A_139 = arith.constant 80 : i32
            %parallel_loop3A_140 = vector.broadcast %parallel_loop3A_139 : i32 to vector<16xi32>
            %parallel_loop3A_141 = arith.addi %iota3A, %parallel_loop3A_140 : vector<16xi32>
            %parallel_loop3A_142 = tpu.vector_load_idx %arg5[%parallel_loop3A_88, %parallel_loop3A_141] : memref<65x128xf32, #tpu.memory_space<vmem>>[vector<16xi32>, vector<16xi32>], vector<16xf32>,
            %parallel_loop3A_143 = arith.constant 128 : i32
            %parallel_loop3A_144 = arith.muli %parallel_loop3A_74, %parallel_loop3A_143 : i32
            %parallel_loop3A_145 = arith.constant 80 : i32
            %parallel_loop3A_146 = arith.addi %parallel_loop3A_144, %parallel_loop3A_145 : i32
            %parallel_loop3A_147 = arith.index_cast %parallel_loop3A_146 : i32 to index
            %parallel_loop3A_148 = tpu.vector_load %arg7[%parallel_loop3A_147] {strides = array<i32>} : memref<51200xf32, #tpu.memory_space<vmem>>, vector<16xf32>,
            tpu.vector_store %arg7[%parallel_loop3A_147], %parallel_loop3A_142 {strides = array<i32>} : memref<51200xf32, #tpu.memory_space<vmem>>, vector<16xf32>,
            %parallel_loop3A_149 = arith.constant 96 : i32
            %parallel_loop3A_150 = vector.broadcast %parallel_loop3A_149 : i32 to vector<16xi32>
            %parallel_loop3A_151 = arith.addi %iota3A, %parallel_loop3A_150 : vector<16xi32>
            %parallel_loop3A_152 = tpu.vector_load_idx %arg5[%parallel_loop3A_88, %parallel_loop3A_151] : memref<65x128xf32, #tpu.memory_space<vmem>>[vector<16xi32>, vector<16xi32>], vector<16xf32>,
            %parallel_loop3A_153 = arith.constant 128 : i32
            %parallel_loop3A_154 = arith.muli %parallel_loop3A_74, %parallel_loop3A_153 : i32
            %parallel_loop3A_155 = arith.constant 96 : i32
            %parallel_loop3A_156 = arith.addi %parallel_loop3A_154, %parallel_loop3A_155 : i32
            %parallel_loop3A_157 = arith.index_cast %parallel_loop3A_156 : i32 to index
            %parallel_loop3A_158 = tpu.vector_load %arg7[%parallel_loop3A_157] {strides = array<i32>} : memref<51200xf32, #tpu.memory_space<vmem>>, vector<16xf32>,
            tpu.vector_store %arg7[%parallel_loop3A_157], %parallel_loop3A_152 {strides = array<i32>} : memref<51200xf32, #tpu.memory_space<vmem>>, vector<16xf32>,
            %parallel_loop3A_159 = arith.constant 112 : i32
            %parallel_loop3A_160 = vector.broadcast %parallel_loop3A_159 : i32 to vector<16xi32>
            %parallel_loop3A_161 = arith.addi %iota3A, %parallel_loop3A_160 : vector<16xi32>
            %parallel_loop3A_162 = tpu.vector_load_idx %arg5[%parallel_loop3A_88, %parallel_loop3A_161] : memref<65x128xf32, #tpu.memory_space<vmem>>[vector<16xi32>, vector<16xi32>], vector<16xf32>,
            %parallel_loop3A_163 = arith.constant 128 : i32
            %parallel_loop3A_164 = arith.muli %parallel_loop3A_74, %parallel_loop3A_163 : i32
            %parallel_loop3A_165 = arith.constant 112 : i32
            %parallel_loop3A_166 = arith.addi %parallel_loop3A_164, %parallel_loop3A_165 : i32
            %parallel_loop3A_167 = arith.index_cast %parallel_loop3A_166 : i32 to index
            %parallel_loop3A_168 = tpu.vector_load %arg7[%parallel_loop3A_167] {strides = array<i32>} : memref<51200xf32, #tpu.memory_space<vmem>>, vector<16xf32>,
            tpu.vector_store %arg7[%parallel_loop3A_167], %parallel_loop3A_162 {strides = array<i32>} : memref<51200xf32, #tpu.memory_space<vmem>>, vector<16xf32>,
          } {sc.loop_unroll_factor = 4 : i64, sc.parallel_access}
          %mul3A_71 = arith.constant 128 : i32
          %mul3A_72 = arith.muli %mul3A_56, %mul3A_71 : i32
          %dma_start3A = tpu.memref_slice %arg4[%mul3A_72] : memref<12800000xf32, #tpu.memory_space<hbm>> -> memref<51200xf32, #tpu.memory_space<hbm>>
          %dma_start3A_73 = tpu.memref_slice %arg4[%mul3A_72] : memref<12800000xf32, #tpu.memory_space<hbm>> -> memref<51200xf32, #tpu.memory_space<hbm>>
          tpu.enqueue_dma source(%arg7 : memref<51200xf32, #tpu.memory_space<vmem>>) target(%dma_start3A_73 : memref<51200xf32, #tpu.memory_space<hbm>>) target_semaphore(%arg9 : memref<!tpu.dma_semaphore, #tpu.memory_space<semaphore_mem>>)
        } else {
        }
      } else {
      }
      %mul3A_43 = arith.constant 2 : i32
      %mul3A_44 = arith.muli %scan3A_36, %mul3A_43 : i32
      %add3A_45 = arith.constant 1 : i32
      %add3A_46 = arith.addi %mul3A_44, %add3A_45 : i32
      %lt3A_47 = arith.cmpi slt, %add3A_46, %select_n3A : i32
      %convert_element_type3A_48 = arith.extui %lt3A_47 : i1 to i32
      %cond3A_49 = arith.constant 0 : i32
      %cond3A_50 = arith.cmpi ne, %convert_element_type3A_48, %cond3A_49 : i32
      scf.if %cond3A_50 {
        %mul3A_52 = arith.constant 32 : i32
        %mul3A_53 = arith.muli %add3A_46, %mul3A_52 : i32
        %add3A_54 = arith.addi %add3A, %mul3A_53 : i32
        %mul3A_55 = arith.constant 400 : i32
        %mul3A_56 = arith.muli %add3A_54, %mul3A_55 : i32
        %ge3A = arith.constant 2 : i32
        %ge3A_57 = arith.cmpi sge, %add3A_46, %ge3A : i32
        %convert_element_type3A_58 = arith.extui %ge3A_57 : i1 to i32
        %cond3A_59 = arith.constant 0 : i32
        %cond3A_60 = arith.cmpi ne, %convert_element_type3A_58, %cond3A_59 : i32
        scf.if %cond3A_60 {
          %dma_wait3A_69 = arith.constant 0 : i32
          %dma_wait3A_70 = tpu.memref_slice %arg4[%dma_wait3A_69] : memref<12800000xf32, #tpu.memory_space<hbm>> -> memref<51200xf32, #tpu.memory_space<hbm>>
          %dma_wait3A_71 = arith.constant 0 : i32
          %dma_wait3A_72 = tpu.memref_slice %arg4[%dma_wait3A_71] : memref<12800000xf32, #tpu.memory_space<hbm>> -> memref<51200xf32, #tpu.memory_space<hbm>>
          tpu.wait_dma2 semaphore(%arg10 : memref<!tpu.dma_semaphore, #tpu.memory_space<semaphore_mem>>) src(%arg8 : memref<51200xf32, #tpu.memory_space<vmem>>) dst(%dma_wait3A_72 : memref<51200xf32, #tpu.memory_space<hbm>>)
        } else {
        }
        "tpu.region"() ({
          %run_scoped3A = tpu.sem_alloc : memref<!tpu.dma_semaphore, #tpu.memory_space<semaphore_mem>>
          %dma_start3A = tpu.memref_slice %arg2[%mul3A_56] : memref<100000xi32, #tpu.memory_space<hbm>> -> memref<400xi32, #tpu.memory_space<hbm>>
          %dma_start3A_69 = tpu.memref_slice %arg2[%mul3A_56] : memref<100000xi32, #tpu.memory_space<hbm>> -> memref<400xi32, #tpu.memory_space<hbm>>
          tpu.enqueue_dma source(%dma_start3A_69 : memref<400xi32, #tpu.memory_space<hbm>>) target(%arg6 : memref<400xi32, #tpu.memory_space<vmem>>) target_semaphore(%run_scoped3A : memref<!tpu.dma_semaphore, #tpu.memory_space<semaphore_mem>>)
          %dma_wait3A_70 = tpu.memref_slice %arg2[%mul3A_56] : memref<100000xi32, #tpu.memory_space<hbm>> -> memref<400xi32, #tpu.memory_space<hbm>>
          %dma_wait3A_71 = tpu.memref_slice %arg2[%mul3A_56] : memref<100000xi32, #tpu.memory_space<hbm>> -> memref<400xi32, #tpu.memory_space<hbm>>
          tpu.wait_dma2 semaphore(%run_scoped3A : memref<!tpu.dma_semaphore, #tpu.memory_space<semaphore_mem>>) src(%dma_wait3A_71 : memref<400xi32, #tpu.memory_space<hbm>>) dst(%arg6 : memref<400xi32, #tpu.memory_space<vmem>>)
          tpu.yield
        }) : () -> ()
        %eq3A = arith.constant 0 : i32
        %eq3A_61 = arith.cmpi eq, %add3A_46, %eq3A : i32
        %convert_element_type3A_62 = arith.extui %eq3A_61 : i1 to i32
        %cond3A_63 = arith.constant 0 : i32
        %cond3A_64 = arith.cmpi ne, %convert_element_type3A_62, %cond3A_63 : i32
        scf.if %cond3A_64 {
          %parallel_loop3A = arith.constant 0 : i32
          %parallel_loop3A_69 = arith.constant 96 : i32
          %parallel_loop3A_70 = arith.constant 1 : i32
          scf.for %parallel_loop3A_119 = %parallel_loop3A to %parallel_loop3A_69 step %parallel_loop3A_70  : i32 {
            %parallel_loop3A_120 = arith.constant 4 : i32
            %parallel_loop3A_121 = arith.shrsi %parallel_loop3A_119, %parallel_loop3A_120 : i32
            %parallel_loop3A_122 = arith.constant 4 : i32
            %parallel_loop3A_123 = arith.shli %parallel_loop3A_121, %parallel_loop3A_122 : i32
            %parallel_loop3A_124 = arith.index_cast %parallel_loop3A_123 : i32 to index
            %parallel_loop3A_125 = tpu.vector_load %arg6[%parallel_loop3A_124] {strides = array<i32>} : memref<400xi32, #tpu.memory_space<vmem>>, vector<16xi32>,
            %parallel_loop3A_126 = arith.constant 0 : i32
            %parallel_loop3A_127 = vector.broadcast %parallel_loop3A_126 : i32 to vector<16x1xi32>
            %parallel_loop3A_128 = arith.constant 15 : i32
            %parallel_loop3A_129 = arith.andi %parallel_loop3A_119, %parallel_loop3A_128 : i32
            %parallel_loop3A_130 = vector.broadcast %parallel_loop3A_129 : i32 to vector<16x1xi32>
            %parallel_loop3A_131 = arith.addi %parallel_loop3A_127, %parallel_loop3A_130 : vector<16x1xi32>
            %parallel_loop3A_132 = vector.shape_cast %parallel_loop3A_131 : vector<16x1xi32> to vector<16xi32>
            %parallel_loop3A_133 = tpu.dynamic_gather %parallel_loop3A_125[%parallel_loop3A_132] in [0] : vector<16xi32>, vector<16xi32> -> vector<16xi32>
            %parallel_loop3A_134 = arith.constant 0 : i32
            %parallel_loop3A_135 = vector.broadcast %parallel_loop3A_134 : i32 to vector<16xi32>
            %parallel_loop3A_136 = arith.addi %iota3A, %parallel_loop3A_135 : vector<16xi32>
            %parallel_loop3A_137 = tpu.vector_load_idx %arg5[%parallel_loop3A_133, %parallel_loop3A_136] : memref<65x128xf32, #tpu.memory_space<vmem>>[vector<16xi32>, vector<16xi32>], vector<16xf32>,
            %parallel_loop3A_138 = arith.constant 128 : i32
            %parallel_loop3A_139 = arith.muli %parallel_loop3A_119, %parallel_loop3A_138 : i32
            %parallel_loop3A_140 = arith.constant 0 : i32
            %parallel_loop3A_141 = arith.addi %parallel_loop3A_139, %parallel_loop3A_140 : i32
            %parallel_loop3A_142 = arith.index_cast %parallel_loop3A_141 : i32 to index
            %parallel_loop3A_143 = tpu.vector_load %arg8[%parallel_loop3A_142] {strides = array<i32>} : memref<51200xf32, #tpu.memory_space<vmem>>, vector<16xf32>,
            tpu.vector_store %arg8[%parallel_loop3A_142], %parallel_loop3A_137 {strides = array<i32>} : memref<51200xf32, #tpu.memory_space<vmem>>, vector<16xf32>,
            %parallel_loop3A_144 = arith.constant 16 : i32
            %parallel_loop3A_145 = vector.broadcast %parallel_loop3A_144 : i32 to vector<16xi32>
            %parallel_loop3A_146 = arith.addi %iota3A, %parallel_loop3A_145 : vector<16xi32>
            %parallel_loop3A_147 = tpu.vector_load_idx %arg5[%parallel_loop3A_133, %parallel_loop3A_146] : memref<65x128xf32, #tpu.memory_space<vmem>>[vector<16xi32>, vector<16xi32>], vector<16xf32>,
            %parallel_loop3A_148 = arith.constant 128 : i32
            %parallel_loop3A_149 = arith.muli %parallel_loop3A_119, %parallel_loop3A_148 : i32
            %parallel_loop3A_150 = arith.constant 16 : i32
            %parallel_loop3A_151 = arith.addi %parallel_loop3A_149, %parallel_loop3A_150 : i32
            %parallel_loop3A_152 = arith.index_cast %parallel_loop3A_151 : i32 to index
            %parallel_loop3A_153 = tpu.vector_load %arg8[%parallel_loop3A_152] {strides = array<i32>} : memref<51200xf32, #tpu.memory_space<vmem>>, vector<16xf32>,
            tpu.vector_store %arg8[%parallel_loop3A_152], %parallel_loop3A_147 {strides = array<i32>} : memref<51200xf32, #tpu.memory_space<vmem>>, vector<16xf32>,
            %parallel_loop3A_154 = arith.constant 32 : i32
            %parallel_loop3A_155 = vector.broadcast %parallel_loop3A_154 : i32 to vector<16xi32>
            %parallel_loop3A_156 = arith.addi %iota3A, %parallel_loop3A_155 : vector<16xi32>
            %parallel_loop3A_157 = tpu.vector_load_idx %arg5[%parallel_loop3A_133, %parallel_loop3A_156] : memref<65x128xf32, #tpu.memory_space<vmem>>[vector<16xi32>, vector<16xi32>], vector<16xf32>,
            %parallel_loop3A_158 = arith.constant 128 : i32
            %parallel_loop3A_159 = arith.muli %parallel_loop3A_119, %parallel_loop3A_158 : i32
            %parallel_loop3A_160 = arith.constant 32 : i32
            %parallel_loop3A_161 = arith.addi %parallel_loop3A_159, %parallel_loop3A_160 : i32
            %parallel_loop3A_162 = arith.index_cast %parallel_loop3A_161 : i32 to index
            %parallel_loop3A_163 = tpu.vector_load %arg8[%parallel_loop3A_162] {strides = array<i32>} : memref<51200xf32, #tpu.memory_space<vmem>>, vector<16xf32>,
            tpu.vector_store %arg8[%parallel_loop3A_162], %parallel_loop3A_157 {strides = array<i32>} : memref<51200xf32, #tpu.memory_space<vmem>>, vector<16xf32>,
            %parallel_loop3A_164 = arith.constant 48 : i32
            %parallel_loop3A_165 = vector.broadcast %parallel_loop3A_164 : i32 to vector<16xi32>
            %parallel_loop3A_166 = arith.addi %iota3A, %parallel_loop3A_165 : vector<16xi32>
            %parallel_loop3A_167 = tpu.vector_load_idx %arg5[%parallel_loop3A_133, %parallel_loop3A_166] : memref<65x128xf32, #tpu.memory_space<vmem>>[vector<16xi32>, vector<16xi32>], vector<16xf32>,
            %parallel_loop3A_168 = arith.constant 128 : i32
            %parallel_loop3A_169 = arith.muli %parallel_loop3A_119, %parallel_loop3A_168 : i32
            %parallel_loop3A_170 = arith.constant 48 : i32
            %parallel_loop3A_171 = arith.addi %parallel_loop3A_169, %parallel_loop3A_170 : i32
            %parallel_loop3A_172 = arith.index_cast %parallel_loop3A_171 : i32 to index
            %parallel_loop3A_173 = tpu.vector_load %arg8[%parallel_loop3A_172] {strides = array<i32>} : memref<51200xf32, #tpu.memory_space<vmem>>, vector<16xf32>,
            tpu.vector_store %arg8[%parallel_loop3A_172], %parallel_loop3A_167 {strides = array<i32>} : memref<51200xf32, #tpu.memory_space<vmem>>, vector<16xf32>,
            %parallel_loop3A_174 = arith.constant 64 : i32
            %parallel_loop3A_175 = vector.broadcast %parallel_loop3A_174 : i32 to vector<16xi32>
            %parallel_loop3A_176 = arith.addi %iota3A, %parallel_loop3A_175 : vector<16xi32>
            %parallel_loop3A_177 = tpu.vector_load_idx %arg5[%parallel_loop3A_133, %parallel_loop3A_176] : memref<65x128xf32, #tpu.memory_space<vmem>>[vector<16xi32>, vector<16xi32>], vector<16xf32>,
            %parallel_loop3A_178 = arith.constant 128 : i32
            %parallel_loop3A_179 = arith.muli %parallel_loop3A_119, %parallel_loop3A_178 : i32
            %parallel_loop3A_180 = arith.constant 64 : i32
            %parallel_loop3A_181 = arith.addi %parallel_loop3A_179, %parallel_loop3A_180 : i32
            %parallel_loop3A_182 = arith.index_cast %parallel_loop3A_181 : i32 to index
            %parallel_loop3A_183 = tpu.vector_load %arg8[%parallel_loop3A_182] {strides = array<i32>} : memref<51200xf32, #tpu.memory_space<vmem>>, vector<16xf32>,
            tpu.vector_store %arg8[%parallel_loop3A_182], %parallel_loop3A_177 {strides = array<i32>} : memref<51200xf32, #tpu.memory_space<vmem>>, vector<16xf32>,
            %parallel_loop3A_184 = arith.constant 80 : i32
            %parallel_loop3A_185 = vector.broadcast %parallel_loop3A_184 : i32 to vector<16xi32>
            %parallel_loop3A_186 = arith.addi %iota3A, %parallel_loop3A_185 : vector<16xi32>
            %parallel_loop3A_187 = tpu.vector_load_idx %arg5[%parallel_loop3A_133, %parallel_loop3A_186] : memref<65x128xf32, #tpu.memory_space<vmem>>[vector<16xi32>, vector<16xi32>], vector<16xf32>,
            %parallel_loop3A_188 = arith.constant 128 : i32
            %parallel_loop3A_189 = arith.muli %parallel_loop3A_119, %parallel_loop3A_188 : i32
            %parallel_loop3A_190 = arith.constant 80 : i32
            %parallel_loop3A_191 = arith.addi %parallel_loop3A_189, %parallel_loop3A_190 : i32
            %parallel_loop3A_192 = arith.index_cast %parallel_loop3A_191 : i32 to index
            %parallel_loop3A_193 = tpu.vector_load %arg8[%parallel_loop3A_192] {strides = array<i32>} : memref<51200xf32, #tpu.memory_space<vmem>>, vector<16xf32>,
            tpu.vector_store %arg8[%parallel_loop3A_192], %parallel_loop3A_187 {strides = array<i32>} : memref<51200xf32, #tpu.memory_space<vmem>>, vector<16xf32>,
            %parallel_loop3A_194 = arith.constant 96 : i32
            %parallel_loop3A_195 = vector.broadcast %parallel_loop3A_194 : i32 to vector<16xi32>
            %parallel_loop3A_196 = arith.addi %iota3A, %parallel_loop3A_195 : vector<16xi32>
            %parallel_loop3A_197 = tpu.vector_load_idx %arg5[%parallel_loop3A_133, %parallel_loop3A_196] : memref<65x128xf32, #tpu.memory_space<vmem>>[vector<16xi32>, vector<16xi32>], vector<16xf32>,
            %parallel_loop3A_198 = arith.constant 128 : i32
            %parallel_loop3A_199 = arith.muli %parallel_loop3A_119, %parallel_loop3A_198 : i32
            %parallel_loop3A_200 = arith.constant 96 : i32
            %parallel_loop3A_201 = arith.addi %parallel_loop3A_199, %parallel_loop3A_200 : i32
            %parallel_loop3A_202 = arith.index_cast %parallel_loop3A_201 : i32 to index
            %parallel_loop3A_203 = tpu.vector_load %arg8[%parallel_loop3A_202] {strides = array<i32>} : memref<51200xf32, #tpu.memory_space<vmem>>, vector<16xf32>,
            tpu.vector_store %arg8[%parallel_loop3A_202], %parallel_loop3A_197 {strides = array<i32>} : memref<51200xf32, #tpu.memory_space<vmem>>, vector<16xf32>,
            %parallel_loop3A_204 = arith.constant 112 : i32
            %parallel_loop3A_205 = vector.broadcast %parallel_loop3A_204 : i32 to vector<16xi32>
            %parallel_loop3A_206 = arith.addi %iota3A, %parallel_loop3A_205 : vector<16xi32>
            %parallel_loop3A_207 = tpu.vector_load_idx %arg5[%parallel_loop3A_133, %parallel_loop3A_206] : memref<65x128xf32, #tpu.memory_space<vmem>>[vector<16xi32>, vector<16xi32>], vector<16xf32>,
            %parallel_loop3A_208 = arith.constant 128 : i32
            %parallel_loop3A_209 = arith.muli %parallel_loop3A_119, %parallel_loop3A_208 : i32
            %parallel_loop3A_210 = arith.constant 112 : i32
            %parallel_loop3A_211 = arith.addi %parallel_loop3A_209, %parallel_loop3A_210 : i32
            %parallel_loop3A_212 = arith.index_cast %parallel_loop3A_211 : i32 to index
            %parallel_loop3A_213 = tpu.vector_load %arg8[%parallel_loop3A_212] {strides = array<i32>} : memref<51200xf32, #tpu.memory_space<vmem>>, vector<16xf32>,
            tpu.vector_store %arg8[%parallel_loop3A_212], %parallel_loop3A_207 {strides = array<i32>} : memref<51200xf32, #tpu.memory_space<vmem>>, vector<16xf32>,
          } {sc.loop_unroll_factor = 4 : i64, sc.parallel_access}
          %add3A_71 = arith.constant 0 : i32
          %add3A_72 = arith.addi %mul3A_56, %add3A_71 : i32
          %mul3A_73 = arith.constant 128 : i32
          %mul3A_74 = arith.muli %add3A_72, %mul3A_73 : i32
          %dma_start3A = arith.constant 0 : i32
          %dma_start3A_75 = tpu.memref_slice %arg8[%dma_start3A] : memref<51200xf32, #tpu.memory_space<vmem>> -> memref<12288xf32, #tpu.memory_space<vmem>>
          %dma_start3A_76 = tpu.memref_slice %arg4[%mul3A_74] : memref<12800000xf32, #tpu.memory_space<hbm>> -> memref<12288xf32, #tpu.memory_space<hbm>>
          %dma_start3A_77 = tpu.memref_slice %arg4[%mul3A_74] : memref<12800000xf32, #tpu.memory_space<hbm>> -> memref<12288xf32, #tpu.memory_space<hbm>>
          %dma_start3A_78 = arith.constant 0 : i32
          %dma_start3A_79 = tpu.memref_slice %arg8[%dma_start3A_78] : memref<51200xf32, #tpu.memory_space<vmem>> -> memref<12288xf32, #tpu.memory_space<vmem>>
          tpu.enqueue_dma source(%dma_start3A_79 : memref<12288xf32, #tpu.memory_space<vmem>>) target(%dma_start3A_77 : memref<12288xf32, #tpu.memory_space<hbm>>) target_semaphore(%arg10 : memref<!tpu.dma_semaphore, #tpu.memory_space<semaphore_mem>>)
          %parallel_loop3A_80 = arith.constant 96 : i32
          %parallel_loop3A_81 = arith.constant 192 : i32
          %parallel_loop3A_82 = arith.constant 1 : i32
          scf.for %parallel_loop3A_119 = %parallel_loop3A_80 to %parallel_loop3A_81 step %parallel_loop3A_82  : i32 {
            %parallel_loop3A_120 = arith.constant 4 : i32
            %parallel_loop3A_121 = arith.shrsi %parallel_loop3A_119, %parallel_loop3A_120 : i32
            %parallel_loop3A_122 = arith.constant 4 : i32
            %parallel_loop3A_123 = arith.shli %parallel_loop3A_121, %parallel_loop3A_122 : i32
            %parallel_loop3A_124 = arith.index_cast %parallel_loop3A_123 : i32 to index
            %parallel_loop3A_125 = tpu.vector_load %arg6[%parallel_loop3A_124] {strides = array<i32>} : memref<400xi32, #tpu.memory_space<vmem>>, vector<16xi32>,
            %parallel_loop3A_126 = arith.constant 0 : i32
            %parallel_loop3A_127 = vector.broadcast %parallel_loop3A_126 : i32 to vector<16x1xi32>
            %parallel_loop3A_128 = arith.constant 15 : i32
            %parallel_loop3A_129 = arith.andi %parallel_loop3A_119, %parallel_loop3A_128 : i32
            %parallel_loop3A_130 = vector.broadcast %parallel_loop3A_129 : i32 to vector<16x1xi32>
            %parallel_loop3A_131 = arith.addi %parallel_loop3A_127, %parallel_loop3A_130 : vector<16x1xi32>
            %parallel_loop3A_132 = vector.shape_cast %parallel_loop3A_131 : vector<16x1xi32> to vector<16xi32>
            %parallel_loop3A_133 = tpu.dynamic_gather %parallel_loop3A_125[%parallel_loop3A_132] in [0] : vector<16xi32>, vector<16xi32> -> vector<16xi32>
            %parallel_loop3A_134 = arith.constant 0 : i32
            %parallel_loop3A_135 = vector.broadcast %parallel_loop3A_134 : i32 to vector<16xi32>
            %parallel_loop3A_136 = arith.addi %iota3A, %parallel_loop3A_135 : vector<16xi32>
            %parallel_loop3A_137 = tpu.vector_load_idx %arg5[%parallel_loop3A_133, %parallel_loop3A_136] : memref<65x128xf32, #tpu.memory_space<vmem>>[vector<16xi32>, vector<16xi32>], vector<16xf32>,
            %parallel_loop3A_138 = arith.constant 128 : i32
            %parallel_loop3A_139 = arith.muli %parallel_loop3A_119, %parallel_loop3A_138 : i32
            %parallel_loop3A_140 = arith.constant 0 : i32
            %parallel_loop3A_141 = arith.addi %parallel_loop3A_139, %parallel_loop3A_140 : i32
            %parallel_loop3A_142 = arith.index_cast %parallel_loop3A_141 : i32 to index
            %parallel_loop3A_143 = tpu.vector_load %arg8[%parallel_loop3A_142] {strides = array<i32>} : memref<51200xf32, #tpu.memory_space<vmem>>, vector<16xf32>,
            tpu.vector_store %arg8[%parallel_loop3A_142], %parallel_loop3A_137 {strides = array<i32>} : memref<51200xf32, #tpu.memory_space<vmem>>, vector<16xf32>,
            %parallel_loop3A_144 = arith.constant 16 : i32
            %parallel_loop3A_145 = vector.broadcast %parallel_loop3A_144 : i32 to vector<16xi32>
            %parallel_loop3A_146 = arith.addi %iota3A, %parallel_loop3A_145 : vector<16xi32>
            %parallel_loop3A_147 = tpu.vector_load_idx %arg5[%parallel_loop3A_133, %parallel_loop3A_146] : memref<65x128xf32, #tpu.memory_space<vmem>>[vector<16xi32>, vector<16xi32>], vector<16xf32>,
            %parallel_loop3A_148 = arith.constant 128 : i32
            %parallel_loop3A_149 = arith.muli %parallel_loop3A_119, %parallel_loop3A_148 : i32
            %parallel_loop3A_150 = arith.constant 16 : i32
            %parallel_loop3A_151 = arith.addi %parallel_loop3A_149, %parallel_loop3A_150 : i32
            %parallel_loop3A_152 = arith.index_cast %parallel_loop3A_151 : i32 to index
            %parallel_loop3A_153 = tpu.vector_load %arg8[%parallel_loop3A_152] {strides = array<i32>} : memref<51200xf32, #tpu.memory_space<vmem>>, vector<16xf32>,
            tpu.vector_store %arg8[%parallel_loop3A_152], %parallel_loop3A_147 {strides = array<i32>} : memref<51200xf32, #tpu.memory_space<vmem>>, vector<16xf32>,
            %parallel_loop3A_154 = arith.constant 32 : i32
            %parallel_loop3A_155 = vector.broadcast %parallel_loop3A_154 : i32 to vector<16xi32>
            %parallel_loop3A_156 = arith.addi %iota3A, %parallel_loop3A_155 : vector<16xi32>
            %parallel_loop3A_157 = tpu.vector_load_idx %arg5[%parallel_loop3A_133, %parallel_loop3A_156] : memref<65x128xf32, #tpu.memory_space<vmem>>[vector<16xi32>, vector<16xi32>], vector<16xf32>,
            %parallel_loop3A_158 = arith.constant 128 : i32
            %parallel_loop3A_159 = arith.muli %parallel_loop3A_119, %parallel_loop3A_158 : i32
            %parallel_loop3A_160 = arith.constant 32 : i32
            %parallel_loop3A_161 = arith.addi %parallel_loop3A_159, %parallel_loop3A_160 : i32
            %parallel_loop3A_162 = arith.index_cast %parallel_loop3A_161 : i32 to index
            %parallel_loop3A_163 = tpu.vector_load %arg8[%parallel_loop3A_162] {strides = array<i32>} : memref<51200xf32, #tpu.memory_space<vmem>>, vector<16xf32>,
            tpu.vector_store %arg8[%parallel_loop3A_162], %parallel_loop3A_157 {strides = array<i32>} : memref<51200xf32, #tpu.memory_space<vmem>>, vector<16xf32>,
            %parallel_loop3A_164 = arith.constant 48 : i32
            %parallel_loop3A_165 = vector.broadcast %parallel_loop3A_164 : i32 to vector<16xi32>
            %parallel_loop3A_166 = arith.addi %iota3A, %parallel_loop3A_165 : vector<16xi32>
            %parallel_loop3A_167 = tpu.vector_load_idx %arg5[%parallel_loop3A_133, %parallel_loop3A_166] : memref<65x128xf32, #tpu.memory_space<vmem>>[vector<16xi32>, vector<16xi32>], vector<16xf32>,
            %parallel_loop3A_168 = arith.constant 128 : i32
            %parallel_loop3A_169 = arith.muli %parallel_loop3A_119, %parallel_loop3A_168 : i32
            %parallel_loop3A_170 = arith.constant 48 : i32
            %parallel_loop3A_171 = arith.addi %parallel_loop3A_169, %parallel_loop3A_170 : i32
            %parallel_loop3A_172 = arith.index_cast %parallel_loop3A_171 : i32 to index
            %parallel_loop3A_173 = tpu.vector_load %arg8[%parallel_loop3A_172] {strides = array<i32>} : memref<51200xf32, #tpu.memory_space<vmem>>, vector<16xf32>,
            tpu.vector_store %arg8[%parallel_loop3A_172], %parallel_loop3A_167 {strides = array<i32>} : memref<51200xf32, #tpu.memory_space<vmem>>, vector<16xf32>,
            %parallel_loop3A_174 = arith.constant 64 : i32
            %parallel_loop3A_175 = vector.broadcast %parallel_loop3A_174 : i32 to vector<16xi32>
            %parallel_loop3A_176 = arith.addi %iota3A, %parallel_loop3A_175 : vector<16xi32>
            %parallel_loop3A_177 = tpu.vector_load_idx %arg5[%parallel_loop3A_133, %parallel_loop3A_176] : memref<65x128xf32, #tpu.memory_space<vmem>>[vector<16xi32>, vector<16xi32>], vector<16xf32>,
            %parallel_loop3A_178 = arith.constant 128 : i32
            %parallel_loop3A_179 = arith.muli %parallel_loop3A_119, %parallel_loop3A_178 : i32
            %parallel_loop3A_180 = arith.constant 64 : i32
            %parallel_loop3A_181 = arith.addi %parallel_loop3A_179, %parallel_loop3A_180 : i32
            %parallel_loop3A_182 = arith.index_cast %parallel_loop3A_181 : i32 to index
            %parallel_loop3A_183 = tpu.vector_load %arg8[%parallel_loop3A_182] {strides = array<i32>} : memref<51200xf32, #tpu.memory_space<vmem>>, vector<16xf32>,
            tpu.vector_store %arg8[%parallel_loop3A_182], %parallel_loop3A_177 {strides = array<i32>} : memref<51200xf32, #tpu.memory_space<vmem>>, vector<16xf32>,
            %parallel_loop3A_184 = arith.constant 80 : i32
            %parallel_loop3A_185 = vector.broadcast %parallel_loop3A_184 : i32 to vector<16xi32>
            %parallel_loop3A_186 = arith.addi %iota3A, %parallel_loop3A_185 : vector<16xi32>
            %parallel_loop3A_187 = tpu.vector_load_idx %arg5[%parallel_loop3A_133, %parallel_loop3A_186] : memref<65x128xf32, #tpu.memory_space<vmem>>[vector<16xi32>, vector<16xi32>], vector<16xf32>,
            %parallel_loop3A_188 = arith.constant 128 : i32
            %parallel_loop3A_189 = arith.muli %parallel_loop3A_119, %parallel_loop3A_188 : i32
            %parallel_loop3A_190 = arith.constant 80 : i32
            %parallel_loop3A_191 = arith.addi %parallel_loop3A_189, %parallel_loop3A_190 : i32
            %parallel_loop3A_192 = arith.index_cast %parallel_loop3A_191 : i32 to index
            %parallel_loop3A_193 = tpu.vector_load %arg8[%parallel_loop3A_192] {strides = array<i32>} : memref<51200xf32, #tpu.memory_space<vmem>>, vector<16xf32>,
            tpu.vector_store %arg8[%parallel_loop3A_192], %parallel_loop3A_187 {strides = array<i32>} : memref<51200xf32, #tpu.memory_space<vmem>>, vector<16xf32>,
            %parallel_loop3A_194 = arith.constant 96 : i32
            %parallel_loop3A_195 = vector.broadcast %parallel_loop3A_194 : i32 to vector<16xi32>
            %parallel_loop3A_196 = arith.addi %iota3A, %parallel_loop3A_195 : vector<16xi32>
            %parallel_loop3A_197 = tpu.vector_load_idx %arg5[%parallel_loop3A_133, %parallel_loop3A_196] : memref<65x128xf32, #tpu.memory_space<vmem>>[vector<16xi32>, vector<16xi32>], vector<16xf32>,
            %parallel_loop3A_198 = arith.constant 128 : i32
            %parallel_loop3A_199 = arith.muli %parallel_loop3A_119, %parallel_loop3A_198 : i32
            %parallel_loop3A_200 = arith.constant 96 : i32
            %parallel_loop3A_201 = arith.addi %parallel_loop3A_199, %parallel_loop3A_200 : i32
            %parallel_loop3A_202 = arith.index_cast %parallel_loop3A_201 : i32 to index
            %parallel_loop3A_203 = tpu.vector_load %arg8[%parallel_loop3A_202] {strides = array<i32>} : memref<51200xf32, #tpu.memory_space<vmem>>, vector<16xf32>,
            tpu.vector_store %arg8[%parallel_loop3A_202], %parallel_loop3A_197 {strides = array<i32>} : memref<51200xf32, #tpu.memory_space<vmem>>, vector<16xf32>,
            %parallel_loop3A_204 = arith.constant 112 : i32
            %parallel_loop3A_205 = vector.broadcast %parallel_loop3A_204 : i32 to vector<16xi32>
            %parallel_loop3A_206 = arith.addi %iota3A, %parallel_loop3A_205 : vector<16xi32>
            %parallel_loop3A_207 = tpu.vector_load_idx %arg5[%parallel_loop3A_133, %parallel_loop3A_206] : memref<65x128xf32, #tpu.memory_space<vmem>>[vector<16xi32>, vector<16xi32>], vector<16xf32>,
            %parallel_loop3A_208 = arith.constant 128 : i32
            %parallel_loop3A_209 = arith.muli %parallel_loop3A_119, %parallel_loop3A_208 : i32
            %parallel_loop3A_210 = arith.constant 112 : i32
            %parallel_loop3A_211 = arith.addi %parallel_loop3A_209, %parallel_loop3A_210 : i32
            %parallel_loop3A_212 = arith.index_cast %parallel_loop3A_211 : i32 to index
            %parallel_loop3A_213 = tpu.vector_load %arg8[%parallel_loop3A_212] {strides = array<i32>} : memref<51200xf32, #tpu.memory_space<vmem>>, vector<16xf32>,
            tpu.vector_store %arg8[%parallel_loop3A_212], %parallel_loop3A_207 {strides = array<i32>} : memref<51200xf32, #tpu.memory_space<vmem>>, vector<16xf32>,
          } {sc.loop_unroll_factor = 4 : i64, sc.parallel_access}
          %add3A_83 = arith.constant 96 : i32
          %add3A_84 = arith.addi %mul3A_56, %add3A_83 : i32
          %mul3A_85 = arith.constant 128 : i32
          %mul3A_86 = arith.muli %add3A_84, %mul3A_85 : i32
          %dma_start3A_87 = arith.constant 12288 : i32
          %dma_start3A_88 = tpu.memref_slice %arg8[%dma_start3A_87] : memref<51200xf32, #tpu.memory_space<vmem>> -> memref<12288xf32, #tpu.memory_space<vmem>>
          %dma_start3A_89 = tpu.memref_slice %arg4[%mul3A_86] : memref<12800000xf32, #tpu.memory_space<hbm>> -> memref<12288xf32, #tpu.memory_space<hbm>>
          %dma_start3A_90 = tpu.memref_slice %arg4[%mul3A_86] : memref<12800000xf32, #tpu.memory_space<hbm>> -> memref<12288xf32, #tpu.memory_space<hbm>>
          %dma_start3A_91 = arith.constant 12288 : i32
          %dma_start3A_92 = tpu.memref_slice %arg8[%dma_start3A_91] : memref<51200xf32, #tpu.memory_space<vmem>> -> memref<12288xf32, #tpu.memory_space<vmem>>
          tpu.enqueue_dma source(%dma_start3A_92 : memref<12288xf32, #tpu.memory_space<vmem>>) target(%dma_start3A_90 : memref<12288xf32, #tpu.memory_space<hbm>>) target_semaphore(%arg10 : memref<!tpu.dma_semaphore, #tpu.memory_space<semaphore_mem>>)
          %parallel_loop3A_93 = arith.constant 192 : i32
          %parallel_loop3A_94 = arith.constant 288 : i32
          %parallel_loop3A_95 = arith.constant 1 : i32
          scf.for %parallel_loop3A_119 = %parallel_loop3A_93 to %parallel_loop3A_94 step %parallel_loop3A_95  : i32 {
            %parallel_loop3A_120 = arith.constant 4 : i32
            %parallel_loop3A_121 = arith.shrsi %parallel_loop3A_119, %parallel_loop3A_120 : i32
            %parallel_loop3A_122 = arith.constant 4 : i32
            %parallel_loop3A_123 = arith.shli %parallel_loop3A_121, %parallel_loop3A_122 : i32
            %parallel_loop3A_124 = arith.index_cast %parallel_loop3A_123 : i32 to index
            %parallel_loop3A_125 = tpu.vector_load %arg6[%parallel_loop3A_124] {strides = array<i32>} : memref<400xi32, #tpu.memory_space<vmem>>, vector<16xi32>,
            %parallel_loop3A_126 = arith.constant 0 : i32
            %parallel_loop3A_127 = vector.broadcast %parallel_loop3A_126 : i32 to vector<16x1xi32>
            %parallel_loop3A_128 = arith.constant 15 : i32
            %parallel_loop3A_129 = arith.andi %parallel_loop3A_119, %parallel_loop3A_128 : i32
            %parallel_loop3A_130 = vector.broadcast %parallel_loop3A_129 : i32 to vector<16x1xi32>
            %parallel_loop3A_131 = arith.addi %parallel_loop3A_127, %parallel_loop3A_130 : vector<16x1xi32>
            %parallel_loop3A_132 = vector.shape_cast %parallel_loop3A_131 : vector<16x1xi32> to vector<16xi32>
            %parallel_loop3A_133 = tpu.dynamic_gather %parallel_loop3A_125[%parallel_loop3A_132] in [0] : vector<16xi32>, vector<16xi32> -> vector<16xi32>
            %parallel_loop3A_134 = arith.constant 0 : i32
            %parallel_loop3A_135 = vector.broadcast %parallel_loop3A_134 : i32 to vector<16xi32>
            %parallel_loop3A_136 = arith.addi %iota3A, %parallel_loop3A_135 : vector<16xi32>
            %parallel_loop3A_137 = tpu.vector_load_idx %arg5[%parallel_loop3A_133, %parallel_loop3A_136] : memref<65x128xf32, #tpu.memory_space<vmem>>[vector<16xi32>, vector<16xi32>], vector<16xf32>,
            %parallel_loop3A_138 = arith.constant 128 : i32
            %parallel_loop3A_139 = arith.muli %parallel_loop3A_119, %parallel_loop3A_138 : i32
            %parallel_loop3A_140 = arith.constant 0 : i32
            %parallel_loop3A_141 = arith.addi %parallel_loop3A_139, %parallel_loop3A_140 : i32
            %parallel_loop3A_142 = arith.index_cast %parallel_loop3A_141 : i32 to index
            %parallel_loop3A_143 = tpu.vector_load %arg8[%parallel_loop3A_142] {strides = array<i32>} : memref<51200xf32, #tpu.memory_space<vmem>>, vector<16xf32>,
            tpu.vector_store %arg8[%parallel_loop3A_142], %parallel_loop3A_137 {strides = array<i32>} : memref<51200xf32, #tpu.memory_space<vmem>>, vector<16xf32>,
            %parallel_loop3A_144 = arith.constant 16 : i32
            %parallel_loop3A_145 = vector.broadcast %parallel_loop3A_144 : i32 to vector<16xi32>
            %parallel_loop3A_146 = arith.addi %iota3A, %parallel_loop3A_145 : vector<16xi32>
            %parallel_loop3A_147 = tpu.vector_load_idx %arg5[%parallel_loop3A_133, %parallel_loop3A_146] : memref<65x128xf32, #tpu.memory_space<vmem>>[vector<16xi32>, vector<16xi32>], vector<16xf32>,
            %parallel_loop3A_148 = arith.constant 128 : i32
            %parallel_loop3A_149 = arith.muli %parallel_loop3A_119, %parallel_loop3A_148 : i32
            %parallel_loop3A_150 = arith.constant 16 : i32
            %parallel_loop3A_151 = arith.addi %parallel_loop3A_149, %parallel_loop3A_150 : i32
            %parallel_loop3A_152 = arith.index_cast %parallel_loop3A_151 : i32 to index
            %parallel_loop3A_153 = tpu.vector_load %arg8[%parallel_loop3A_152] {strides = array<i32>} : memref<51200xf32, #tpu.memory_space<vmem>>, vector<16xf32>,
            tpu.vector_store %arg8[%parallel_loop3A_152], %parallel_loop3A_147 {strides = array<i32>} : memref<51200xf32, #tpu.memory_space<vmem>>, vector<16xf32>,
            %parallel_loop3A_154 = arith.constant 32 : i32
            %parallel_loop3A_155 = vector.broadcast %parallel_loop3A_154 : i32 to vector<16xi32>
            %parallel_loop3A_156 = arith.addi %iota3A, %parallel_loop3A_155 : vector<16xi32>
            %parallel_loop3A_157 = tpu.vector_load_idx %arg5[%parallel_loop3A_133, %parallel_loop3A_156] : memref<65x128xf32, #tpu.memory_space<vmem>>[vector<16xi32>, vector<16xi32>], vector<16xf32>,
            %parallel_loop3A_158 = arith.constant 128 : i32
            %parallel_loop3A_159 = arith.muli %parallel_loop3A_119, %parallel_loop3A_158 : i32
            %parallel_loop3A_160 = arith.constant 32 : i32
            %parallel_loop3A_161 = arith.addi %parallel_loop3A_159, %parallel_loop3A_160 : i32
            %parallel_loop3A_162 = arith.index_cast %parallel_loop3A_161 : i32 to index
            %parallel_loop3A_163 = tpu.vector_load %arg8[%parallel_loop3A_162] {strides = array<i32>} : memref<51200xf32, #tpu.memory_space<vmem>>, vector<16xf32>,
            tpu.vector_store %arg8[%parallel_loop3A_162], %parallel_loop3A_157 {strides = array<i32>} : memref<51200xf32, #tpu.memory_space<vmem>>, vector<16xf32>,
            %parallel_loop3A_164 = arith.constant 48 : i32
            %parallel_loop3A_165 = vector.broadcast %parallel_loop3A_164 : i32 to vector<16xi32>
            %parallel_loop3A_166 = arith.addi %iota3A, %parallel_loop3A_165 : vector<16xi32>
            %parallel_loop3A_167 = tpu.vector_load_idx %arg5[%parallel_loop3A_133, %parallel_loop3A_166] : memref<65x128xf32, #tpu.memory_space<vmem>>[vector<16xi32>, vector<16xi32>], vector<16xf32>,
            %parallel_loop3A_168 = arith.constant 128 : i32
            %parallel_loop3A_169 = arith.muli %parallel_loop3A_119, %parallel_loop3A_168 : i32
            %parallel_loop3A_170 = arith.constant 48 : i32
            %parallel_loop3A_171 = arith.addi %parallel_loop3A_169, %parallel_loop3A_170 : i32
            %parallel_loop3A_172 = arith.index_cast %parallel_loop3A_171 : i32 to index
            %parallel_loop3A_173 = tpu.vector_load %arg8[%parallel_loop3A_172] {strides = array<i32>} : memref<51200xf32, #tpu.memory_space<vmem>>, vector<16xf32>,
            tpu.vector_store %arg8[%parallel_loop3A_172], %parallel_loop3A_167 {strides = array<i32>} : memref<51200xf32, #tpu.memory_space<vmem>>, vector<16xf32>,
            %parallel_loop3A_174 = arith.constant 64 : i32
            %parallel_loop3A_175 = vector.broadcast %parallel_loop3A_174 : i32 to vector<16xi32>
            %parallel_loop3A_176 = arith.addi %iota3A, %parallel_loop3A_175 : vector<16xi32>
            %parallel_loop3A_177 = tpu.vector_load_idx %arg5[%parallel_loop3A_133, %parallel_loop3A_176] : memref<65x128xf32, #tpu.memory_space<vmem>>[vector<16xi32>, vector<16xi32>], vector<16xf32>,
            %parallel_loop3A_178 = arith.constant 128 : i32
            %parallel_loop3A_179 = arith.muli %parallel_loop3A_119, %parallel_loop3A_178 : i32
            %parallel_loop3A_180 = arith.constant 64 : i32
            %parallel_loop3A_181 = arith.addi %parallel_loop3A_179, %parallel_loop3A_180 : i32
            %parallel_loop3A_182 = arith.index_cast %parallel_loop3A_181 : i32 to index
            %parallel_loop3A_183 = tpu.vector_load %arg8[%parallel_loop3A_182] {strides = array<i32>} : memref<51200xf32, #tpu.memory_space<vmem>>, vector<16xf32>,
            tpu.vector_store %arg8[%parallel_loop3A_182], %parallel_loop3A_177 {strides = array<i32>} : memref<51200xf32, #tpu.memory_space<vmem>>, vector<16xf32>,
            %parallel_loop3A_184 = arith.constant 80 : i32
            %parallel_loop3A_185 = vector.broadcast %parallel_loop3A_184 : i32 to vector<16xi32>
            %parallel_loop3A_186 = arith.addi %iota3A, %parallel_loop3A_185 : vector<16xi32>
            %parallel_loop3A_187 = tpu.vector_load_idx %arg5[%parallel_loop3A_133, %parallel_loop3A_186] : memref<65x128xf32, #tpu.memory_space<vmem>>[vector<16xi32>, vector<16xi32>], vector<16xf32>,
            %parallel_loop3A_188 = arith.constant 128 : i32
            %parallel_loop3A_189 = arith.muli %parallel_loop3A_119, %parallel_loop3A_188 : i32
            %parallel_loop3A_190 = arith.constant 80 : i32
            %parallel_loop3A_191 = arith.addi %parallel_loop3A_189, %parallel_loop3A_190 : i32
            %parallel_loop3A_192 = arith.index_cast %parallel_loop3A_191 : i32 to index
            %parallel_loop3A_193 = tpu.vector_load %arg8[%parallel_loop3A_192] {strides = array<i32>} : memref<51200xf32, #tpu.memory_space<vmem>>, vector<16xf32>,
            tpu.vector_store %arg8[%parallel_loop3A_192], %parallel_loop3A_187 {strides = array<i32>} : memref<51200xf32, #tpu.memory_space<vmem>>, vector<16xf32>,
            %parallel_loop3A_194 = arith.constant 96 : i32
            %parallel_loop3A_195 = vector.broadcast %parallel_loop3A_194 : i32 to vector<16xi32>
            %parallel_loop3A_196 = arith.addi %iota3A, %parallel_loop3A_195 : vector<16xi32>
            %parallel_loop3A_197 = tpu.vector_load_idx %arg5[%parallel_loop3A_133, %parallel_loop3A_196] : memref<65x128xf32, #tpu.memory_space<vmem>>[vector<16xi32>, vector<16xi32>], vector<16xf32>,
            %parallel_loop3A_198 = arith.constant 128 : i32
            %parallel_loop3A_199 = arith.muli %parallel_loop3A_119, %parallel_loop3A_198 : i32
            %parallel_loop3A_200 = arith.constant 96 : i32
            %parallel_loop3A_201 = arith.addi %parallel_loop3A_199, %parallel_loop3A_200 : i32
            %parallel_loop3A_202 = arith.index_cast %parallel_loop3A_201 : i32 to index
            %parallel_loop3A_203 = tpu.vector_load %arg8[%parallel_loop3A_202] {strides = array<i32>} : memref<51200xf32, #tpu.memory_space<vmem>>, vector<16xf32>,
            tpu.vector_store %arg8[%parallel_loop3A_202], %parallel_loop3A_197 {strides = array<i32>} : memref<51200xf32, #tpu.memory_space<vmem>>, vector<16xf32>,
            %parallel_loop3A_204 = arith.constant 112 : i32
            %parallel_loop3A_205 = vector.broadcast %parallel_loop3A_204 : i32 to vector<16xi32>
            %parallel_loop3A_206 = arith.addi %iota3A, %parallel_loop3A_205 : vector<16xi32>
            %parallel_loop3A_207 = tpu.vector_load_idx %arg5[%parallel_loop3A_133, %parallel_loop3A_206] : memref<65x128xf32, #tpu.memory_space<vmem>>[vector<16xi32>, vector<16xi32>], vector<16xf32>,
            %parallel_loop3A_208 = arith.constant 128 : i32
            %parallel_loop3A_209 = arith.muli %parallel_loop3A_119, %parallel_loop3A_208 : i32
            %parallel_loop3A_210 = arith.constant 112 : i32
            %parallel_loop3A_211 = arith.addi %parallel_loop3A_209, %parallel_loop3A_210 : i32
            %parallel_loop3A_212 = arith.index_cast %parallel_loop3A_211 : i32 to index
            %parallel_loop3A_213 = tpu.vector_load %arg8[%parallel_loop3A_212] {strides = array<i32>} : memref<51200xf32, #tpu.memory_space<vmem>>, vector<16xf32>,
            tpu.vector_store %arg8[%parallel_loop3A_212], %parallel_loop3A_207 {strides = array<i32>} : memref<51200xf32, #tpu.memory_space<vmem>>, vector<16xf32>,
          } {sc.loop_unroll_factor = 4 : i64, sc.parallel_access}
          %add3A_96 = arith.constant 192 : i32
          %add3A_97 = arith.addi %mul3A_56, %add3A_96 : i32
          %mul3A_98 = arith.constant 128 : i32
          %mul3A_99 = arith.muli %add3A_97, %mul3A_98 : i32
          %dma_start3A_100 = arith.constant 24576 : i32
          %dma_start3A_101 = tpu.memref_slice %arg8[%dma_start3A_100] : memref<51200xf32, #tpu.memory_space<vmem>> -> memref<12288xf32, #tpu.memory_space<vmem>>
          %dma_start3A_102 = tpu.memref_slice %arg4[%mul3A_99] : memref<12800000xf32, #tpu.memory_space<hbm>> -> memref<12288xf32, #tpu.memory_space<hbm>>
          %dma_start3A_103 = tpu.memref_slice %arg4[%mul3A_99] : memref<12800000xf32, #tpu.memory_space<hbm>> -> memref<12288xf32, #tpu.memory_space<hbm>>
          %dma_start3A_104 = arith.constant 24576 : i32
          %dma_start3A_105 = tpu.memref_slice %arg8[%dma_start3A_104] : memref<51200xf32, #tpu.memory_space<vmem>> -> memref<12288xf32, #tpu.memory_space<vmem>>
          tpu.enqueue_dma source(%dma_start3A_105 : memref<12288xf32, #tpu.memory_space<vmem>>) target(%dma_start3A_103 : memref<12288xf32, #tpu.memory_space<hbm>>) target_semaphore(%arg10 : memref<!tpu.dma_semaphore, #tpu.memory_space<semaphore_mem>>)
          %parallel_loop3A_106 = arith.constant 288 : i32
          %parallel_loop3A_107 = arith.constant 400 : i32
          %parallel_loop3A_108 = arith.constant 1 : i32
          scf.for %parallel_loop3A_119 = %parallel_loop3A_106 to %parallel_loop3A_107 step %parallel_loop3A_108  : i32 {
            %parallel_loop3A_120 = arith.constant 4 : i32
            %parallel_loop3A_121 = arith.shrsi %parallel_loop3A_119, %parallel_loop3A_120 : i32
            %parallel_loop3A_122 = arith.constant 4 : i32
            %parallel_loop3A_123 = arith.shli %parallel_loop3A_121, %parallel_loop3A_122 : i32
            %parallel_loop3A_124 = arith.index_cast %parallel_loop3A_123 : i32 to index
            %parallel_loop3A_125 = tpu.vector_load %arg6[%parallel_loop3A_124] {strides = array<i32>} : memref<400xi32, #tpu.memory_space<vmem>>, vector<16xi32>,
            %parallel_loop3A_126 = arith.constant 0 : i32
            %parallel_loop3A_127 = vector.broadcast %parallel_loop3A_126 : i32 to vector<16x1xi32>
            %parallel_loop3A_128 = arith.constant 15 : i32
            %parallel_loop3A_129 = arith.andi %parallel_loop3A_119, %parallel_loop3A_128 : i32
            %parallel_loop3A_130 = vector.broadcast %parallel_loop3A_129 : i32 to vector<16x1xi32>
            %parallel_loop3A_131 = arith.addi %parallel_loop3A_127, %parallel_loop3A_130 : vector<16x1xi32>
            %parallel_loop3A_132 = vector.shape_cast %parallel_loop3A_131 : vector<16x1xi32> to vector<16xi32>
            %parallel_loop3A_133 = tpu.dynamic_gather %parallel_loop3A_125[%parallel_loop3A_132] in [0] : vector<16xi32>, vector<16xi32> -> vector<16xi32>
            %parallel_loop3A_134 = arith.constant 0 : i32
            %parallel_loop3A_135 = vector.broadcast %parallel_loop3A_134 : i32 to vector<16xi32>
            %parallel_loop3A_136 = arith.addi %iota3A, %parallel_loop3A_135 : vector<16xi32>
            %parallel_loop3A_137 = tpu.vector_load_idx %arg5[%parallel_loop3A_133, %parallel_loop3A_136] : memref<65x128xf32, #tpu.memory_space<vmem>>[vector<16xi32>, vector<16xi32>], vector<16xf32>,
            %parallel_loop3A_138 = arith.constant 128 : i32
            %parallel_loop3A_139 = arith.muli %parallel_loop3A_119, %parallel_loop3A_138 : i32
            %parallel_loop3A_140 = arith.constant 0 : i32
            %parallel_loop3A_141 = arith.addi %parallel_loop3A_139, %parallel_loop3A_140 : i32
            %parallel_loop3A_142 = arith.index_cast %parallel_loop3A_141 : i32 to index
            %parallel_loop3A_143 = tpu.vector_load %arg8[%parallel_loop3A_142] {strides = array<i32>} : memref<51200xf32, #tpu.memory_space<vmem>>, vector<16xf32>,
            tpu.vector_store %arg8[%parallel_loop3A_142], %parallel_loop3A_137 {strides = array<i32>} : memref<51200xf32, #tpu.memory_space<vmem>>, vector<16xf32>,
            %parallel_loop3A_144 = arith.constant 16 : i32
            %parallel_loop3A_145 = vector.broadcast %parallel_loop3A_144 : i32 to vector<16xi32>
            %parallel_loop3A_146 = arith.addi %iota3A, %parallel_loop3A_145 : vector<16xi32>
            %parallel_loop3A_147 = tpu.vector_load_idx %arg5[%parallel_loop3A_133, %parallel_loop3A_146] : memref<65x128xf32, #tpu.memory_space<vmem>>[vector<16xi32>, vector<16xi32>], vector<16xf32>,
            %parallel_loop3A_148 = arith.constant 128 : i32
            %parallel_loop3A_149 = arith.muli %parallel_loop3A_119, %parallel_loop3A_148 : i32
            %parallel_loop3A_150 = arith.constant 16 : i32
            %parallel_loop3A_151 = arith.addi %parallel_loop3A_149, %parallel_loop3A_150 : i32
            %parallel_loop3A_152 = arith.index_cast %parallel_loop3A_151 : i32 to index
            %parallel_loop3A_153 = tpu.vector_load %arg8[%parallel_loop3A_152] {strides = array<i32>} : memref<51200xf32, #tpu.memory_space<vmem>>, vector<16xf32>,
            tpu.vector_store %arg8[%parallel_loop3A_152], %parallel_loop3A_147 {strides = array<i32>} : memref<51200xf32, #tpu.memory_space<vmem>>, vector<16xf32>,
            %parallel_loop3A_154 = arith.constant 32 : i32
            %parallel_loop3A_155 = vector.broadcast %parallel_loop3A_154 : i32 to vector<16xi32>
            %parallel_loop3A_156 = arith.addi %iota3A, %parallel_loop3A_155 : vector<16xi32>
            %parallel_loop3A_157 = tpu.vector_load_idx %arg5[%parallel_loop3A_133, %parallel_loop3A_156] : memref<65x128xf32, #tpu.memory_space<vmem>>[vector<16xi32>, vector<16xi32>], vector<16xf32>,
            %parallel_loop3A_158 = arith.constant 128 : i32
            %parallel_loop3A_159 = arith.muli %parallel_loop3A_119, %parallel_loop3A_158 : i32
            %parallel_loop3A_160 = arith.constant 32 : i32
            %parallel_loop3A_161 = arith.addi %parallel_loop3A_159, %parallel_loop3A_160 : i32
            %parallel_loop3A_162 = arith.index_cast %parallel_loop3A_161 : i32 to index
            %parallel_loop3A_163 = tpu.vector_load %arg8[%parallel_loop3A_162] {strides = array<i32>} : memref<51200xf32, #tpu.memory_space<vmem>>, vector<16xf32>,
            tpu.vector_store %arg8[%parallel_loop3A_162], %parallel_loop3A_157 {strides = array<i32>} : memref<51200xf32, #tpu.memory_space<vmem>>, vector<16xf32>,
            %parallel_loop3A_164 = arith.constant 48 : i32
            %parallel_loop3A_165 = vector.broadcast %parallel_loop3A_164 : i32 to vector<16xi32>
            %parallel_loop3A_166 = arith.addi %iota3A, %parallel_loop3A_165 : vector<16xi32>
            %parallel_loop3A_167 = tpu.vector_load_idx %arg5[%parallel_loop3A_133, %parallel_loop3A_166] : memref<65x128xf32, #tpu.memory_space<vmem>>[vector<16xi32>, vector<16xi32>], vector<16xf32>,
            %parallel_loop3A_168 = arith.constant 128 : i32
            %parallel_loop3A_169 = arith.muli %parallel_loop3A_119, %parallel_loop3A_168 : i32
            %parallel_loop3A_170 = arith.constant 48 : i32
            %parallel_loop3A_171 = arith.addi %parallel_loop3A_169, %parallel_loop3A_170 : i32
            %parallel_loop3A_172 = arith.index_cast %parallel_loop3A_171 : i32 to index
            %parallel_loop3A_173 = tpu.vector_load %arg8[%parallel_loop3A_172] {strides = array<i32>} : memref<51200xf32, #tpu.memory_space<vmem>>, vector<16xf32>,
            tpu.vector_store %arg8[%parallel_loop3A_172], %parallel_loop3A_167 {strides = array<i32>} : memref<51200xf32, #tpu.memory_space<vmem>>, vector<16xf32>,
            %parallel_loop3A_174 = arith.constant 64 : i32
            %parallel_loop3A_175 = vector.broadcast %parallel_loop3A_174 : i32 to vector<16xi32>
            %parallel_loop3A_176 = arith.addi %iota3A, %parallel_loop3A_175 : vector<16xi32>
            %parallel_loop3A_177 = tpu.vector_load_idx %arg5[%parallel_loop3A_133, %parallel_loop3A_176] : memref<65x128xf32, #tpu.memory_space<vmem>>[vector<16xi32>, vector<16xi32>], vector<16xf32>,
            %parallel_loop3A_178 = arith.constant 128 : i32
            %parallel_loop3A_179 = arith.muli %parallel_loop3A_119, %parallel_loop3A_178 : i32
            %parallel_loop3A_180 = arith.constant 64 : i32
            %parallel_loop3A_181 = arith.addi %parallel_loop3A_179, %parallel_loop3A_180 : i32
            %parallel_loop3A_182 = arith.index_cast %parallel_loop3A_181 : i32 to index
            %parallel_loop3A_183 = tpu.vector_load %arg8[%parallel_loop3A_182] {strides = array<i32>} : memref<51200xf32, #tpu.memory_space<vmem>>, vector<16xf32>,
            tpu.vector_store %arg8[%parallel_loop3A_182], %parallel_loop3A_177 {strides = array<i32>} : memref<51200xf32, #tpu.memory_space<vmem>>, vector<16xf32>,
            %parallel_loop3A_184 = arith.constant 80 : i32
            %parallel_loop3A_185 = vector.broadcast %parallel_loop3A_184 : i32 to vector<16xi32>
            %parallel_loop3A_186 = arith.addi %iota3A, %parallel_loop3A_185 : vector<16xi32>
            %parallel_loop3A_187 = tpu.vector_load_idx %arg5[%parallel_loop3A_133, %parallel_loop3A_186] : memref<65x128xf32, #tpu.memory_space<vmem>>[vector<16xi32>, vector<16xi32>], vector<16xf32>,
            %parallel_loop3A_188 = arith.constant 128 : i32
            %parallel_loop3A_189 = arith.muli %parallel_loop3A_119, %parallel_loop3A_188 : i32
            %parallel_loop3A_190 = arith.constant 80 : i32
            %parallel_loop3A_191 = arith.addi %parallel_loop3A_189, %parallel_loop3A_190 : i32
            %parallel_loop3A_192 = arith.index_cast %parallel_loop3A_191 : i32 to index
            %parallel_loop3A_193 = tpu.vector_load %arg8[%parallel_loop3A_192] {strides = array<i32>} : memref<51200xf32, #tpu.memory_space<vmem>>, vector<16xf32>,
            tpu.vector_store %arg8[%parallel_loop3A_192], %parallel_loop3A_187 {strides = array<i32>} : memref<51200xf32, #tpu.memory_space<vmem>>, vector<16xf32>,
            %parallel_loop3A_194 = arith.constant 96 : i32
            %parallel_loop3A_195 = vector.broadcast %parallel_loop3A_194 : i32 to vector<16xi32>
            %parallel_loop3A_196 = arith.addi %iota3A, %parallel_loop3A_195 : vector<16xi32>
            %parallel_loop3A_197 = tpu.vector_load_idx %arg5[%parallel_loop3A_133, %parallel_loop3A_196] : memref<65x128xf32, #tpu.memory_space<vmem>>[vector<16xi32>, vector<16xi32>], vector<16xf32>,
            %parallel_loop3A_198 = arith.constant 128 : i32
            %parallel_loop3A_199 = arith.muli %parallel_loop3A_119, %parallel_loop3A_198 : i32
            %parallel_loop3A_200 = arith.constant 96 : i32
            %parallel_loop3A_201 = arith.addi %parallel_loop3A_199, %parallel_loop3A_200 : i32
            %parallel_loop3A_202 = arith.index_cast %parallel_loop3A_201 : i32 to index
            %parallel_loop3A_203 = tpu.vector_load %arg8[%parallel_loop3A_202] {strides = array<i32>} : memref<51200xf32, #tpu.memory_space<vmem>>, vector<16xf32>,
            tpu.vector_store %arg8[%parallel_loop3A_202], %parallel_loop3A_197 {strides = array<i32>} : memref<51200xf32, #tpu.memory_space<vmem>>, vector<16xf32>,
            %parallel_loop3A_204 = arith.constant 112 : i32
            %parallel_loop3A_205 = vector.broadcast %parallel_loop3A_204 : i32 to vector<16xi32>
            %parallel_loop3A_206 = arith.addi %iota3A, %parallel_loop3A_205 : vector<16xi32>
            %parallel_loop3A_207 = tpu.vector_load_idx %arg5[%parallel_loop3A_133, %parallel_loop3A_206] : memref<65x128xf32, #tpu.memory_space<vmem>>[vector<16xi32>, vector<16xi32>], vector<16xf32>,
            %parallel_loop3A_208 = arith.constant 128 : i32
            %parallel_loop3A_209 = arith.muli %parallel_loop3A_119, %parallel_loop3A_208 : i32
            %parallel_loop3A_210 = arith.constant 112 : i32
            %parallel_loop3A_211 = arith.addi %parallel_loop3A_209, %parallel_loop3A_210 : i32
            %parallel_loop3A_212 = arith.index_cast %parallel_loop3A_211 : i32 to index
            %parallel_loop3A_213 = tpu.vector_load %arg8[%parallel_loop3A_212] {strides = array<i32>} : memref<51200xf32, #tpu.memory_space<vmem>>, vector<16xf32>,
            tpu.vector_store %arg8[%parallel_loop3A_212], %parallel_loop3A_207 {strides = array<i32>} : memref<51200xf32, #tpu.memory_space<vmem>>, vector<16xf32>,
          } {sc.loop_unroll_factor = 4 : i64, sc.parallel_access}
          %add3A_109 = arith.constant 288 : i32
          %add3A_110 = arith.addi %mul3A_56, %add3A_109 : i32
          %mul3A_111 = arith.constant 128 : i32
          %mul3A_112 = arith.muli %add3A_110, %mul3A_111 : i32
          %dma_start3A_113 = arith.constant 36864 : i32
          %dma_start3A_114 = tpu.memref_slice %arg8[%dma_start3A_113] : memref<51200xf32, #tpu.memory_space<vmem>> -> memref<14336xf32, #tpu.memory_space<vmem>>
          %dma_start3A_115 = tpu.memref_slice %arg4[%mul3A_112] : memref<12800000xf32, #tpu.memory_space<hbm>> -> memref<14336xf32, #tpu.memory_space<hbm>>
          %dma_start3A_116 = tpu.memref_slice %arg4[%mul3A_112] : memref<12800000xf32, #tpu.memory_space<hbm>> -> memref<14336xf32, #tpu.memory_space<hbm>>
          %dma_start3A_117 = arith.constant 36864 : i32
          %dma_start3A_118 = tpu.memref_slice %arg8[%dma_start3A_117] : memref<51200xf32, #tpu.memory_space<vmem>> -> memref<14336xf32, #tpu.memory_space<vmem>>
          tpu.enqueue_dma source(%dma_start3A_118 : memref<14336xf32, #tpu.memory_space<vmem>>) target(%dma_start3A_116 : memref<14336xf32, #tpu.memory_space<hbm>>) target_semaphore(%arg10 : memref<!tpu.dma_semaphore, #tpu.memory_space<semaphore_mem>>)
        } else {
        }
        %gt3A = arith.constant 0 : i32
        %gt3A_65 = arith.cmpi sgt, %add3A_46, %gt3A : i32
        %convert_element_type3A_66 = arith.extui %gt3A_65 : i1 to i32
        %cond3A_67 = arith.constant 0 : i32
        %cond3A_68 = arith.cmpi ne, %convert_element_type3A_66, %cond3A_67 : i32
        scf.if %cond3A_68 {
          %parallel_loop3A = arith.constant 0 : i32
          %parallel_loop3A_69 = arith.constant 400 : i32
          %parallel_loop3A_70 = arith.constant 1 : i32
          scf.for %parallel_loop3A_74 = %parallel_loop3A to %parallel_loop3A_69 step %parallel_loop3A_70  : i32 {
            %parallel_loop3A_75 = arith.constant 4 : i32
            %parallel_loop3A_76 = arith.shrsi %parallel_loop3A_74, %parallel_loop3A_75 : i32
            %parallel_loop3A_77 = arith.constant 4 : i32
            %parallel_loop3A_78 = arith.shli %parallel_loop3A_76, %parallel_loop3A_77 : i32
            %parallel_loop3A_79 = arith.index_cast %parallel_loop3A_78 : i32 to index
            %parallel_loop3A_80 = tpu.vector_load %arg6[%parallel_loop3A_79] {strides = array<i32>} : memref<400xi32, #tpu.memory_space<vmem>>, vector<16xi32>,
            %parallel_loop3A_81 = arith.constant 0 : i32
            %parallel_loop3A_82 = vector.broadcast %parallel_loop3A_81 : i32 to vector<16x1xi32>
            %parallel_loop3A_83 = arith.constant 15 : i32
            %parallel_loop3A_84 = arith.andi %parallel_loop3A_74, %parallel_loop3A_83 : i32
            %parallel_loop3A_85 = vector.broadcast %parallel_loop3A_84 : i32 to vector<16x1xi32>
            %parallel_loop3A_86 = arith.addi %parallel_loop3A_82, %parallel_loop3A_85 : vector<16x1xi32>
            %parallel_loop3A_87 = vector.shape_cast %parallel_loop3A_86 : vector<16x1xi32> to vector<16xi32>
            %parallel_loop3A_88 = tpu.dynamic_gather %parallel_loop3A_80[%parallel_loop3A_87] in [0] : vector<16xi32>, vector<16xi32> -> vector<16xi32>
            %parallel_loop3A_89 = arith.constant 0 : i32
            %parallel_loop3A_90 = vector.broadcast %parallel_loop3A_89 : i32 to vector<16xi32>
            %parallel_loop3A_91 = arith.addi %iota3A, %parallel_loop3A_90 : vector<16xi32>
            %parallel_loop3A_92 = tpu.vector_load_idx %arg5[%parallel_loop3A_88, %parallel_loop3A_91] : memref<65x128xf32, #tpu.memory_space<vmem>>[vector<16xi32>, vector<16xi32>], vector<16xf32>,
            %parallel_loop3A_93 = arith.constant 128 : i32
            %parallel_loop3A_94 = arith.muli %parallel_loop3A_74, %parallel_loop3A_93 : i32
            %parallel_loop3A_95 = arith.constant 0 : i32
            %parallel_loop3A_96 = arith.addi %parallel_loop3A_94, %parallel_loop3A_95 : i32
            %parallel_loop3A_97 = arith.index_cast %parallel_loop3A_96 : i32 to index
            %parallel_loop3A_98 = tpu.vector_load %arg8[%parallel_loop3A_97] {strides = array<i32>} : memref<51200xf32, #tpu.memory_space<vmem>>, vector<16xf32>,
            tpu.vector_store %arg8[%parallel_loop3A_97], %parallel_loop3A_92 {strides = array<i32>} : memref<51200xf32, #tpu.memory_space<vmem>>, vector<16xf32>,
            %parallel_loop3A_99 = arith.constant 16 : i32
            %parallel_loop3A_100 = vector.broadcast %parallel_loop3A_99 : i32 to vector<16xi32>
            %parallel_loop3A_101 = arith.addi %iota3A, %parallel_loop3A_100 : vector<16xi32>
            %parallel_loop3A_102 = tpu.vector_load_idx %arg5[%parallel_loop3A_88, %parallel_loop3A_101] : memref<65x128xf32, #tpu.memory_space<vmem>>[vector<16xi32>, vector<16xi32>], vector<16xf32>,
            %parallel_loop3A_103 = arith.constant 128 : i32
            %parallel_loop3A_104 = arith.muli %parallel_loop3A_74, %parallel_loop3A_103 : i32
            %parallel_loop3A_105 = arith.constant 16 : i32
            %parallel_loop3A_106 = arith.addi %parallel_loop3A_104, %parallel_loop3A_105 : i32
            %parallel_loop3A_107 = arith.index_cast %parallel_loop3A_106 : i32 to index
            %parallel_loop3A_108 = tpu.vector_load %arg8[%parallel_loop3A_107] {strides = array<i32>} : memref<51200xf32, #tpu.memory_space<vmem>>, vector<16xf32>,
            tpu.vector_store %arg8[%parallel_loop3A_107], %parallel_loop3A_102 {strides = array<i32>} : memref<51200xf32, #tpu.memory_space<vmem>>, vector<16xf32>,
            %parallel_loop3A_109 = arith.constant 32 : i32
            %parallel_loop3A_110 = vector.broadcast %parallel_loop3A_109 : i32 to vector<16xi32>
            %parallel_loop3A_111 = arith.addi %iota3A, %parallel_loop3A_110 : vector<16xi32>
            %parallel_loop3A_112 = tpu.vector_load_idx %arg5[%parallel_loop3A_88, %parallel_loop3A_111] : memref<65x128xf32, #tpu.memory_space<vmem>>[vector<16xi32>, vector<16xi32>], vector<16xf32>,
            %parallel_loop3A_113 = arith.constant 128 : i32
            %parallel_loop3A_114 = arith.muli %parallel_loop3A_74, %parallel_loop3A_113 : i32
            %parallel_loop3A_115 = arith.constant 32 : i32
            %parallel_loop3A_116 = arith.addi %parallel_loop3A_114, %parallel_loop3A_115 : i32
            %parallel_loop3A_117 = arith.index_cast %parallel_loop3A_116 : i32 to index
            %parallel_loop3A_118 = tpu.vector_load %arg8[%parallel_loop3A_117] {strides = array<i32>} : memref<51200xf32, #tpu.memory_space<vmem>>, vector<16xf32>,
            tpu.vector_store %arg8[%parallel_loop3A_117], %parallel_loop3A_112 {strides = array<i32>} : memref<51200xf32, #tpu.memory_space<vmem>>, vector<16xf32>,
            %parallel_loop3A_119 = arith.constant 48 : i32
            %parallel_loop3A_120 = vector.broadcast %parallel_loop3A_119 : i32 to vector<16xi32>
            %parallel_loop3A_121 = arith.addi %iota3A, %parallel_loop3A_120 : vector<16xi32>
            %parallel_loop3A_122 = tpu.vector_load_idx %arg5[%parallel_loop3A_88, %parallel_loop3A_121] : memref<65x128xf32, #tpu.memory_space<vmem>>[vector<16xi32>, vector<16xi32>], vector<16xf32>,
            %parallel_loop3A_123 = arith.constant 128 : i32
            %parallel_loop3A_124 = arith.muli %parallel_loop3A_74, %parallel_loop3A_123 : i32
            %parallel_loop3A_125 = arith.constant 48 : i32
            %parallel_loop3A_126 = arith.addi %parallel_loop3A_124, %parallel_loop3A_125 : i32
            %parallel_loop3A_127 = arith.index_cast %parallel_loop3A_126 : i32 to index
            %parallel_loop3A_128 = tpu.vector_load %arg8[%parallel_loop3A_127] {strides = array<i32>} : memref<51200xf32, #tpu.memory_space<vmem>>, vector<16xf32>,
            tpu.vector_store %arg8[%parallel_loop3A_127], %parallel_loop3A_122 {strides = array<i32>} : memref<51200xf32, #tpu.memory_space<vmem>>, vector<16xf32>,
            %parallel_loop3A_129 = arith.constant 64 : i32
            %parallel_loop3A_130 = vector.broadcast %parallel_loop3A_129 : i32 to vector<16xi32>
            %parallel_loop3A_131 = arith.addi %iota3A, %parallel_loop3A_130 : vector<16xi32>
            %parallel_loop3A_132 = tpu.vector_load_idx %arg5[%parallel_loop3A_88, %parallel_loop3A_131] : memref<65x128xf32, #tpu.memory_space<vmem>>[vector<16xi32>, vector<16xi32>], vector<16xf32>,
            %parallel_loop3A_133 = arith.constant 128 : i32
            %parallel_loop3A_134 = arith.muli %parallel_loop3A_74, %parallel_loop3A_133 : i32
            %parallel_loop3A_135 = arith.constant 64 : i32
            %parallel_loop3A_136 = arith.addi %parallel_loop3A_134, %parallel_loop3A_135 : i32
            %parallel_loop3A_137 = arith.index_cast %parallel_loop3A_136 : i32 to index
            %parallel_loop3A_138 = tpu.vector_load %arg8[%parallel_loop3A_137] {strides = array<i32>} : memref<51200xf32, #tpu.memory_space<vmem>>, vector<16xf32>,
            tpu.vector_store %arg8[%parallel_loop3A_137], %parallel_loop3A_132 {strides = array<i32>} : memref<51200xf32, #tpu.memory_space<vmem>>, vector<16xf32>,
            %parallel_loop3A_139 = arith.constant 80 : i32
            %parallel_loop3A_140 = vector.broadcast %parallel_loop3A_139 : i32 to vector<16xi32>
            %parallel_loop3A_141 = arith.addi %iota3A, %parallel_loop3A_140 : vector<16xi32>
            %parallel_loop3A_142 = tpu.vector_load_idx %arg5[%parallel_loop3A_88, %parallel_loop3A_141] : memref<65x128xf32, #tpu.memory_space<vmem>>[vector<16xi32>, vector<16xi32>], vector<16xf32>,
            %parallel_loop3A_143 = arith.constant 128 : i32
            %parallel_loop3A_144 = arith.muli %parallel_loop3A_74, %parallel_loop3A_143 : i32
            %parallel_loop3A_145 = arith.constant 80 : i32
            %parallel_loop3A_146 = arith.addi %parallel_loop3A_144, %parallel_loop3A_145 : i32
            %parallel_loop3A_147 = arith.index_cast %parallel_loop3A_146 : i32 to index
            %parallel_loop3A_148 = tpu.vector_load %arg8[%parallel_loop3A_147] {strides = array<i32>} : memref<51200xf32, #tpu.memory_space<vmem>>, vector<16xf32>,
            tpu.vector_store %arg8[%parallel_loop3A_147], %parallel_loop3A_142 {strides = array<i32>} : memref<51200xf32, #tpu.memory_space<vmem>>, vector<16xf32>,
            %parallel_loop3A_149 = arith.constant 96 : i32
            %parallel_loop3A_150 = vector.broadcast %parallel_loop3A_149 : i32 to vector<16xi32>
            %parallel_loop3A_151 = arith.addi %iota3A, %parallel_loop3A_150 : vector<16xi32>
            %parallel_loop3A_152 = tpu.vector_load_idx %arg5[%parallel_loop3A_88, %parallel_loop3A_151] : memref<65x128xf32, #tpu.memory_space<vmem>>[vector<16xi32>, vector<16xi32>], vector<16xf32>,
            %parallel_loop3A_153 = arith.constant 128 : i32
            %parallel_loop3A_154 = arith.muli %parallel_loop3A_74, %parallel_loop3A_153 : i32
            %parallel_loop3A_155 = arith.constant 96 : i32
            %parallel_loop3A_156 = arith.addi %parallel_loop3A_154, %parallel_loop3A_155 : i32
            %parallel_loop3A_157 = arith.index_cast %parallel_loop3A_156 : i32 to index
            %parallel_loop3A_158 = tpu.vector_load %arg8[%parallel_loop3A_157] {strides = array<i32>} : memref<51200xf32, #tpu.memory_space<vmem>>, vector<16xf32>,
            tpu.vector_store %arg8[%parallel_loop3A_157], %parallel_loop3A_152 {strides = array<i32>} : memref<51200xf32, #tpu.memory_space<vmem>>, vector<16xf32>,
            %parallel_loop3A_159 = arith.constant 112 : i32
            %parallel_loop3A_160 = vector.broadcast %parallel_loop3A_159 : i32 to vector<16xi32>
            %parallel_loop3A_161 = arith.addi %iota3A, %parallel_loop3A_160 : vector<16xi32>
            %parallel_loop3A_162 = tpu.vector_load_idx %arg5[%parallel_loop3A_88, %parallel_loop3A_161] : memref<65x128xf32, #tpu.memory_space<vmem>>[vector<16xi32>, vector<16xi32>], vector<16xf32>,
            %parallel_loop3A_163 = arith.constant 128 : i32
            %parallel_loop3A_164 = arith.muli %parallel_loop3A_74, %parallel_loop3A_163 : i32
            %parallel_loop3A_165 = arith.constant 112 : i32
            %parallel_loop3A_166 = arith.addi %parallel_loop3A_164, %parallel_loop3A_165 : i32
            %parallel_loop3A_167 = arith.index_cast %parallel_loop3A_166 : i32 to index
            %parallel_loop3A_168 = tpu.vector_load %arg8[%parallel_loop3A_167] {strides = array<i32>} : memref<51200xf32, #tpu.memory_space<vmem>>, vector<16xf32>,
            tpu.vector_store %arg8[%parallel_loop3A_167], %parallel_loop3A_162 {strides = array<i32>} : memref<51200xf32, #tpu.memory_space<vmem>>, vector<16xf32>,
          } {sc.loop_unroll_factor = 4 : i64, sc.parallel_access}
          %mul3A_71 = arith.constant 128 : i32
          %mul3A_72 = arith.muli %mul3A_56, %mul3A_71 : i32
          %dma_start3A = tpu.memref_slice %arg4[%mul3A_72] : memref<12800000xf32, #tpu.memory_space<hbm>> -> memref<51200xf32, #tpu.memory_space<hbm>>
          %dma_start3A_73 = tpu.memref_slice %arg4[%mul3A_72] : memref<12800000xf32, #tpu.memory_space<hbm>> -> memref<51200xf32, #tpu.memory_space<hbm>>
          tpu.enqueue_dma source(%arg8 : memref<51200xf32, #tpu.memory_space<vmem>>) target(%dma_start3A_73 : memref<51200xf32, #tpu.memory_space<hbm>>) target_semaphore(%arg10 : memref<!tpu.dma_semaphore, #tpu.memory_space<semaphore_mem>>)
        } else {
        }
      } else {
      }
      %scan3A_51 = arith.constant 0 : i32
      scf.yield %scan3A_51 : i32
    }
    %scan3A_28 = arith.constant 4 : i32
    %dma_wait3A = arith.constant 0 : i32
    %dma_wait3A_29 = tpu.memref_slice %arg4[%dma_wait3A] : memref<12800000xf32, #tpu.memory_space<hbm>> -> memref<51200xf32, #tpu.memory_space<hbm>>
    %dma_wait3A_30 = arith.constant 0 : i32
    %dma_wait3A_31 = tpu.memref_slice %arg4[%dma_wait3A_30] : memref<12800000xf32, #tpu.memory_space<hbm>> -> memref<51200xf32, #tpu.memory_space<hbm>>
    tpu.wait_dma2 semaphore(%arg9 : memref<!tpu.dma_semaphore, #tpu.memory_space<semaphore_mem>>) src(%arg7 : memref<51200xf32, #tpu.memory_space<vmem>>) dst(%dma_wait3A_31 : memref<51200xf32, #tpu.memory_space<hbm>>)
    %dma_wait3A_32 = arith.constant 0 : i32
    %dma_wait3A_33 = tpu.memref_slice %arg4[%dma_wait3A_32] : memref<12800000xf32, #tpu.memory_space<hbm>> -> memref<51200xf32, #tpu.memory_space<hbm>>
    %dma_wait3A_34 = arith.constant 0 : i32
    %dma_wait3A_35 = tpu.memref_slice %arg4[%dma_wait3A_34] : memref<12800000xf32, #tpu.memory_space<hbm>> -> memref<51200xf32, #tpu.memory_space<hbm>>
    tpu.wait_dma2 semaphore(%arg10 : memref<!tpu.dma_semaphore, #tpu.memory_space<semaphore_mem>>) src(%arg8 : memref<51200xf32, #tpu.memory_space<vmem>>) dst(%dma_wait3A_35 : memref<51200xf32, #tpu.memory_space<hbm>>)
    return
  }
}

</mosaic_0001>

<sc_bundles>
// kernel: kernel.3.cloned.1.call-start
scs
__scs_entry_jumppad:
0x0: {  	(pc) =	sbr.rel $0x88, $3  }
0x1: {  	(tag) =	ssettag $0x0;
	lr =	simm.s32 $0x1  }
0x2: {  	[smem:$0x3F9F] =	sst lr;
	_ =	strace $0xD0000000  }
0x3: {  	_ = 	snop  }
0x4: {  	_ = 	snop  }
0x5: {  	_ = 	snop  }
0x6: {  	_ = 	snop  }
0x7: {  	_ = 	snop  }
__scs_overlays_trampoline_lowered:
0x8: {  	[smem:$0x3FAE] =	sst s0  }
0x9: {  	[smem:$0x3FAF] =	sst s1  }
0xa: {  	[smem:$0x3FB0] =	sst s2  }
0xb: {  	[smem:$0x3FB1] =	sst s3  }
0xc: {  	[smem:$0x3FB2] =	sst s4  }
0xd: {  	[smem:$0x3FB3] =	sst s5  }
0xe: {  	[smem:$0x3FB4] =	sst s6  }
0xf: {  	[smem:$0x3FB5] =	sst s7  }
0x10: {  	[smem:$0x3FB6] =	sst s8  }
0x11: {  	[smem:$0x3FB7] =	sst s9;
	s0 =	simm.s32 @!p0 $0x0  }
0x12: {  	s1 =	sld [smem:$0x3F9D];
	s0 =	simm.s32 @p0 $0x1  }
0x13: {  	[smem:$0x3FB8] =	sst s0;
	s0 =	simm.s32 @!p1 $0x0  }
0x14: {  	s2 =	sld [smem:$0x3F9C];
	s0 =	simm.s32 @p1 $0x1  }
0x15: {  	[smem:$0x3FB9] =	sst s0;
	s0 =	simm.s32 @!p2 $0x0  }
0x16: {  	s3 =	sld [smem:$0x3FDB];
	s0 =	simm.s32 @p2 $0x1  }
0x17: {  	s4 =	simm.s32 $0x1BF5;
	[smem:$0x3FBB] =	sst s0  }
0x18: {  	s0 =	sld [smem:$0x3F9E];
	_ =	swait.ge [sflag:s4], $0x0  }
0x19: {  	s7 =	sld [smem:$0x3F9F]  }
0x1a: {  	s8 =	sadd.s32 $0xFFFFE003, lr  }
0x1b: {  	s9 =	sadd.s32 $0xFFFFFEF7, lr;
	s5 =	simm.s32 $0xFFFFFFFF;
	p2 =	slt.u32 s8, $0xFFFFF086  }
0x1c: {  	p1 =	slt.u32 s9, $0xF7A;
	s5 =	simm.s32 @!p2 $0x0  }
0x1d: {  	s5 =	simm.s32 @p1 $0x1;
	p0 =	seq.s32 s7, s2  }
0x1e: {  	s7 =	smul.u32 @!p0 $0xF7A, s2;
	p2 =	seq.s32 @!p0 s5, $0x0  }
0x1f: {  	s9 =	smul.u32 $0xF7A, s1;
	s8 =	simm.s32 @!p0 $0x1BF5;
	p2 =	por !p2, p0  }
0x20: {  	[sflag:s8] =	ssyncset.s32 @!p0 $0xFFFFF086;
	s6 =	sadd.s32 @!p0 s3, s7;
	s7 =	simm.s32 @!p0 $0x108  }
0x21: {  	s3 =	sadd.s32 s3, s9;
	s6 =	sadd.s32 @!p0 $0x88, s6;
	s7 =	simm.s32 @p2 $0x1082  }
0x22: {  	[simem:s7], [sflag:s8] =	dma.local @!p0 [hbm:s6], $0xF7A  }
0x23: {  	s9 =	sor.u32 $0xD0000000, s2;
	s6 =	simm.s32 $0x108;
	_ =	swait.ge @!p0 [sflag:s8], $0x0  }
0x24: {  	s3 =	sadd.s32 $0x88, s3;
	s6 =	simm.s32 @!p1 $0x1082;
	[sflag:s4] =	ssyncset.s32 $0xFFFFF086  }
0x25: {  	[simem:s6], [sflag:s4] =	dma.local [hbm:s3], $0xF7A  }
0x26: {  	[smem:$0x3F9F] =	sst s1;
	(tag) =	ssettag s2;
	_ =	strace s9  }
0x27: {  	s1 =	sld [smem:$0x3FAF]  }
0x28: {  	s2 =	sld [smem:$0x3FB0]  }
0x29: {  	s4 =	sld [smem:$0x3FB2]  }
0x2a: {  	p0 =	seq.s32 s5, $0x0;
	s5 =	sld [smem:$0x3FB3]  }
0x2b: {  	s6 =	sld [smem:$0x3FB4]  }
0x2c: {  	s7 =	sld [smem:$0x3FB5]  }
0x2d: {  	s3 =	simm.s32 $0x108;
	s8 =	sld [smem:$0x3FB6]  }
0x2e: {  	s3 =	simm.s32 @!p0 $0x1082;
	s9 =	sld [smem:$0x3FB7]  }
0x2f: {  	lr =	sadd.s32 s0, s3;
	s0 =	sld [smem:$0x3FAE]  }
0x30: {  	s3 =	sld [smem:$0x3FB1]  }
0x31: {  	[smem:$0x3FBA] =	sst s10  }
0x32: {  	s10 =	sld [smem:$0x3FB8];
	_ =	sdelay $0x3  }
0x33: {  	p0 =	seq.s32 s10, $0x1;
	s10 =	sld [smem:$0x3FBA];
	_ =	sdelay $0x3  }
0x34: {  	[smem:$0x3FBA] =	sst s10  }
0x35: {  	s10 =	sld [smem:$0x3FB9];
	_ =	sdelay $0x3  }
0x36: {  	p1 =	seq.s32 s10, $0x1;
	s10 =	sld [smem:$0x3FBA];
	_ =	sdelay $0x3  }
0x37: {  	[smem:$0x3FBA] =	sst s10  }
0x38: {  	s10 =	sld [smem:$0x3FBB]  }
0x39: {  	_ = 	snop;
	(pc) =	sbr.ind lr, $3  }
0x3a: {  	_ = 	snop  }
0x3b: {  	_ = 	snop  }
0x3c: {  	p2 =	seq.s32 s10, $0x1;
	s10 =	sld [smem:$0x3FBA]  }
0x3d: {  	_ =	shalt  }
0x3e: {  	_ =	shalt  }
0x3f: {  	_ =	shalt  }
0x40: {  	_ =	shalt  }
0x41: {  	_ =	shalt  }
0x42: {  	_ =	shalt  }
0x43: {  	_ =	shalt  }
0x44: {  	_ =	shalt  }
0x45: {  	_ =	shalt  }
0x46: {  	_ =	shalt  }
0x47: {  	_ =	shalt  }
0x48: {  	_ =	shalt  }
0x49: {  	_ =	shalt  }
0x4a: {  	_ =	shalt  }
0x4b: {  	_ =	shalt  }
0x4c: {  	_ =	shalt  }
0x4d: {  	_ =	shalt  }
0x4e: {  	_ =	shalt  }
0x4f: {  	_ =	shalt  }
0x50: {  	_ =	shalt  }
0x51: {  	_ =	shalt  }
0x52: {  	_ =	shalt  }
0x53: {  	_ =	shalt  }
0x54: {  	_ =	shalt  }
0x55: {  	_ =	shalt  }
0x56: {  	_ =	shalt  }
0x57: {  	_ =	shalt  }
0x58: {  	_ =	shalt  }
0x59: {  	_ =	shalt  }
0x5a: {  	_ =	shalt  }
0x5b: {  	_ =	shalt  }
0x5c: {  	_ =	shalt  }
0x5d: {  	_ =	shalt  }
0x5e: {  	_ =	shalt  }
0x5f: {  	_ =	shalt  }
0x60: {  	_ =	shalt  }
0x61: {  	_ =	shalt  }
0x62: {  	_ =	shalt  }
0x63: {  	_ =	shalt  }
0x64: {  	_ =	shalt  }
0x65: {  	_ =	shalt  }
0x66: {  	_ =	shalt  }
0x67: {  	_ =	shalt  }
0x68: {  	_ =	shalt  }
0x69: {  	_ =	shalt  }
0x6a: {  	_ =	shalt  }
0x6b: {  	_ =	shalt  }
0x6c: {  	_ =	shalt  }
0x6d: {  	_ =	shalt  }
0x6e: {  	_ =	shalt  }
0x6f: {  	_ =	shalt  }
0x70: {  	_ =	shalt  }
0x71: {  	_ =	shalt  }
0x72: {  	_ =	shalt  }
0x73: {  	_ =	shalt  }
0x74: {  	_ =	shalt  }
0x75: {  	_ =	shalt  }
0x76: {  	_ =	shalt  }
0x77: {  	_ =	shalt  }
0x78: {  	_ =	shalt  }
0x79: {  	_ =	shalt  }
0x7a: {  	_ =	shalt  }
0x7b: {  	_ =	shalt  }
0x7c: {  	_ =	shalt  }
0x7d: {  	_ =	shalt  }
0x7e: {  	_ =	shalt  }
0x7f: {  	_ =	shalt  }
0x80: {  	_ =	shalt  }
0x81: {  	_ =	shalt  }
0x82: {  	_ =	shalt  }
0x83: {  	_ =	shalt  }
0x84: {  	_ =	shalt  }
0x85: {  	_ =	shalt  }
0x86: {  	_ =	shalt  }
0x87: {  	_ =	shalt  }
.Lfunc_end0:
.L_simem_size_0:
called_computation_lowered:
.L_overlay_start_0:
0x88: {  	s2 =	sld [smem:$0x3FD9]  }
0x89: {  	s3 =	sld [smem:$0x3FFE];
	_ =	sdelay $0x1  }
0x8a: {  	s1 =	srdreg.scid  }
0x8b: {  	s0 =	sand.u32 $0x1, s1  }
0x8c: {  	s18 =	sshll.u32 s0, $0xA;
	s2 =	sadd.s32 s3, s2  }
0x8d: {  	s2 =	sadd.s32 s2, s18  }
0x8e: {  	[smem:$0x3FC6] =	sst s2  }
0x8f: {  	_ = 	snop  }
0x90: {  	s2 =	sld [smem:$0x3FC9]  }
0x91: {  	s19 =	sld [smem:$0x3FC8]  }
0x92: {  	s4 =	sld [smem:$0x3FD0];
	(tm) =	ssettm $0x1  }
0x93: {  	s5 =	sld [smem:$0x3FFB];
	_ =	sdelay $0x3  }
0x94: {  	_ =	strace s5  }
0x95: {  	s5 =	sld [smem:$0x3FFC];
	_ =	sdelay $0x3  }
0x96: {  	_ =	strace s5  }
0x97: {  	s5 =	sld [smem:$0x3FFD];
	_ =	sdelay $0x3  }
0x98: {  	_ =	strace s5  }
0x99: {  	_ =	strace $0x8FFFFFFF  }
0x9a: {  	s20 =	sld [smem:$0x3FDB];
	_ =	sdelay $0x1  }
0x9b: {  	s6 =	simm.s32 $_scs_section_size  }
0x9c: {  	s7 =	simm.s32 $_size__tile_overlayer_lowered;
	s8 =	simm.s32 $_tile_overlayer_lowered  }
0x9d: {  	s23 =	simm.s32 $0x1BFF;
	s22 =	sshll.u32 s8, $0x1;
	s5 =	sadd.s32 s6, s20  }
0x9e: {  	s9 =	simm.s32 $0x0;
	s21 =	sshll.u32 s7, $0x1;
	s7 =	sadd.s32 s22, s5  }
0x9f: {  	[timem:s9], [sflag:s23] =	dma.local [hbm:s7], s21  }
0xa0: {  	_ =	swait.ge [sflag:s23], s21  }
0xa1: {  	s6 =	ssub.s32 $0x0, s21;
	[sflag:s23] =	ssyncset.done $0x0  }
0xa2: {  	[sflag:s23] =	ssyncadd.s32 s6;
	_ =	sdelay $0x1  }
0xa3: {  	s24 =	simm.s32 $0x1B8B  }
0xa4: {  	_ =	swait.ge [sflag:s24], $0x1  }
0xa5: {  	[sflag:s24] =	ssyncset.done $0x0  }
0xa6: {  	s25 =	simm.s32 $0x1B8E;
	[sflag:s24] =	ssyncadd.s32 $0xFFFFFFFF  }
0xa7: {  	s26 =	simm.s32 $execute0_lowered;
	[smem:$0x3FD2] =	sst s25  }
0xa8: {  	s6 =	sshll.u32 s26, $0x1;
	_ =	strace $0x80000046;
	[dreg:$0x1] =	wrdreg $0xFFFFFFFF  }
0xa9: {  	s28 =	simm.s32 $_size_execute0_lowered;
	s5 =	sadd.s32 s5, s6;
	[dreg:$0x0] =	wrdreg $0x0  }
0xaa: {  	s6 =	sshll.u32 s28, $0x1;
	[dreg:$0x2] =	wrdreg s5  }
0xab: {  	[dreg:$0x3] =	wrdreg s6  }
0xac: {  	[dreg:$0x4] =	wrdreg $0xC0  }
0xad: {  	_ =	task [dreg:s9], $0x5FFFF  }
0xae: {  	[dreg:$0x1] =	wrdreg $0xFFFFFFFF  }
0xaf: {  	[dreg:$0x0] =	wrdreg $0x60  }
0xb0: {  	[dreg:$0x2] =	wrdreg s2  }
0xb1: {  	[dreg:$0x3] =	wrdreg s19  }
0xb2: {  	[dreg:$0x4] =	wrdreg s4  }
0xb3: {  	[dreg:$0x5] =	wrdreg $0x9  }
0xb4: {  	_ =	task.clear_ibuf [dreg:s9], $0x6FFFF;
	_ =	strace $0x90000046  }
0xb5: {  	s29 =	simm.s32 $0x9;
	_ =	strace $0x80000048  }
0xb6: {  	_ =	swait.ge [sflag:s29], $0x1  }
0xb7: {  	[sflag:s29] =	ssyncadd.s32 $0xFFFFFFFF  }
0xb8: {  	_ =	strace $0x90000048  }
0xb9: {  	_ =	sfence  }
0xba: {  	s30 =	sld [smem:$0x0];
	_ =	sdelay $0x2  }
0xbb: {  	s31 =	sshll.u32 s1, $0xD;
	s1 =	sshrl.u32 s1, $0x2  }
0xbc: {  	s3 =	sand.u32 $0x4000, s31;
	s1 =	sadd.s32 s1, s30  }
0xbd: {  	s0 =	sor.u32 s3, s0;
	s1 =	sshll.u32 s1, $0x11  }
0xbe: {  	s0 =	sor.u32 s1, s0  }
0xbf: {  	s0 =	sadd.s32 $0x8F2B, s0  }
0xc0: {  	[sflag:s0] =	ssyncadd.remote.s32 $0x1  }
0xc1: {  	_ =	sfence.sel $0xFFFF  }
0xc2: {  	[dreg:$0x0] =	wrdreg $0xFFFFFFFF;
	(pc) =	sbr.abs _section_cstart, $3  }
0xc3: {  	[dreg:$0x1] =	wrdreg $0xFFFFFFFF  }
0xc4: {  	_ =	task.clear_ibuf [dreg:s9], $0x2FFFF;
	_ =	strace $0x9FFFFFFF  }
0xc5: {  	(tm) =	ssettm $0x7FFFFFFF  }
tec
execute0_lowered:
.L_overlay_start_1:
0x0: {  	(tag) =	ssettag $0x1  }
0x1: {  	s1 =	rddreg [dreg:$0x0];
	s2 =	srdreg.scid  }
0x2: {  	s0 =	stileid.u32;
	s4 =	rddreg [dreg:$0x2]  }
0x3: {  	s5 =	simm.s32 $0x0;
	s14 =	simm.s32 $0x3;
	s15 =	simm.s32 $0x2400  }
0x4: {  	s16 =	simm.s32 $0x2600;
	s17 =	simm.s32 $0x5600;
	s18 =	simm.s32 $0x8600  }
0x5: {  	s19 =	simm.s32 $0xB600;
	s7 =	sand.u32 $0x1, s2;
	s6 =	sshll.u32 s0, $0x1  }
0x6: {  	s20 =	simm.s32 $0xEE00;
	s21 =	simm.s32 $0x1;
	s6 =	sor.u32 s7, s6  }
0x7: {  	s22 =	simm.s32 $0x2;
	s23 =	simm.s32 $0x0;
	s8 =	smul.u32 $0xC800, s6  }
0x8: {  	[smem:$0x7FF] =	sst s5;
	s7 =	ssub.s32 $0x2, s7;
	s10 =	smul.u32 $0x1900, s6  }
.Ltmp0:
0x9: {  	_ =	strace $0x80000047;
	s9 =	sshrl.u32 s7, $0x1;
	(pc) =	sbr.rel .LBB2_1-.Ltmp0, $4  }
0xa: {  	v0 =	vlaneseq.u32;
	s29 =	ssub.s32 $0x119, s6;
	s12 =	sor.u32 $0x20, s6;
	s13 =	ssub.s32 s7, s9  }
0xb: {  	v1 =	vor.u32 $0x10, v0;
	s7 =	sshrl.u32 s29, $0x5;
	s30 =	sshrl.u32 s8, $0x3;
	s31 =	smax.u32 s13, $0x1  }
0xc: {  	v2 =	vor.u32 $0x20, v0;
	v3 =	vor.u32 $0x30, v0;
	v4 =	vor.u32 $0x40, v0;
	s8 =	sadd.s32 s4, s10;
	s11 =	sadd.s32 s4, s30;
	[dreg:$0x4] =	wrdreg s31  }
0xd: {  	v5 =	vor.u32 $0x50, v0;
	v6 =	vor.u32 $0x60, v0;
	v7 =	vor.u32 $0x70, v0;
	s9 =	sadd.s32 $0x600, s11;
	s10 =	sadd.s32 $0xC00, s11;
	s11 =	sadd.s32 $0x1200, s11  }
.LBB2_20:
0xe: {  	_ =	swait.ge [sflag:s21], $0xC800  }
0xf: {  	[sflag:s21] =	ssyncset.done $0x0  }
0x10: {  	[sflag:s21] =	ssyncadd.s32 $0xFFFF3800  }
0x11: {  	_ =	swait.ge [sflag:s22], $0xC800  }
0x12: {  	s23 =	sadd.s32 $0x1, s23;
	s0 =	rddreg [dreg:$0x4]  }
0x13: {  	p0 =	sne.s32 s23, s0  }
.Ltmp1:
0x14: {  	_ = 	snop;
	(pc) =	sbr.rel @!p0 .LBB2_21-.Ltmp1, $3  }
0x15: {  	_ =	sdelay $0x1  }
0x16: {  	[sflag:s22] =	ssyncset.done $0x0  }
0x17: {  	[sflag:s22] =	ssyncadd.s32 $0xFFFF3800  }
.LBB2_1:
.Ltmp2:
0x18: {  	s0 =	rddreg [dreg:$0x1];
	(pc) =	sbr.rel .LBB2_2-.Ltmp2, $4  }
0x19: {  	[tilespmem:s5], [sflag:$0x3] =	stream.linear.gather [hbm4b:s0+s5], $0x2080, $0x38;
	[tilespmem:$0x1B600] =	vst v63  }
0x1a: {  	_ =	swait.ge [sflag:s14], $0x2080  }
0x1b: {  	[sflag:s14] =	ssyncset.done $0x0  }
0x1c: {  	s24 =	simm.s32 $0x0;
	[sflag:s14] =	ssyncadd.s32 $0xFFFFDF80  }
.LBB2_19:
0x1d: {  	s24 =	sadd.s32 $0x1, s24  }
0x1e: {  	p0 =	sne.s32 s24, $0x4  }
.Ltmp3:
0x1f: {  	_ = 	snop;
	(pc) =	sbr.rel @!p0 .LBB2_20-.Ltmp3, $1  }
0x20: {  	_ =	sdelay $0x3  }
.LBB2_2:
0x21: {  	p0 =	seq.s32 s24, $0x0  }
.Ltmp4:
0x22: {  	s25 =	sshll.u32 s24, $0x6;
	(pc) =	sbr.rel @p0 .LBB2_7-.Ltmp4, $3  }
0x23: {  	s25 =	sor.u32 s6, s25  }
0x24: {  	s26 =	smul.u32 $0x32, s25;
	_ =	sdelay $0x1  }
0x25: {  	s26 =	sadd.s32 s1, s26  }
0x26: {  	_ =	swait.ge [sflag:s21], $0xC800  }
0x27: {  	[sflag:s21] =	ssyncset.done $0x0  }
0x28: {  	[sflag:s21] =	ssyncadd.s32 $0xFFFF3800  }
0x29: {  	[tilespmem:s15], [sflag:$0x3] =	stream.linear.gather [hbm4b:s26+s5], $0x190, $0x38;
	[tilespmem:$0x1B600] =	vst v63  }
0x2a: {  	_ =	swait.ge [sflag:s14], $0x190  }
0x2b: {  	s0 =	simm.s32 $0x0;
	[sflag:s14] =	ssyncset.done $0x0  }
0x2c: {  	s2 =	sand.u32 $0x1F0, s0;
	[sflag:s14] =	ssyncadd.s32 $0xFFFFFE70  }
0x2d: {  	v8 =	vld [tilespmem:s2+$0x2400];
	_ =	sdelay $0x2  }
0x2e: {  	s3 =	simm.s32 $0x2;
	s0 =	sand.u32 $0xC, s0  }
0x2f: {  	s28 =	simm.s32 $0x1;
	v9 =	vmov s0;
	s2 =	sand.u32 $0xE, s3  }
0x30: {  	s13 =	sand.u32 $0xD, s28;
	v10 =	vmov s2;
	v9 =	vperm.xlane v8, v9  }
0x31: {  	v11 =	vmov s13;
	v10 =	vperm.xlane v8, v10  }
0x32: {  	v11 =	vperm.xlane v8, v11;
	v17 =	vshll.u32 v9, $0x7  }
0x33: {  	v12 =	vshll.u32 v10, $0x7;
	v9 =	vor.u32 v0, v17  }
0x34: {  	v16 =	vshll.u32 v11, $0x7;
	v10 =	vor.u32 v0, v12  }
0x35: {  	v11 =	vor.u32 v0, v16;
	_ =	sdelay $0x2  }
0x36: {  	v9 =	vld.idx.msk [tilespmem:v9+s5+$0x0], $0xffff  }
0x37: {  	s3 =	simm.s32 $0x3;
	v13 =	vor.u32 v1, v17;
	v10 =	vld.idx.msk [tilespmem:v10+s5+$0x0], $0xffff  }
0x38: {  	v15 =	vmov s3;
	v14 =	vor.u32 v1, v12;
	v11 =	vld.idx.msk [tilespmem:v11+s5+$0x0], $0xffff  }
0x39: {  	s13 =	simm.s32 $0x4;
	v8 =	vperm.xlane v8, v15;
	v19 =	vor.u32 v1, v16  }
0x3a: {  	s29 =	simm.s32 $0x2700;
	s3 =	sand.u32 $0x1F0, s13  }
0x3b: {  	v15 =	vld [tilespmem:s3+$0x2400];
	v18 =	vshll.u32 v8, $0x7;
	[tilespmem:s29+$0xFFFFFF00] =	vst v9  }
0x3c: {  	[tilespmem:s29+$0x0] =	vst v10;
	v9 =	vor.u32 v0, v18;
	v8 =	vld.idx.msk [tilespmem:v13+s5+$0x0], $0xffff  }
0x3d: {  	[tilespmem:s29+$0xFFFFFF80] =	vst v11;
	v11 =	vor.u32 v2, v17;
	v10 =	vld.idx.msk [tilespmem:v14+s5+$0x0], $0xffff  }
0x3e: {  	v13 =	vld.idx.msk [tilespmem:v19+s5+$0x0], $0xffff;
	v14 =	vor.u32 v2, v12  }
0x3f: {  	v19 =	vor.u32 v2, v16  }
0x40: {  	s28 =	simm.s32 $0x5;
	s0 =	sand.u32 $0xC, s13;
	s13 =	simm.s32 $0x6  }
0x41: {  	s3 =	sand.u32 $0xE, s13;
	s13 =	sand.u32 $0xD, s28;
	v9 =	vld.idx.msk [tilespmem:v9+s5+$0x0], $0xffff;
	[tilespmem:s29+$0xFFFFFF10] =	vst v8  }
0x42: {  	s30 =	simm.s32 $0x7;
	v23 =	vmov s13;
	v20 =	vor.u32 v1, v18;
	[tilespmem:s29+$0x10] =	vst v10;
	v8 =	vmov s0;
	v11 =	vld.idx.msk [tilespmem:v11+s5+$0x0], $0xffff  }
0x43: {  	v21 =	vor.u32 v3, v17;
	v10 =	vmov s30;
	[tilespmem:s29+$0xFFFFFF90] =	vst v13;
	v14 =	vld.idx.msk [tilespmem:v14+s5+$0x0], $0xffff;
	v8 =	vperm.xlane v15, v8  }
0x44: {  	v22 =	vor.u32 v3, v12;
	v25 =	vor.u32 v3, v16;
	v24 =	vperm.xlane v15, v10;
	v19 =	vld.idx.msk [tilespmem:v19+s5+$0x0], $0xffff  }
0x45: {  	v23 =	vperm.xlane v15, v23;
	v13 =	vmov s3;
	v10 =	vshll.u32 v8, $0x7  }
0x46: {  	v13 =	vperm.xlane v15, v13;
	v8 =	vshll.u32 v24, $0x7;
	[tilespmem:s29+$0x80] =	vst v9;
	v15 =	vor.u32 v0, v10  }
0x47: {  	v9 =	vshll.u32 v23, $0x7;
	v23 =	vor.u32 v0, v8;
	v20 =	vld.idx.msk [tilespmem:v20+s5+$0x0], $0xffff;
	[tilespmem:s29+$0xFFFFFF20] =	vst v11  }
0x48: {  	v11 =	vshll.u32 v13, $0x7;
	[tilespmem:s29+$0x20] =	vst v14;
	v14 =	vor.u32 v0, v9;
	v13 =	vld.idx.msk [tilespmem:v21+s5+$0x0], $0xffff  }
0x49: {  	[tilespmem:s29+$0xFFFFFFA0] =	vst v19;
	v21 =	vld.idx.msk [tilespmem:v22+s5+$0x0], $0xffff;
	v22 =	vor.u32 v0, v11  }
0x4a: {  	v19 =	vld.idx.msk [tilespmem:v25+s5+$0x0], $0xffff;
	v25 =	vor.u32 v2, v18  }
0x4b: {  	v24 =	vor.u32 v4, v12;
	v15 =	vld.idx.msk [tilespmem:v15+s5+$0x0], $0xffff  }
0x4c: {  	v26 =	vor.u32 v4, v16;
	v23 =	vld.idx.msk [tilespmem:v23+s5+$0x0], $0xffff  }
0x4d: {  	v27 =	vor.u32 v1, v8;
	[tilespmem:s29+$0x90] =	vst v20;
	v14 =	vld.idx.msk [tilespmem:v14+s5+$0x0], $0xffff  }
0x4e: {  	v28 =	vor.u32 v1, v10;
	[tilespmem:s29+$0x30] =	vst v21;
	v21 =	vld.idx.msk [tilespmem:v22+s5+$0x0], $0xffff  }
0x4f: {  	[tilespmem:s29+$0xFFFFFFB0] =	vst v19;
	v19 =	vld.idx.msk [tilespmem:v25+s5+$0x0], $0xffff  }
0x50: {  	s28 =	simm.s32 $0x2900;
	v22 =	vor.u32 v1, v11;
	v24 =	vld.idx.msk [tilespmem:v24+s5+$0x0], $0xffff  }
0x51: {  	v25 =	vld.idx.msk [tilespmem:v26+s5+$0x0], $0xffff;
	v26 =	vor.u32 v1, v9;
	[tilespmem:s28+$0x80] =	vst v23  }
0x52: {  	s31 =	simm.s32 $0x8;
	v20 =	vor.u32 v5, v12;
	[tilespmem:s28+$0xFFFFFF00] =	vst v15;
	v27 =	vld.idx.msk [tilespmem:v27+s5+$0x0], $0xffff  }
0x53: {  	s2 =	sand.u32 $0x1F0, s31;
	v23 =	vor.u32 v3, v18;
	v15 =	vld.idx.msk [tilespmem:v28+s5+$0x0], $0xffff;
	[tilespmem:s28+$0xFFFFFF80] =	vst v14  }
0x54: {  	v28 =	vld [tilespmem:s2+$0x2400];
	[tilespmem:s28+$0x0] =	vst v21;
	v21 =	vor.u32 v4, v17  }
0x55: {  	v22 =	vld.idx.msk [tilespmem:v22+s5+$0x0], $0xffff;
	[tilespmem:s29+$0x40] =	vst v24;
	v24 =	vor.u32 v2, v10  }
0x56: {  	[tilespmem:s29+$0xFFFFFF30] =	vst v13;
	v14 =	vor.u32 v2, v11;
	v13 =	vld.idx.msk [tilespmem:v26+s5+$0x0], $0xffff  }
0x57: {  	v29 =	vor.u32 v2, v9;
	[tilespmem:s29+$0xA0] =	vst v19;
	v20 =	vld.idx.msk [tilespmem:v20+s5+$0x0], $0xffff  }
0x58: {  	v19 =	vld.idx.msk [tilespmem:v23+s5+$0x0], $0xffff;
	v23 =	vor.u32 v6, v12  }
0x59: {  	v26 =	vor.u32 v4, v18;
	[tilespmem:s28+$0xFFFFFF10] =	vst v15;
	v21 =	vld.idx.msk [tilespmem:v21+s5+$0x0], $0xffff  }
0x5a: {  	v15 =	vor.u32 v5, v16;
	v24 =	vld.idx.msk [tilespmem:v24+s5+$0x0], $0xffff;
	[tilespmem:s28+$0x10] =	vst v22  }
0x5b: {  	v22 =	vor.u32 v5, v17;
	[tilespmem:s28+$0xFFFFFF90] =	vst v13;
	v14 =	vld.idx.msk [tilespmem:v14+s5+$0x0], $0xffff  }
0x5c: {  	[tilespmem:s29+$0x50] =	vst v20;
	v20 =	vor.u32 v3, v10;
	v29 =	vld.idx.msk [tilespmem:v29+s5+$0x0], $0xffff  }
0x5d: {  	[tilespmem:s29+$0xB0] =	vst v19;
	v19 =	vor.u32 v3, v11;
	v23 =	vld.idx.msk [tilespmem:v23+s5+$0x0], $0xffff  }
0x5e: {  	s13 =	simm.s32 $0x9;
	s3 =	sand.u32 $0xC, s31;
	[tilespmem:s29+$0xFFFFFFC0] =	vst v25;
	v25 =	vld.idx.msk [tilespmem:v26+s5+$0x0], $0xffff;
	v26 =	vor.u32 v7, v12  }
0x5f: {  	v30 =	vor.u32 v6, v17;
	v31 =	vor.u32 v5, v18;
	s2 =	sand.u32 $0xD, s13;
	v15 =	vld.idx.msk [tilespmem:v15+s5+$0x0], $0xffff;
	v12 =	vmov s3;
	[tilespmem:s29+$0xFFFFFF40] =	vst v21  }
0x60: {  	s30 =	simm.s32 $0xB;
	v32 =	vor.u32 v3, v9;
	v13 =	vmov s2;
	s3 =	simm.s32 $0xA;
	v12 =	vperm.xlane v28, v12;
	[tilespmem:s28+$0xFFFFFF20] =	vst v24;
	v21 =	vld.idx.msk [tilespmem:v22+s5+$0x0], $0xffff  }
0x61: {  	v13 =	vperm.xlane v28, v13;
	s13 =	sand.u32 $0xE, s3;
	v22 =	vor.u32 v6, v16;
	v24 =	vmov s30;
	v20 =	vld.idx.msk [tilespmem:v20+s5+$0x0], $0xffff;
	[tilespmem:s28+$0x20] =	vst v14  }
0x62: {  	v33 =	vmov s13;
	v24 =	vperm.xlane v28, v24;
	v14 =	vshll.u32 v12, $0x7;
	v19 =	vld.idx.msk [tilespmem:v19+s5+$0x0], $0xffff;
	[tilespmem:s29+$0x60] =	vst v23  }
0x63: {  	v12 =	vshll.u32 v13, $0x7;
	v23 =	vperm.xlane v28, v33;
	v28 =	vor.u32 v0, v14;
	[tilespmem:s29+$0xC0] =	vst v25;
	v26 =	vld.idx.msk [tilespmem:v26+s5+$0x0], $0xffff  }
0x64: {  	[tilespmem:s28+$0xFFFFFFA0] =	vst v29;
	v25 =	vor.u32 v0, v12;
	v13 =	vshll.u32 v24, $0x7;
	v24 =	vld.idx.msk [tilespmem:v31+s5+$0x0], $0xffff  }
0x65: {  	[tilespmem:s29+$0xFFFFFFD0] =	vst v15;
	v31 =	vld.idx.msk [tilespmem:v32+s5+$0x0], $0xffff;
	v15 =	vshll.u32 v23, $0x7;
	v23 =	vor.u32 v0, v13  }
0x66: {  	v22 =	vld.idx.msk [tilespmem:v22+s5+$0x0], $0xffff;
	v29 =	vor.u32 v0, v15;
	[tilespmem:s29+$0xFFFFFF50] =	vst v21  }
0x67: {  	v21 =	vor.u32 v6, v18;
	[tilespmem:s28+$0xFFFFFF30] =	vst v20;
	v20 =	vld.idx.msk [tilespmem:v30+s5+$0x0], $0xffff  }
0x68: {  	v30 =	vor.u32 v4, v9;
	v28 =	vld.idx.msk [tilespmem:v28+s5+$0x0], $0xffff;
	[tilespmem:s28+$0x30] =	vst v19  }
0x69: {  	v17 =	vor.u32 v7, v17;
	v19 =	vld.idx.msk [tilespmem:v25+s5+$0x0], $0xffff;
	[tilespmem:s29+$0x70] =	vst v26  }
0x6a: {  	v16 =	vor.u32 v7, v16;
	[tilespmem:s29+$0xD0] =	vst v24;
	v23 =	vld.idx.msk [tilespmem:v23+s5+$0x0], $0xffff  }
0x6b: {  	v25 =	vor.u32 v4, v11;
	[tilespmem:s28+$0xFFFFFFB0] =	vst v31;
	v24 =	vld.idx.msk [tilespmem:v29+s5+$0x0], $0xffff  }
0x6c: {  	v26 =	vor.u32 v2, v8;
	[tilespmem:s29+$0xFFFFFFE0] =	vst v22;
	v22 =	vld.idx.msk [tilespmem:v21+s5+$0x0], $0xffff  }
0x6d: {  	v29 =	vor.u32 v1, v13;
	v21 =	vld.idx.msk [tilespmem:v30+s5+$0x0], $0xffff;
	[tilespmem:s29+$0xFFFFFF60] =	vst v20  }
0x6e: {  	[tilespmem:s28+$0x90] =	vst v27;
	s30 =	simm.s32 $0x2B00;
	v18 =	vor.u32 v7, v18;
	v20 =	vld.idx.msk [tilespmem:v17+s5+$0x0], $0xffff  }
0x6f: {  	v31 =	vor.u32 v1, v15;
	v62 =	vld.idx.msk [tilespmem:v16+s5+$0x0], $0xffff;
	[tilespmem:s30+$0xFFFFFF00] =	vst v28  }
0x70: {  	v28 =	vor.u32 v1, v14;
	v30 =	vld.idx.msk [tilespmem:v25+s5+$0x0], $0xffff;
	[tilespmem:s30+$0x80] =	vst v23  }
0x71: {  	v23 =	vld.idx.msk [tilespmem:v26+s5+$0x0], $0xffff;
	[tilespmem:s30+$0x0] =	vst v24;
	v24 =	vor.u32 v5, v11  }
0x72: {  	v63 =	vor.u32 v3, v8;
	v17 =	vld.idx.msk [tilespmem:v29+s5+$0x0], $0xffff;
	[tilespmem:s29+$0xE0] =	vst v22  }
0x73: {  	v27 =	vld.idx.msk [tilespmem:v18+s5+$0x0], $0xffff;
	[tilespmem:s29+$0xFFFFFF70] =	vst v20;
	v20 =	vor.u32 v1, v12  }
0x74: {  	[tilespmem:s30+$0xFFFFFF80] =	vst v19;
	v29 =	vor.u32 v4, v10;
	v26 =	vld.idx.msk [tilespmem:v31+s5+$0x0], $0xffff  }
0x75: {  	v16 =	vor.u32 v6, v15;
	v25 =	vld.idx.msk [tilespmem:v28+s5+$0x0], $0xffff;
	[tilespmem:s28+$0x40] =	vst v30  }
0x76: {  	v19 =	vor.u32 v2, v12;
	v22 =	vor.u32 v2, v14;
	[tilespmem:s28+$0xA0] =	vst v23;
	v24 =	vld.idx.msk [tilespmem:v24+s5+$0x0], $0xffff  }
0x77: {  	s26 =	sshll.u32 s24, $0x1;
	v18 =	vor.u32 v6, v11;
	[tilespmem:s29+$0xFFFFFFF0] =	vst v62;
	v28 =	vor.u32 v2, v15;
	v23 =	vld.idx.msk [tilespmem:v63+s5+$0x0], $0xffff  }
.LBB2_4:
0x78: {  	v20 =	vld.idx.msk [tilespmem:v20+s5+$0x0], $0xffff;
	[tilespmem:s28+$0xFFFFFFC0] =	vst v21;
	s0 =	smov.u32 s31;
	s31 =	sadd.s32 $0x4, s31  }
0x79: {  	s2 =	sand.u32 $0x1F0, s31;
	s3 =	sand.u32 $0xC, s31;
	p0 =	slt.u32 s31, $0x18C;
	v21 =	vld.idx.msk [tilespmem:v29+s5+$0x0], $0xffff;
	v29 =	vor.u32 v4, v8;
	[tilespmem:s29+$0xF0] =	vst v27  }
0x7a: {  	s29 =	smov.u32 s28;
	s28 =	smov.u32 s30;
	v27 =	vld [tilespmem:s2+$0x2400];
	[tilespmem:s30+$0xFFFFFF10] =	vst v25;
	v25 =	vor.u32 v5, v9  }
0x7b: {  	v30 =	vor.u32 v7, v11;
	v11 =	vmov v15;
	v22 =	vld.idx.msk [tilespmem:v22+s5+$0x0], $0xffff;
	[tilespmem:s30+$0x10] =	vst v26;
	v26 =	vor.u32 v6, v10  }
0x7c: {  	v31 =	vor.u32 v5, v10;
	s2 =	sadd.s32 $0x6, s0;
	v28 =	vld.idx.msk [tilespmem:v28+s5+$0x0], $0xffff;
	[tilespmem:s29+$0x50] =	vst v24;
	v24 =	vor.u32 v5, v8  }
0x7d: {  	v32 =	vor.u32 v3, v14;
	s13 =	sadd.s32 $0x5, s0;
	v33 =	vor.u32 v3, v11;
	s0 =	sadd.s32 $0x7, s0;
	s2 =	sand.u32 $0xE, s2;
	v34 =	vld.idx.msk [tilespmem:v18+s5+$0x0], $0xffff;
	[tilespmem:s29+$0xB0] =	vst v23;
	v18 =	vmov v16  }
0x7e: {  	v15 =	vmov s3;
	s3 =	sand.u32 $0xD, s13;
	v16 =	vmov s2;
	v23 =	vmov s0;
	v29 =	vld.idx.msk [tilespmem:v29+s5+$0x0], $0xffff  }
0x7f: {  	v35 =	vmov s3;
	v15 =	vperm.xlane v27, v15;
	v16 =	vperm.xlane v27, v16;
	[tilespmem:s30+$0xFFFFFF90] =	vst v20;
	v20 =	vld.idx.msk [tilespmem:v25+s5+$0x0], $0xffff  }
0x80: {  	v25 =	vperm.xlane v27, v35;
	v23 =	vperm.xlane v27, v23;
	v19 =	vld.idx.msk [tilespmem:v19+s5+$0x0], $0xffff;
	[tilespmem:s29+$0xFFFFFF40] =	vst v21  }
0x81: {  	v27 =	vor.u32 v6, v9;
	v21 =	vshll.u32 v15, $0x7;
	v15 =	vshll.u32 v16, $0x7;
	[tilespmem:s30+$0xFFFFFF20] =	vst v22;
	v22 =	vld.idx.msk [tilespmem:v31+s5+$0x0], $0xffff  }
0x82: {  	v35 =	vor.u32 v3, v12;
	v25 =	vshll.u32 v25, $0x7;
	v31 =	vor.u32 v0, v21;
	v32 =	vld.idx.msk [tilespmem:v32+s5+$0x0], $0xffff;
	[tilespmem:s30+$0x20] =	vst v28  }
0x83: {  	v28 =	vor.u32 v0, v25;
	v16 =	vor.u32 v6, v15;
	v33 =	vld.idx.msk [tilespmem:v33+s5+$0x0], $0xffff;
	[tilespmem:s29+$0x60] =	vst v34  }
0x84: {  	v23 =	vshll.u32 v23, $0x7;
	v34 =	vor.u32 v0, v15;
	v30 =	vld.idx.msk [tilespmem:v30+s5+$0x0], $0xffff;
	[tilespmem:s29+$0xC0] =	vst v29  }
0x85: {  	v29 =	vor.u32 v0, v23;
	[tilespmem:s29+$0xFFFFFFD0] =	vst v20;
	v24 =	vld.idx.msk [tilespmem:v24+s5+$0x0], $0xffff  }
0x86: {  	[tilespmem:s30+$0xFFFFFFA0] =	vst v19;
	v19 =	vld.idx.msk [tilespmem:v27+s5+$0x0], $0xffff  }
0x87: {  	v27 =	vld.idx.msk [tilespmem:v35+s5+$0x0], $0xffff;
	[tilespmem:s29+$0xFFFFFF50] =	vst v22;
	v22 =	vor.u32 v6, v8  }
0x88: {  	[tilespmem:s30+$0xFFFFFF30] =	vst v32;
	v26 =	vld.idx.msk [tilespmem:v26+s5+$0x0], $0xffff  }
0x89: {  	v35 =	vor.u32 v4, v12;
	v32 =	vor.u32 v1, v21;
	v31 =	vld.idx.msk [tilespmem:v31+s5+$0x0], $0xffff;
	[tilespmem:s30+$0x30] =	vst v33  }
0x8a: {  	v20 =	vor.u32 v1, v25;
	v33 =	vor.u32 v7, v10;
	v10 =	vmov v14;
	v28 =	vld.idx.msk [tilespmem:v28+s5+$0x0], $0xffff;
	[tilespmem:s29+$0x70] =	vst v30  }
0x8b: {  	v36 =	vor.u32 v4, v11;
	v14 =	vmov v21;
	v30 =	vor.u32 v1, v15;
	v29 =	vld.idx.msk [tilespmem:v29+s5+$0x0], $0xffff;
	[tilespmem:s29+$0xD0] =	vst v24  }
0x8c: {  	v37 =	vor.u32 v2, v13;
	s30 =	sadd.s32 $0x200, s30;
	v24 =	vld.idx.msk [tilespmem:v34+s5+$0x0], $0xffff;
	v34 =	vor.u32 v1, v23;
	[tilespmem:s29+$0xFFFFFFE0] =	vst v19  }
0x8d: {  	[tilespmem:s28+$0xFFFFFFB0] =	vst v27;
	v27 =	vor.u32 v7, v9;
	v38 =	vld.idx.msk [tilespmem:v22+s5+$0x0], $0xffff;
	v9 =	vmov v12;
	v12 =	vmov v25  }
0x8e: {  	v25 =	vor.u32 v7, v8;
	v8 =	vmov v13;
	v13 =	vmov v23;
	v21 =	vld.idx.msk [tilespmem:v35+s5+$0x0], $0xffff;
	[tilespmem:s29+$0xFFFFFF60] =	vst v26  }
0x8f: {  	[tilespmem:s30+$0xFFFFFF00] =	vst v31;
	v23 =	vld.idx.msk [tilespmem:v33+s5+$0x0], $0xffff  }
0x90: {  	v22 =	vor.u32 v2, v14;
	v31 =	vld.idx.msk [tilespmem:v36+s5+$0x0], $0xffff;
	[tilespmem:s28+$0x90] =	vst v17  }
0x91: {  	v19 =	vor.u32 v2, v12;
	[tilespmem:s30+$0x80] =	vst v29;
	v33 =	vld.idx.msk [tilespmem:v37+s5+$0x0], $0xffff  }
0x92: {  	[tilespmem:s30+$0x0] =	vst v24;
	v24 =	vor.u32 v5, v11;
	v35 =	vld.idx.msk [tilespmem:v27+s5+$0x0], $0xffff  }
0x93: {  	v17 =	vld.idx.msk [tilespmem:v34+s5+$0x0], $0xffff;
	v34 =	vor.u32 v3, v8;
	[tilespmem:s29+$0xE0] =	vst v38  }
.Ltmp5:
0x94: {  	[tilespmem:s30+$0xFFFFFF80] =	vst v28;
	v27 =	vld.idx.msk [tilespmem:v25+s5+$0x0], $0xffff;
	(pc) =	sbr.rel @p0 .LBB2_4-.Ltmp5, $4  }
0x95: {  	v29 =	vor.u32 v4, v10;
	v25 =	vld.idx.msk [tilespmem:v32+s5+$0x0], $0xffff;
	[tilespmem:s29+$0xFFFFFF70] =	vst v23  }
0x96: {  	v26 =	vld.idx.msk [tilespmem:v30+s5+$0x0], $0xffff;
	[tilespmem:s28+$0x40] =	vst v31  }
0x97: {  	v24 =	vld.idx.msk [tilespmem:v24+s5+$0x0], $0xffff;
	[tilespmem:s28+$0xA0] =	vst v33  }
0x98: {  	v28 =	vor.u32 v2, v15;
	v23 =	vld.idx.msk [tilespmem:v34+s5+$0x0], $0xffff;
	[tilespmem:s29+$0xFFFFFFF0] =	vst v35  }
0x99: {  	_ =	sdelay $0x1  }
0x9a: {  	[tilespmem:s28+$0xFFFFFFC0] =	vst v21  }
0x9b: {  	[tilespmem:s29+$0xF0] =	vst v27  }
0x9c: {  	v20 =	vld.idx.msk [tilespmem:v20+s5+$0x0], $0xffff;
	v59 =	vor.u32 v4, v8;
	[tilespmem:s30+$0x90] =	vst v17  }
0x9d: {  	v58 =	vld.idx.msk [tilespmem:v29+s5+$0x0], $0xffff;
	v60 =	vor.u32 v2, v13;
	[tilespmem:s30+$0xFFFFFF10] =	vst v25  }
0x9e: {  	[tilespmem:s30+$0x10] =	vst v26;
	v22 =	vld.idx.msk [tilespmem:v22+s5+$0x0], $0xffff  }
0x9f: {  	v61 =	vor.u32 v5, v9;
	[tilespmem:s28+$0x50] =	vst v24;
	v26 =	vld.idx.msk [tilespmem:v28+s5+$0x0], $0xffff  }
0xa0: {  	v62 =	vor.u32 v5, v10;
	[tilespmem:s28+$0xB0] =	vst v23;
	v18 =	vld.idx.msk [tilespmem:v18+s5+$0x0], $0xffff  }
0xa1: {  	v30 =	vor.u32 v3, v14;
	[tilespmem:s30+$0xFFFFFF90] =	vst v20;
	v27 =	vld.idx.msk [tilespmem:v59+s5+$0x0], $0xffff  }
0xa2: {  	v63 =	vor.u32 v3, v15;
	[tilespmem:s28+$0xFFFFFF40] =	vst v58;
	v32 =	vld.idx.msk [tilespmem:v60+s5+$0x0], $0xffff  }
0xa3: {  	v34 =	vor.u32 v3, v13;
	v19 =	vld.idx.msk [tilespmem:v19+s5+$0x0], $0xffff;
	[tilespmem:s30+$0xFFFFFF20] =	vst v22  }
0xa4: {  	v31 =	vor.u32 v3, v12;
	v33 =	vld.idx.msk [tilespmem:v61+s5+$0x0], $0xffff;
	[tilespmem:s30+$0x20] =	vst v26  }
0xa5: {  	v11 =	vor.u32 v7, v11;
	v23 =	vld.idx.msk [tilespmem:v62+s5+$0x0], $0xffff;
	[tilespmem:s28+$0x60] =	vst v18  }
0xa6: {  	v35 =	vor.u32 v5, v8;
	v21 =	vld.idx.msk [tilespmem:v30+s5+$0x0], $0xffff;
	[tilespmem:s28+$0xC0] =	vst v27  }
0xa7: {  	v37 =	vor.u32 v4, v14;
	v20 =	vld.idx.msk [tilespmem:v63+s5+$0x0], $0xffff;
	[tilespmem:s30+$0xA0] =	vst v32  }
0xa8: {  	v36 =	vor.u32 v4, v15;
	[tilespmem:s30+$0xFFFFFFA0] =	vst v19;
	v39 =	vld.idx.msk [tilespmem:v34+s5+$0x0], $0xffff  }
0xa9: {  	v40 =	vor.u32 v4, v13;
	[tilespmem:s28+$0xFFFFFFD0] =	vst v33;
	v17 =	vld.idx.msk [tilespmem:v31+s5+$0x0], $0xffff  }
0xaa: {  	v38 =	vor.u32 v4, v12;
	v11 =	vld.idx.msk [tilespmem:v11+s5+$0x0], $0xffff;
	[tilespmem:s28+$0xFFFFFF50] =	vst v23  }
0xab: {  	v41 =	vor.u32 v6, v9;
	v18 =	vld.idx.msk [tilespmem:v35+s5+$0x0], $0xffff;
	[tilespmem:s30+$0xFFFFFF30] =	vst v21  }
0xac: {  	v42 =	vor.u32 v6, v10;
	[tilespmem:s30+$0x30] =	vst v20;
	v21 =	vld.idx.msk [tilespmem:v37+s5+$0x0], $0xffff  }
0xad: {  	v44 =	vor.u32 v5, v14;
	v19 =	vld.idx.msk [tilespmem:v36+s5+$0x0], $0xffff;
	[tilespmem:s30+$0xB0] =	vst v39  }
0xae: {  	v43 =	vor.u32 v5, v15;
	[tilespmem:s30+$0xFFFFFFB0] =	vst v17;
	v23 =	vld.idx.msk [tilespmem:v40+s5+$0x0], $0xffff  }
0xaf: {  	v47 =	vor.u32 v5, v13;
	[tilespmem:s28+$0x70] =	vst v11;
	v22 =	vld.idx.msk [tilespmem:v38+s5+$0x0], $0xffff  }
0xb0: {  	v45 =	vor.u32 v5, v12;
	v46 =	vld.idx.msk [tilespmem:v41+s5+$0x0], $0xffff;
	[tilespmem:s28+$0xD0] =	vst v18  }
0xb1: {  	v48 =	vor.u32 v6, v8;
	v20 =	vld.idx.msk [tilespmem:v42+s5+$0x0], $0xffff;
	[tilespmem:s30+$0xFFFFFF40] =	vst v21  }
0xb2: {  	v55 =	vor.u32 v7, v9;
	[tilespmem:s30+$0x40] =	vst v19;
	v50 =	vld.idx.msk [tilespmem:v44+s5+$0x0], $0xffff  }
0xb3: {  	v51 =	vor.u32 v6, v14;
	v17 =	vld.idx.msk [tilespmem:v43+s5+$0x0], $0xffff;
	[tilespmem:s30+$0xC0] =	vst v23  }
0xb4: {  	[tilespmem:s30+$0xFFFFFFC0] =	vst v22;
	v18 =	vld.idx.msk [tilespmem:v47+s5+$0x0], $0xffff  }
0xb5: {  	v54 =	vor.u32 v6, v13;
	[tilespmem:s28+$0xFFFFFFE0] =	vst v46;
	v11 =	vld.idx.msk [tilespmem:v45+s5+$0x0], $0xffff  }
0xb6: {  	v52 =	vor.u32 v6, v12;
	v53 =	vld.idx.msk [tilespmem:v48+s5+$0x0], $0xffff;
	[tilespmem:s28+$0xFFFFFF60] =	vst v20  }
0xb7: {  	v49 =	vor.u32 v7, v10;
	v9 =	vld.idx.msk [tilespmem:v55+s5+$0x0], $0xffff;
	[tilespmem:s30+$0xFFFFFF50] =	vst v50  }
0xb8: {  	v8 =	vor.u32 v7, v8;
	[tilespmem:s30+$0x50] =	vst v17;
	v57 =	vld.idx.msk [tilespmem:v51+s5+$0x0], $0xffff  }
0xb9: {  	v59 =	vor.u32 v7, v14;
	v16 =	vld.idx.msk [tilespmem:v16+s5+$0x0], $0xffff;
	[tilespmem:s30+$0xD0] =	vst v18  }
0xba: {  	v56 =	vor.u32 v7, v15;
	[tilespmem:s30+$0xFFFFFFD0] =	vst v11;
	v18 =	vld.idx.msk [tilespmem:v54+s5+$0x0], $0xffff  }
0xbb: {  	v61 =	vor.u32 v7, v13;
	[tilespmem:s28+$0xE0] =	vst v53;
	v58 =	vld.idx.msk [tilespmem:v52+s5+$0x0], $0xffff  }
0xbc: {  	v60 =	vor.u32 v7, v12;
	v10 =	vld.idx.msk [tilespmem:v49+s5+$0x0], $0xffff;
	[tilespmem:s28+$0xFFFFFFF0] =	vst v9  }
0xbd: {  	v8 =	vld.idx.msk [tilespmem:v8+s5+$0x0], $0xffff;
	[tilespmem:s30+$0xFFFFFF60] =	vst v57  }
0xbe: {  	[tilespmem:s30+$0x60] =	vst v16;
	v11 =	vld.idx.msk [tilespmem:v59+s5+$0x0], $0xffff  }
0xbf: {  	v62 =	vld.idx.msk [tilespmem:v56+s5+$0x0], $0xffff;
	[tilespmem:s30+$0xE0] =	vst v18  }
0xc0: {  	[tilespmem:s30+$0xFFFFFFE0] =	vst v58;
	v63 =	vld.idx.msk [tilespmem:v61+s5+$0x0], $0xffff  }
0xc1: {  	s0 =	smul.u32 $0x1900, s25;
	s25 =	sor.u32 $0x1, s26;
	[tilespmem:s28+$0xFFFFFF70] =	vst v10;
	v12 =	vld.idx.msk [tilespmem:v60+s5+$0x0], $0xffff  }
0xc2: {  	p0 =	sge.u32 s25, s7;
	[tilespmem:s28+$0xF0] =	vst v8  }
.Ltmp6:
0xc3: {  	[tilespmem:s30+$0xFFFFFF70] =	vst v11;
	(pc) =	sbr.rel @p0 .LBB2_19-.Ltmp6, $4  }
0xc4: {  	[tilespmem:s30+$0x70] =	vst v62  }
0xc5: {  	[tilespmem:s30+$0xF0] =	vst v63  }
0xc6: {  	s0 =	sadd.s32 s4, s0;
	[tilespmem:s30+$0xFFFFFFF0] =	vst v12  }
0xc7: {  	[hbm4b:s0+s5] =	stream.linear.scatter [tilespmem:s16], [sflag:$0x1], $0xC800, $0x38;
	[tilespmem:$0x1B600] =	vst v63  }
.Ltmp7:
0xc8: {  	(pc) =	sbr.rel .LBB2_16-.Ltmp7, $4  }
0xc9: {  	_ = 	snop  }
0xca: {  	_ =	swait.ge [sflag:s22], $0xC800  }
0xcb: {  	s0 =	sshll.u32 s25, $0x5;
	[sflag:s22] =	ssyncset.done $0x0  }
0xcc: {  	s25 =	sor.u32 s6, s0;
	[sflag:s22] =	ssyncadd.s32 $0xFFFF3800  }
.LBB2_7:
0xcd: {  	[tilespmem:s15], [sflag:$0x3] =	stream.linear.gather [hbm4b:s26+s5], $0x190, $0x38;
	[tilespmem:$0x1B600] =	vst v63  }
0xce: {  	_ =	swait.ge [sflag:s14], $0x190  }
0xcf: {  	s25 =	simm.s32 $0x0;
	[sflag:s14] =	ssyncset.done $0x0  }
0xd0: {  	s3 =	sand.u32 $0x70, s25;
	[sflag:s14] =	ssyncadd.s32 $0xFFFFFE70  }
0xd1: {  	v8 =	vld [tilespmem:s3+$0x2400];
	_ =	sdelay $0x2  }
0xd2: {  	s13 =	simm.s32 $0x2;
	s25 =	sand.u32 $0xC, s25  }
0xd3: {  	s28 =	simm.s32 $0x1;
	s26 =	sand.u32 $0xE, s13;
	v9 =	vmov s25  }
0xd4: {  	s30 =	sand.u32 $0xD, s28;
	v10 =	vmov s26;
	v9 =	vperm.xlane v8, v9  }
0xd5: {  	v11 =	vmov s30;
	v10 =	vperm.xlane v8, v10  }
0xd6: {  	v11 =	vperm.xlane v8, v11;
	v17 =	vshll.u32 v9, $0x7  }
0xd7: {  	v12 =	vshll.u32 v10, $0x7;
	v9 =	vor.u32 v0, v17  }
0xd8: {  	v16 =	vshll.u32 v11, $0x7;
	v10 =	vor.u32 v0, v12  }
0xd9: {  	v11 =	vor.u32 v0, v16;
	_ =	sdelay $0x2  }
0xda: {  	v9 =	vld.idx.msk [tilespmem:v9+s5+$0x0], $0xffff  }
0xdb: {  	s31 =	simm.s32 $0x3;
	v13 =	vor.u32 v1, v17;
	v10 =	vld.idx.msk [tilespmem:v10+s5+$0x0], $0xffff  }
0xdc: {  	v15 =	vmov s31;
	v14 =	vor.u32 v1, v12;
	v11 =	vld.idx.msk [tilespmem:v11+s5+$0x0], $0xffff  }
0xdd: {  	s0 =	simm.s32 $0x4;
	v8 =	vperm.xlane v8, v15;
	v19 =	vor.u32 v1, v16  }
0xde: {  	s28 =	sand.u32 $0x70, s0;
	s26 =	simm.s32 $0x2700  }
0xdf: {  	v15 =	vld [tilespmem:s28+$0x2400];
	v18 =	vshll.u32 v8, $0x7;
	[tilespmem:s26+$0xFFFFFF00] =	vst v9  }
0xe0: {  	[tilespmem:s26+$0x0] =	vst v10;
	v9 =	vor.u32 v0, v18;
	v8 =	vld.idx.msk [tilespmem:v13+s5+$0x0], $0xffff  }
0xe1: {  	[tilespmem:s26+$0xFFFFFF80] =	vst v11;
	v11 =	vor.u32 v2, v17;
	v10 =	vld.idx.msk [tilespmem:v14+s5+$0x0], $0xffff  }
0xe2: {  	v13 =	vld.idx.msk [tilespmem:v19+s5+$0x0], $0xffff;
	v14 =	vor.u32 v2, v12  }
0xe3: {  	v19 =	vor.u32 v2, v16  }
0xe4: {  	s29 =	simm.s32 $0x5;
	s28 =	simm.s32 $0x6  }
0xe5: {  	s25 =	sand.u32 $0xC, s0;
	s2 =	sand.u32 $0xE, s28;
	s28 =	sand.u32 $0xD, s29;
	v9 =	vld.idx.msk [tilespmem:v9+s5+$0x0], $0xffff;
	[tilespmem:s26+$0xFFFFFF10] =	vst v8  }
0xe6: {  	s30 =	simm.s32 $0x7;
	v23 =	vmov s28;
	v20 =	vor.u32 v1, v18;
	[tilespmem:s26+$0x10] =	vst v10;
	v8 =	vmov s25;
	v11 =	vld.idx.msk [tilespmem:v11+s5+$0x0], $0xffff  }
0xe7: {  	v21 =	vor.u32 v3, v17;
	v10 =	vmov s30;
	[tilespmem:s26+$0xFFFFFF90] =	vst v13;
	v14 =	vld.idx.msk [tilespmem:v14+s5+$0x0], $0xffff;
	v8 =	vperm.xlane v15, v8  }
0xe8: {  	v22 =	vor.u32 v3, v12;
	v25 =	vor.u32 v3, v16;
	v24 =	vperm.xlane v15, v10;
	v19 =	vld.idx.msk [tilespmem:v19+s5+$0x0], $0xffff  }
0xe9: {  	v23 =	vperm.xlane v15, v23;
	v13 =	vmov s2;
	v10 =	vshll.u32 v8, $0x7  }
0xea: {  	v13 =	vperm.xlane v15, v13;
	v8 =	vshll.u32 v24, $0x7;
	[tilespmem:s26+$0x80] =	vst v9;
	v15 =	vor.u32 v0, v10  }
0xeb: {  	v9 =	vshll.u32 v23, $0x7;
	v23 =	vor.u32 v0, v8;
	v20 =	vld.idx.msk [tilespmem:v20+s5+$0x0], $0xffff;
	[tilespmem:s26+$0xFFFFFF20] =	vst v11  }
0xec: {  	v11 =	vshll.u32 v13, $0x7;
	[tilespmem:s26+$0x20] =	vst v14;
	v14 =	vor.u32 v0, v9;
	v13 =	vld.idx.msk [tilespmem:v21+s5+$0x0], $0xffff  }
0xed: {  	[tilespmem:s26+$0xFFFFFFA0] =	vst v19;
	v21 =	vld.idx.msk [tilespmem:v22+s5+$0x0], $0xffff;
	v22 =	vor.u32 v0, v11  }
0xee: {  	v19 =	vld.idx.msk [tilespmem:v25+s5+$0x0], $0xffff;
	v25 =	vor.u32 v2, v18  }
0xef: {  	v24 =	vor.u32 v4, v12;
	v15 =	vld.idx.msk [tilespmem:v15+s5+$0x0], $0xffff  }
0xf0: {  	v26 =	vor.u32 v4, v16;
	v23 =	vld.idx.msk [tilespmem:v23+s5+$0x0], $0xffff  }
0xf1: {  	v27 =	vor.u32 v1, v8;
	[tilespmem:s26+$0x90] =	vst v20;
	v14 =	vld.idx.msk [tilespmem:v14+s5+$0x0], $0xffff  }
0xf2: {  	v28 =	vor.u32 v1, v10;
	[tilespmem:s26+$0x30] =	vst v21;
	v21 =	vld.idx.msk [tilespmem:v22+s5+$0x0], $0xffff  }
0xf3: {  	[tilespmem:s26+$0xFFFFFFB0] =	vst v19;
	v19 =	vld.idx.msk [tilespmem:v25+s5+$0x0], $0xffff  }
0xf4: {  	s25 =	simm.s32 $0x2900;
	v22 =	vor.u32 v1, v11;
	v24 =	vld.idx.msk [tilespmem:v24+s5+$0x0], $0xffff  }
0xf5: {  	v25 =	vld.idx.msk [tilespmem:v26+s5+$0x0], $0xffff;
	v26 =	vor.u32 v1, v9;
	[tilespmem:s25+$0x80] =	vst v23  }
0xf6: {  	s29 =	simm.s32 $0x8;
	v20 =	vor.u32 v5, v12;
	[tilespmem:s25+$0xFFFFFF00] =	vst v15;
	v27 =	vld.idx.msk [tilespmem:v27+s5+$0x0], $0xffff  }
0xf7: {  	s28 =	sand.u32 $0x70, s29;
	v23 =	vor.u32 v3, v18;
	v15 =	vld.idx.msk [tilespmem:v28+s5+$0x0], $0xffff;
	[tilespmem:s25+$0xFFFFFF80] =	vst v14  }
0xf8: {  	v28 =	vld [tilespmem:s28+$0x2400];
	[tilespmem:s25+$0x0] =	vst v21;
	v21 =	vor.u32 v4, v17  }
0xf9: {  	v22 =	vld.idx.msk [tilespmem:v22+s5+$0x0], $0xffff;
	[tilespmem:s26+$0x40] =	vst v24;
	v24 =	vor.u32 v2, v10  }
0xfa: {  	[tilespmem:s26+$0xFFFFFF30] =	vst v13;
	v14 =	vor.u32 v2, v11;
	v13 =	vld.idx.msk [tilespmem:v26+s5+$0x0], $0xffff  }
0xfb: {  	v29 =	vor.u32 v2, v9;
	[tilespmem:s26+$0xA0] =	vst v19;
	v20 =	vld.idx.msk [tilespmem:v20+s5+$0x0], $0xffff  }
0xfc: {  	v19 =	vld.idx.msk [tilespmem:v23+s5+$0x0], $0xffff;
	v23 =	vor.u32 v6, v12  }
0xfd: {  	v26 =	vor.u32 v4, v18;
	[tilespmem:s25+$0xFFFFFF10] =	vst v15;
	v21 =	vld.idx.msk [tilespmem:v21+s5+$0x0], $0xffff  }
0xfe: {  	v15 =	vor.u32 v5, v16;
	v24 =	vld.idx.msk [tilespmem:v24+s5+$0x0], $0xffff;
	[tilespmem:s25+$0x10] =	vst v22  }
0xff: {  	v22 =	vor.u32 v5, v17;
	[tilespmem:s25+$0xFFFFFF90] =	vst v13;
	v14 =	vld.idx.msk [tilespmem:v14+s5+$0x0], $0xffff  }
0x100: {  	[tilespmem:s26+$0x50] =	vst v20;
	v20 =	vor.u32 v3, v10;
	v29 =	vld.idx.msk [tilespmem:v29+s5+$0x0], $0xffff  }
0x101: {  	[tilespmem:s26+$0xB0] =	vst v19;
	v19 =	vor.u32 v3, v11;
	v23 =	vld.idx.msk [tilespmem:v23+s5+$0x0], $0xffff  }
0x102: {  	s3 =	simm.s32 $0x9;
	s28 =	sand.u32 $0xC, s29;
	[tilespmem:s26+$0xFFFFFFC0] =	vst v25;
	v25 =	vld.idx.msk [tilespmem:v26+s5+$0x0], $0xffff;
	v26 =	vor.u32 v7, v12  }
0x103: {  	v30 =	vor.u32 v6, v17;
	v31 =	vor.u32 v5, v18;
	v15 =	vld.idx.msk [tilespmem:v15+s5+$0x0], $0xffff;
	v12 =	vmov s28;
	s28 =	sand.u32 $0xD, s3;
	[tilespmem:s26+$0xFFFFFF40] =	vst v21  }
0x104: {  	s13 =	simm.s32 $0xA;
	s31 =	simm.s32 $0xB;
	v32 =	vor.u32 v3, v9;
	v12 =	vperm.xlane v28, v12;
	v13 =	vmov s28;
	[tilespmem:s25+$0xFFFFFF20] =	vst v24;
	v21 =	vld.idx.msk [tilespmem:v22+s5+$0x0], $0xffff  }
0x105: {  	s28 =	sand.u32 $0xE, s13;
	v13 =	vperm.xlane v28, v13;
	v22 =	vor.u32 v6, v16;
	v24 =	vmov s31;
	v20 =	vld.idx.msk [tilespmem:v20+s5+$0x0], $0xffff;
	[tilespmem:s25+$0x20] =	vst v14  }
0x106: {  	v33 =	vmov s28;
	v24 =	vperm.xlane v28, v24;
	v14 =	vshll.u32 v12, $0x7;
	v19 =	vld.idx.msk [tilespmem:v19+s5+$0x0], $0xffff;
	[tilespmem:s26+$0x60] =	vst v23  }
0x107: {  	v12 =	vshll.u32 v13, $0x7;
	v23 =	vperm.xlane v28, v33;
	v28 =	vor.u32 v0, v14;
	[tilespmem:s26+$0xC0] =	vst v25;
	v26 =	vld.idx.msk [tilespmem:v26+s5+$0x0], $0xffff  }
0x108: {  	[tilespmem:s25+$0xFFFFFFA0] =	vst v29;
	v25 =	vor.u32 v0, v12;
	v13 =	vshll.u32 v24, $0x7;
	v24 =	vld.idx.msk [tilespmem:v31+s5+$0x0], $0xffff  }
0x109: {  	[tilespmem:s26+$0xFFFFFFD0] =	vst v15;
	v31 =	vld.idx.msk [tilespmem:v32+s5+$0x0], $0xffff;
	v15 =	vshll.u32 v23, $0x7;
	v23 =	vor.u32 v0, v13  }
0x10a: {  	v22 =	vld.idx.msk [tilespmem:v22+s5+$0x0], $0xffff;
	v29 =	vor.u32 v0, v15;
	[tilespmem:s26+$0xFFFFFF50] =	vst v21  }
0x10b: {  	v21 =	vor.u32 v6, v18;
	[tilespmem:s25+$0xFFFFFF30] =	vst v20;
	v20 =	vld.idx.msk [tilespmem:v30+s5+$0x0], $0xffff  }
0x10c: {  	v30 =	vor.u32 v4, v9;
	v28 =	vld.idx.msk [tilespmem:v28+s5+$0x0], $0xffff;
	[tilespmem:s25+$0x30] =	vst v19  }
0x10d: {  	v17 =	vor.u32 v7, v17;
	v19 =	vld.idx.msk [tilespmem:v25+s5+$0x0], $0xffff;
	[tilespmem:s26+$0x70] =	vst v26  }
0x10e: {  	v16 =	vor.u32 v7, v16;
	[tilespmem:s26+$0xD0] =	vst v24;
	v23 =	vld.idx.msk [tilespmem:v23+s5+$0x0], $0xffff  }
0x10f: {  	v25 =	vor.u32 v4, v11;
	[tilespmem:s25+$0xFFFFFFB0] =	vst v31;
	v24 =	vld.idx.msk [tilespmem:v29+s5+$0x0], $0xffff  }
0x110: {  	v26 =	vor.u32 v2, v8;
	[tilespmem:s26+$0xFFFFFFE0] =	vst v22;
	v22 =	vld.idx.msk [tilespmem:v21+s5+$0x0], $0xffff  }
0x111: {  	v29 =	vor.u32 v1, v13;
	v21 =	vld.idx.msk [tilespmem:v30+s5+$0x0], $0xffff;
	[tilespmem:s26+$0xFFFFFF60] =	vst v20  }
0x112: {  	[tilespmem:s25+$0x90] =	vst v27;
	s28 =	simm.s32 $0x2B00;
	v18 =	vor.u32 v7, v18;
	v20 =	vld.idx.msk [tilespmem:v17+s5+$0x0], $0xffff  }
0x113: {  	v31 =	vor.u32 v1, v15;
	v62 =	vld.idx.msk [tilespmem:v16+s5+$0x0], $0xffff;
	[tilespmem:s28+$0xFFFFFF00] =	vst v28  }
0x114: {  	v28 =	vor.u32 v1, v14;
	v30 =	vld.idx.msk [tilespmem:v25+s5+$0x0], $0xffff;
	[tilespmem:s28+$0x80] =	vst v23  }
0x115: {  	v23 =	vld.idx.msk [tilespmem:v26+s5+$0x0], $0xffff;
	[tilespmem:s28+$0x0] =	vst v24;
	v24 =	vor.u32 v5, v11  }
0x116: {  	v63 =	vor.u32 v3, v8;
	v17 =	vld.idx.msk [tilespmem:v29+s5+$0x0], $0xffff;
	[tilespmem:s26+$0xE0] =	vst v22  }
0x117: {  	v27 =	vld.idx.msk [tilespmem:v18+s5+$0x0], $0xffff;
	[tilespmem:s26+$0xFFFFFF70] =	vst v20;
	v20 =	vor.u32 v1, v12  }
0x118: {  	[tilespmem:s28+$0xFFFFFF80] =	vst v19;
	v29 =	vor.u32 v4, v10;
	v26 =	vld.idx.msk [tilespmem:v31+s5+$0x0], $0xffff  }
0x119: {  	v16 =	vor.u32 v6, v15;
	v25 =	vld.idx.msk [tilespmem:v28+s5+$0x0], $0xffff;
	[tilespmem:s25+$0x40] =	vst v30  }
0x11a: {  	v19 =	vor.u32 v2, v12;
	v22 =	vor.u32 v2, v14;
	[tilespmem:s25+$0xA0] =	vst v23;
	v24 =	vld.idx.msk [tilespmem:v24+s5+$0x0], $0xffff  }
0x11b: {  	v18 =	vor.u32 v6, v11;
	[tilespmem:s26+$0xFFFFFFF0] =	vst v62;
	v28 =	vor.u32 v2, v15;
	v23 =	vld.idx.msk [tilespmem:v63+s5+$0x0], $0xffff  }
.LBB2_8:
0x11c: {  	v20 =	vld.idx.msk [tilespmem:v20+s5+$0x0], $0xffff;
	[tilespmem:s25+$0xFFFFFFC0] =	vst v21;
	s30 =	smov.u32 s29;
	s29 =	sadd.s32 $0x4, s29  }
0x11d: {  	s31 =	sand.u32 $0x70, s29;
	s2 =	sand.u32 $0xC, s29;
	p0 =	slt.u32 s29, $0x5C;
	v21 =	vld.idx.msk [tilespmem:v29+s5+$0x0], $0xffff;
	v29 =	vor.u32 v4, v8;
	[tilespmem:s26+$0xF0] =	vst v27  }
0x11e: {  	s26 =	smov.u32 s25;
	s25 =	smov.u32 s28;
	v27 =	vld [tilespmem:s31+$0x2400];
	[tilespmem:s28+$0xFFFFFF10] =	vst v25;
	v25 =	vor.u32 v5, v9  }
0x11f: {  	v30 =	vor.u32 v7, v11;
	v11 =	vmov v15;
	v22 =	vld.idx.msk [tilespmem:v22+s5+$0x0], $0xffff;
	[tilespmem:s28+$0x10] =	vst v26;
	v26 =	vor.u32 v6, v10  }
0x120: {  	v31 =	vor.u32 v5, v10;
	s31 =	sadd.s32 $0x6, s30;
	v28 =	vld.idx.msk [tilespmem:v28+s5+$0x0], $0xffff;
	[tilespmem:s26+$0x50] =	vst v24;
	v24 =	vor.u32 v5, v8  }
0x121: {  	v32 =	vor.u32 v3, v14;
	s0 =	sadd.s32 $0x5, s30;
	v33 =	vor.u32 v3, v11;
	s30 =	sadd.s32 $0x7, s30;
	s31 =	sand.u32 $0xE, s31;
	v34 =	vld.idx.msk [tilespmem:v18+s5+$0x0], $0xffff;
	[tilespmem:s26+$0xB0] =	vst v23;
	v18 =	vmov v16  }
0x122: {  	v15 =	vmov s2;
	s0 =	sand.u32 $0xD, s0;
	v16 =	vmov s31;
	v23 =	vmov s30;
	v29 =	vld.idx.msk [tilespmem:v29+s5+$0x0], $0xffff  }
0x123: {  	v35 =	vmov s0;
	v15 =	vperm.xlane v27, v15;
	v16 =	vperm.xlane v27, v16;
	[tilespmem:s28+$0xFFFFFF90] =	vst v20;
	v20 =	vld.idx.msk [tilespmem:v25+s5+$0x0], $0xffff  }
0x124: {  	v25 =	vperm.xlane v27, v35;
	v23 =	vperm.xlane v27, v23;
	v19 =	vld.idx.msk [tilespmem:v19+s5+$0x0], $0xffff;
	[tilespmem:s26+$0xFFFFFF40] =	vst v21  }
0x125: {  	v27 =	vor.u32 v6, v9;
	v21 =	vshll.u32 v15, $0x7;
	v15 =	vshll.u32 v16, $0x7;
	[tilespmem:s28+$0xFFFFFF20] =	vst v22;
	v22 =	vld.idx.msk [tilespmem:v31+s5+$0x0], $0xffff  }
0x126: {  	v35 =	vor.u32 v3, v12;
	v25 =	vshll.u32 v25, $0x7;
	v31 =	vor.u32 v0, v21;
	v32 =	vld.idx.msk [tilespmem:v32+s5+$0x0], $0xffff;
	[tilespmem:s28+$0x20] =	vst v28  }
0x127: {  	v28 =	vor.u32 v0, v25;
	v16 =	vor.u32 v6, v15;
	v33 =	vld.idx.msk [tilespmem:v33+s5+$0x0], $0xffff;
	[tilespmem:s26+$0x60] =	vst v34  }
0x128: {  	v23 =	vshll.u32 v23, $0x7;
	v34 =	vor.u32 v0, v15;
	v30 =	vld.idx.msk [tilespmem:v30+s5+$0x0], $0xffff;
	[tilespmem:s26+$0xC0] =	vst v29  }
0x129: {  	v29 =	vor.u32 v0, v23;
	[tilespmem:s26+$0xFFFFFFD0] =	vst v20;
	v24 =	vld.idx.msk [tilespmem:v24+s5+$0x0], $0xffff  }
0x12a: {  	[tilespmem:s28+$0xFFFFFFA0] =	vst v19;
	v19 =	vld.idx.msk [tilespmem:v27+s5+$0x0], $0xffff  }
0x12b: {  	v27 =	vld.idx.msk [tilespmem:v35+s5+$0x0], $0xffff;
	[tilespmem:s26+$0xFFFFFF50] =	vst v22;
	v22 =	vor.u32 v6, v8  }
0x12c: {  	[tilespmem:s28+$0xFFFFFF30] =	vst v32;
	v26 =	vld.idx.msk [tilespmem:v26+s5+$0x0], $0xffff  }
0x12d: {  	v35 =	vor.u32 v4, v12;
	v32 =	vor.u32 v1, v21;
	v31 =	vld.idx.msk [tilespmem:v31+s5+$0x0], $0xffff;
	[tilespmem:s28+$0x30] =	vst v33  }
0x12e: {  	v20 =	vor.u32 v1, v25;
	v33 =	vor.u32 v7, v10;
	v10 =	vmov v14;
	v28 =	vld.idx.msk [tilespmem:v28+s5+$0x0], $0xffff;
	[tilespmem:s26+$0x70] =	vst v30  }
0x12f: {  	v36 =	vor.u32 v4, v11;
	v14 =	vmov v21;
	v30 =	vor.u32 v1, v15;
	v29 =	vld.idx.msk [tilespmem:v29+s5+$0x0], $0xffff;
	[tilespmem:s26+$0xD0] =	vst v24  }
0x130: {  	v37 =	vor.u32 v2, v13;
	s28 =	sadd.s32 $0x200, s28;
	v24 =	vld.idx.msk [tilespmem:v34+s5+$0x0], $0xffff;
	v34 =	vor.u32 v1, v23;
	[tilespmem:s26+$0xFFFFFFE0] =	vst v19  }
0x131: {  	[tilespmem:s25+$0xFFFFFFB0] =	vst v27;
	v27 =	vor.u32 v7, v9;
	v38 =	vld.idx.msk [tilespmem:v22+s5+$0x0], $0xffff;
	v9 =	vmov v12;
	v12 =	vmov v25  }
0x132: {  	v25 =	vor.u32 v7, v8;
	v8 =	vmov v13;
	v13 =	vmov v23;
	v21 =	vld.idx.msk [tilespmem:v35+s5+$0x0], $0xffff;
	[tilespmem:s26+$0xFFFFFF60] =	vst v26  }
0x133: {  	[tilespmem:s28+$0xFFFFFF00] =	vst v31;
	v23 =	vld.idx.msk [tilespmem:v33+s5+$0x0], $0xffff  }
0x134: {  	v22 =	vor.u32 v2, v14;
	v31 =	vld.idx.msk [tilespmem:v36+s5+$0x0], $0xffff;
	[tilespmem:s25+$0x90] =	vst v17  }
0x135: {  	v19 =	vor.u32 v2, v12;
	[tilespmem:s28+$0x80] =	vst v29;
	v33 =	vld.idx.msk [tilespmem:v37+s5+$0x0], $0xffff  }
0x136: {  	[tilespmem:s28+$0x0] =	vst v24;
	v24 =	vor.u32 v5, v11;
	v35 =	vld.idx.msk [tilespmem:v27+s5+$0x0], $0xffff  }
0x137: {  	v17 =	vld.idx.msk [tilespmem:v34+s5+$0x0], $0xffff;
	v34 =	vor.u32 v3, v8;
	[tilespmem:s26+$0xE0] =	vst v38  }
.Ltmp8:
0x138: {  	[tilespmem:s28+$0xFFFFFF80] =	vst v28;
	v27 =	vld.idx.msk [tilespmem:v25+s5+$0x0], $0xffff;
	(pc) =	sbr.rel @p0 .LBB2_8-.Ltmp8, $4  }
0x139: {  	v29 =	vor.u32 v4, v10;
	v25 =	vld.idx.msk [tilespmem:v32+s5+$0x0], $0xffff;
	[tilespmem:s26+$0xFFFFFF70] =	vst v23  }
0x13a: {  	v26 =	vld.idx.msk [tilespmem:v30+s5+$0x0], $0xffff;
	[tilespmem:s25+$0x40] =	vst v31  }
0x13b: {  	v24 =	vld.idx.msk [tilespmem:v24+s5+$0x0], $0xffff;
	[tilespmem:s25+$0xA0] =	vst v33  }
0x13c: {  	v28 =	vor.u32 v2, v15;
	v23 =	vld.idx.msk [tilespmem:v34+s5+$0x0], $0xffff;
	[tilespmem:s26+$0xFFFFFFF0] =	vst v35  }
0x13d: {  	_ =	sdelay $0x1  }
0x13e: {  	[tilespmem:s25+$0xFFFFFFC0] =	vst v21  }
0x13f: {  	[tilespmem:s26+$0xF0] =	vst v27  }
0x140: {  	v20 =	vld.idx.msk [tilespmem:v20+s5+$0x0], $0xffff;
	v27 =	vor.u32 v4, v8;
	[tilespmem:s28+$0xFFFFFF10] =	vst v25  }
0x141: {  	v21 =	vld.idx.msk [tilespmem:v29+s5+$0x0], $0xffff;
	[tilespmem:s28+$0x10] =	vst v26  }
0x142: {  	v22 =	vld.idx.msk [tilespmem:v22+s5+$0x0], $0xffff;
	[tilespmem:s25+$0x50] =	vst v24;
	v24 =	vor.u32 v2, v13  }
0x143: {  	[tilespmem:s28+$0x90] =	vst v17;
	v25 =	vor.u32 v5, v9;
	v26 =	vld.idx.msk [tilespmem:v28+s5+$0x0], $0xffff  }
0x144: {  	[tilespmem:s25+$0xB0] =	vst v23;
	v23 =	vor.u32 v5, v10;
	v18 =	vld.idx.msk [tilespmem:v18+s5+$0x0], $0xffff  }
0x145: {  	[tilespmem:s28+$0xFFFFFF90] =	vst v20;
	v20 =	vor.u32 v3, v15;
	v27 =	vld.idx.msk [tilespmem:v27+s5+$0x0], $0xffff  }
0x146: {  	[tilespmem:s25+$0xFFFFFF40] =	vst v21;
	v21 =	vor.u32 v3, v14;
	v19 =	vld.idx.msk [tilespmem:v19+s5+$0x0], $0xffff  }
0x147: {  	v17 =	vor.u32 v3, v12;
	[tilespmem:s28+$0xFFFFFF20] =	vst v22;
	v22 =	vld.idx.msk [tilespmem:v24+s5+$0x0], $0xffff  }
0x148: {  	v24 =	vld.idx.msk [tilespmem:v25+s5+$0x0], $0xffff;
	[tilespmem:s28+$0x20] =	vst v26;
	v25 =	vor.u32 v3, v13  }
0x149: {  	v11 =	vor.u32 v7, v11;
	v23 =	vld.idx.msk [tilespmem:v23+s5+$0x0], $0xffff;
	[tilespmem:s25+$0x60] =	vst v18  }
0x14a: {  	v18 =	vor.u32 v5, v8;
	v20 =	vld.idx.msk [tilespmem:v20+s5+$0x0], $0xffff;
	[tilespmem:s25+$0xC0] =	vst v27  }
0x14b: {  	v21 =	vld.idx.msk [tilespmem:v21+s5+$0x0], $0xffff;
	[tilespmem:s28+$0xFFFFFFA0] =	vst v19;
	v19 =	vor.u32 v4, v15  }
0x14c: {  	v26 =	vor.u32 v4, v14;
	v17 =	vld.idx.msk [tilespmem:v17+s5+$0x0], $0xffff;
	[tilespmem:s28+$0xA0] =	vst v22  }
0x14d: {  	[tilespmem:s25+$0xFFFFFFD0] =	vst v24;
	v22 =	vor.u32 v4, v12;
	v24 =	vld.idx.msk [tilespmem:v25+s5+$0x0], $0xffff  }
0x14e: {  	v11 =	vld.idx.msk [tilespmem:v11+s5+$0x0], $0xffff;
	[tilespmem:s25+$0xFFFFFF50] =	vst v23;
	v23 =	vor.u32 v4, v13  }
0x14f: {  	v25 =	vor.u32 v6, v9;
	v18 =	vld.idx.msk [tilespmem:v18+s5+$0x0], $0xffff;
	[tilespmem:s28+$0x30] =	vst v20  }
0x150: {  	v20 =	vor.u32 v6, v10;
	[tilespmem:s28+$0xFFFFFF30] =	vst v21;
	v19 =	vld.idx.msk [tilespmem:v19+s5+$0x0], $0xffff  }
0x151: {  	v21 =	vld.idx.msk [tilespmem:v26+s5+$0x0], $0xffff;
	[tilespmem:s28+$0xFFFFFFB0] =	vst v17;
	v17 =	vor.u32 v5, v15  }
0x152: {  	v26 =	vor.u32 v5, v14;
	v22 =	vld.idx.msk [tilespmem:v22+s5+$0x0], $0xffff;
	[tilespmem:s28+$0xB0] =	vst v24  }
0x153: {  	[tilespmem:s25+$0x70] =	vst v11;
	v11 =	vor.u32 v5, v12;
	v23 =	vld.idx.msk [tilespmem:v23+s5+$0x0], $0xffff  }
0x154: {  	v24 =	vld.idx.msk [tilespmem:v25+s5+$0x0], $0xffff;
	[tilespmem:s25+$0xD0] =	vst v18;
	v18 =	vor.u32 v5, v13  }
0x155: {  	v25 =	vor.u32 v6, v8;
	v20 =	vld.idx.msk [tilespmem:v20+s5+$0x0], $0xffff;
	[tilespmem:s28+$0x40] =	vst v19  }
0x156: {  	v10 =	vor.u32 v7, v10;
	[tilespmem:s28+$0xFFFFFF40] =	vst v21;
	v17 =	vld.idx.msk [tilespmem:v17+s5+$0x0], $0xffff  }
0x157: {  	v19 =	vld.idx.msk [tilespmem:v26+s5+$0x0], $0xffff;
	[tilespmem:s28+$0xFFFFFFC0] =	vst v22  }
0x158: {  	v21 =	vor.u32 v6, v14;
	v11 =	vld.idx.msk [tilespmem:v11+s5+$0x0], $0xffff;
	[tilespmem:s28+$0xC0] =	vst v23  }
0x159: {  	v22 =	vor.u32 v6, v12;
	[tilespmem:s25+$0xFFFFFFE0] =	vst v24;
	v18 =	vld.idx.msk [tilespmem:v18+s5+$0x0], $0xffff  }
0x15a: {  	v23 =	vld.idx.msk [tilespmem:v25+s5+$0x0], $0xffff;
	[tilespmem:s25+$0xFFFFFF60] =	vst v20;
	v20 =	vor.u32 v6, v13  }
0x15b: {  	v9 =	vor.u32 v7, v9;
	v10 =	vld.idx.msk [tilespmem:v10+s5+$0x0], $0xffff;
	[tilespmem:s28+$0x50] =	vst v17  }
0x15c: {  	v8 =	vor.u32 v7, v8;
	[tilespmem:s28+$0xFFFFFF50] =	vst v19;
	v16 =	vld.idx.msk [tilespmem:v16+s5+$0x0], $0xffff  }
0x15d: {  	v15 =	vor.u32 v7, v15;
	[tilespmem:s28+$0xFFFFFFD0] =	vst v11;
	v11 =	vld.idx.msk [tilespmem:v21+s5+$0x0], $0xffff  }
0x15e: {  	v14 =	vor.u32 v7, v14;
	v17 =	vld.idx.msk [tilespmem:v22+s5+$0x0], $0xffff;
	[tilespmem:s28+$0xD0] =	vst v18  }
0x15f: {  	v12 =	vor.u32 v7, v12;
	[tilespmem:s25+$0xE0] =	vst v23;
	v18 =	vld.idx.msk [tilespmem:v20+s5+$0x0], $0xffff  }
0x160: {  	v9 =	vld.idx.msk [tilespmem:v9+s5+$0x0], $0xffff;
	[tilespmem:s25+$0xFFFFFF70] =	vst v10;
	v10 =	vor.u32 v7, v13  }
0x161: {  	v8 =	vld.idx.msk [tilespmem:v8+s5+$0x0], $0xffff;
	[tilespmem:s28+$0x60] =	vst v16  }
0x162: {  	v13 =	vld.idx.msk [tilespmem:v15+s5+$0x0], $0xffff;
	[tilespmem:s28+$0xFFFFFF60] =	vst v11  }
0x163: {  	[tilespmem:s28+$0xFFFFFFE0] =	vst v17;
	v11 =	vld.idx.msk [tilespmem:v14+s5+$0x0], $0xffff  }
0x164: {  	v12 =	vld.idx.msk [tilespmem:v12+s5+$0x0], $0xffff;
	[tilespmem:s28+$0xE0] =	vst v18  }
0x165: {  	[tilespmem:s25+$0xFFFFFFF0] =	vst v9;
	v9 =	vld.idx.msk [tilespmem:v10+s5+$0x0], $0xffff  }
0x166: {  	[tilespmem:s25+$0xF0] =	vst v8  }
0x167: {  	[tilespmem:s28+$0x70] =	vst v13  }
0x168: {  	[tilespmem:s28+$0xFFFFFF70] =	vst v11  }
0x169: {  	s0 =	simm.s32 $0x60;
	[tilespmem:s28+$0xFFFFFFF0] =	vst v12  }
0x16a: {  	s2 =	sand.u32 $0xF0, s0;
	[tilespmem:s28+$0xF0] =	vst v9  }
0x16b: {  	[hbm4b:s8+s5] =	stream.linear.scatter [tilespmem:s16], [sflag:$0x1], $0x3000, $0x38;
	[tilespmem:$0x1B600] =	vst v63  }
0x16c: {  	v8 =	vld [tilespmem:s2+$0x2400];
	_ =	sdelay $0x2  }
0x16d: {  	s30 =	simm.s32 $0x62;
	s0 =	sand.u32 $0xC, s0  }
0x16e: {  	s31 =	simm.s32 $0x61;
	v9 =	vmov s0;
	s2 =	sand.u32 $0xE, s30  }
0x16f: {  	s3 =	sand.u32 $0xD, s31;
	v10 =	vmov s2;
	v9 =	vperm.xlane v8, v9  }
0x170: {  	v11 =	vmov s3;
	v10 =	vperm.xlane v8, v10  }
0x171: {  	v11 =	vperm.xlane v8, v11;
	v17 =	vshll.u32 v9, $0x7  }
0x172: {  	v12 =	vshll.u32 v10, $0x7;
	v9 =	vor.u32 v0, v17  }
0x173: {  	v16 =	vshll.u32 v11, $0x7;
	v10 =	vor.u32 v0, v12  }
0x174: {  	v11 =	vor.u32 v0, v16;
	_ =	sdelay $0x2  }
0x175: {  	v9 =	vld.idx.msk [tilespmem:v9+s5+$0x0], $0xffff  }
0x176: {  	s13 =	simm.s32 $0x63;
	v13 =	vor.u32 v1, v17;
	v10 =	vld.idx.msk [tilespmem:v10+s5+$0x0], $0xffff  }
0x177: {  	v15 =	vmov s13;
	v14 =	vor.u32 v1, v12;
	v11 =	vld.idx.msk [tilespmem:v11+s5+$0x0], $0xffff  }
0x178: {  	s25 =	simm.s32 $0x64;
	v8 =	vperm.xlane v8, v15;
	v19 =	vor.u32 v1, v16  }
0x179: {  	s26 =	simm.s32 $0x57F0;
	s30 =	sand.u32 $0xF0, s25  }
0x17a: {  	v15 =	vld [tilespmem:s30+$0x2400];
	v18 =	vshll.u32 v8, $0x7;
	[tilespmem:s26+$0xFFFFFE10] =	vst v9  }
0x17b: {  	[tilespmem:s26+$0xFFFFFF10] =	vst v10;
	v9 =	vor.u32 v0, v18;
	v8 =	vld.idx.msk [tilespmem:v13+s5+$0x0], $0xffff  }
0x17c: {  	[tilespmem:s26+$0xFFFFFE90] =	vst v11;
	v11 =	vor.u32 v2, v17;
	v10 =	vld.idx.msk [tilespmem:v14+s5+$0x0], $0xffff  }
0x17d: {  	v13 =	vld.idx.msk [tilespmem:v19+s5+$0x0], $0xffff;
	v14 =	vor.u32 v2, v12  }
0x17e: {  	v19 =	vor.u32 v2, v16  }
0x17f: {  	s3 =	simm.s32 $0x65  }
0x180: {  	s0 =	sand.u32 $0xC, s25;
	s30 =	sand.u32 $0xD, s3;
	v9 =	vld.idx.msk [tilespmem:v9+s5+$0x0], $0xffff;
	[tilespmem:s26+$0xFFFFFE20] =	vst v8  }
0x181: {  	s28 =	simm.s32 $0x67;
	v23 =	vmov s30;
	v20 =	vor.u32 v1, v18;
	[tilespmem:s26+$0xFFFFFF20] =	vst v10;
	v8 =	vmov s0;
	v11 =	vld.idx.msk [tilespmem:v11+s5+$0x0], $0xffff  }
0x182: {  	s31 =	simm.s32 $0x66;
	v21 =	vor.u32 v3, v17;
	v10 =	vmov s28;
	[tilespmem:s26+$0xFFFFFEA0] =	vst v13;
	v14 =	vld.idx.msk [tilespmem:v14+s5+$0x0], $0xffff;
	v8 =	vperm.xlane v15, v8  }
0x183: {  	s13 =	sand.u32 $0xE, s31;
	v22 =	vor.u32 v3, v12;
	v25 =	vor.u32 v3, v16;
	v24 =	vperm.xlane v15, v10;
	v19 =	vld.idx.msk [tilespmem:v19+s5+$0x0], $0xffff  }
0x184: {  	v23 =	vperm.xlane v15, v23;
	v13 =	vmov s13;
	v10 =	vshll.u32 v8, $0x7  }
0x185: {  	v13 =	vperm.xlane v15, v13;
	v8 =	vshll.u32 v24, $0x7;
	[tilespmem:s26+$0xFFFFFF90] =	vst v9;
	v15 =	vor.u32 v0, v10  }
0x186: {  	v9 =	vshll.u32 v23, $0x7;
	v23 =	vor.u32 v0, v8;
	v20 =	vld.idx.msk [tilespmem:v20+s5+$0x0], $0xffff;
	[tilespmem:s26+$0xFFFFFE30] =	vst v11  }
0x187: {  	v11 =	vshll.u32 v13, $0x7;
	[tilespmem:s26+$0xFFFFFF30] =	vst v14;
	v14 =	vor.u32 v0, v9;
	v13 =	vld.idx.msk [tilespmem:v21+s5+$0x0], $0xffff  }
0x188: {  	[tilespmem:s26+$0xFFFFFEB0] =	vst v19;
	v21 =	vld.idx.msk [tilespmem:v22+s5+$0x0], $0xffff;
	v22 =	vor.u32 v0, v11  }
0x189: {  	v19 =	vld.idx.msk [tilespmem:v25+s5+$0x0], $0xffff;
	v25 =	vor.u32 v2, v18  }
0x18a: {  	v24 =	vor.u32 v4, v12;
	v15 =	vld.idx.msk [tilespmem:v15+s5+$0x0], $0xffff  }
0x18b: {  	v26 =	vor.u32 v4, v16;
	v23 =	vld.idx.msk [tilespmem:v23+s5+$0x0], $0xffff  }
0x18c: {  	v27 =	vor.u32 v1, v8;
	[tilespmem:s26+$0xFFFFFFA0] =	vst v20;
	v14 =	vld.idx.msk [tilespmem:v14+s5+$0x0], $0xffff  }
0x18d: {  	v28 =	vor.u32 v1, v10;
	[tilespmem:s26+$0xFFFFFF40] =	vst v21;
	v21 =	vld.idx.msk [tilespmem:v22+s5+$0x0], $0xffff  }
0x18e: {  	[tilespmem:s26+$0xFFFFFEC0] =	vst v19;
	v19 =	vld.idx.msk [tilespmem:v25+s5+$0x0], $0xffff  }
0x18f: {  	s25 =	simm.s32 $0x59F0;
	v22 =	vor.u32 v1, v11;
	v24 =	vld.idx.msk [tilespmem:v24+s5+$0x0], $0xffff  }
0x190: {  	v25 =	vld.idx.msk [tilespmem:v26+s5+$0x0], $0xffff;
	v26 =	vor.u32 v1, v9;
	[tilespmem:s25+$0xFFFFFF90] =	vst v23  }
0x191: {  	s29 =	simm.s32 $0x68;
	v20 =	vor.u32 v5, v12;
	[tilespmem:s25+$0xFFFFFE10] =	vst v15;
	v27 =	vld.idx.msk [tilespmem:v27+s5+$0x0], $0xffff  }
0x192: {  	s31 =	sand.u32 $0xF0, s29;
	v23 =	vor.u32 v3, v18;
	v15 =	vld.idx.msk [tilespmem:v28+s5+$0x0], $0xffff;
	[tilespmem:s25+$0xFFFFFE90] =	vst v14  }
0x193: {  	v28 =	vld [tilespmem:s31+$0x2400];
	[tilespmem:s25+$0xFFFFFF10] =	vst v21;
	v21 =	vor.u32 v4, v17  }
0x194: {  	v22 =	vld.idx.msk [tilespmem:v22+s5+$0x0], $0xffff;
	[tilespmem:s26+$0xFFFFFF50] =	vst v24;
	v24 =	vor.u32 v2, v10  }
0x195: {  	[tilespmem:s26+$0xFFFFFE40] =	vst v13;
	v14 =	vor.u32 v2, v11;
	v13 =	vld.idx.msk [tilespmem:v26+s5+$0x0], $0xffff  }
0x196: {  	v29 =	vor.u32 v2, v9;
	[tilespmem:s26+$0xFFFFFFB0] =	vst v19;
	v20 =	vld.idx.msk [tilespmem:v20+s5+$0x0], $0xffff  }
0x197: {  	v19 =	vld.idx.msk [tilespmem:v23+s5+$0x0], $0xffff;
	v23 =	vor.u32 v6, v12  }
0x198: {  	v26 =	vor.u32 v4, v18;
	[tilespmem:s25+$0xFFFFFE20] =	vst v15;
	v21 =	vld.idx.msk [tilespmem:v21+s5+$0x0], $0xffff  }
0x199: {  	v15 =	vor.u32 v5, v16;
	v24 =	vld.idx.msk [tilespmem:v24+s5+$0x0], $0xffff;
	[tilespmem:s25+$0xFFFFFF20] =	vst v22  }
0x19a: {  	v22 =	vor.u32 v5, v17;
	[tilespmem:s25+$0xFFFFFEA0] =	vst v13;
	v14 =	vld.idx.msk [tilespmem:v14+s5+$0x0], $0xffff  }
0x19b: {  	[tilespmem:s26+$0xFFFFFF60] =	vst v20;
	v20 =	vor.u32 v3, v10;
	v29 =	vld.idx.msk [tilespmem:v29+s5+$0x0], $0xffff  }
0x19c: {  	[tilespmem:s26+$0xFFFFFFC0] =	vst v19;
	v19 =	vor.u32 v3, v11;
	v23 =	vld.idx.msk [tilespmem:v23+s5+$0x0], $0xffff  }
0x19d: {  	s2 =	sand.u32 $0xC, s29;
	s3 =	simm.s32 $0x69;
	[tilespmem:s26+$0xFFFFFED0] =	vst v25;
	v25 =	vld.idx.msk [tilespmem:v26+s5+$0x0], $0xffff;
	v26 =	vor.u32 v7, v12  }
0x19e: {  	v30 =	vor.u32 v6, v17;
	v31 =	vor.u32 v5, v18;
	s13 =	sand.u32 $0xD, s3;
	v15 =	vld.idx.msk [tilespmem:v15+s5+$0x0], $0xffff;
	v12 =	vmov s2;
	[tilespmem:s26+$0xFFFFFE50] =	vst v21  }
0x19f: {  	s30 =	simm.s32 $0x6A;
	s28 =	simm.s32 $0x6B;
	v32 =	vor.u32 v3, v9;
	v13 =	vmov s13;
	v12 =	vperm.xlane v28, v12;
	[tilespmem:s25+$0xFFFFFE30] =	vst v24;
	v21 =	vld.idx.msk [tilespmem:v22+s5+$0x0], $0xffff  }
0x1a0: {  	s31 =	sand.u32 $0xE, s30;
	v13 =	vperm.xlane v28, v13;
	v22 =	vor.u32 v6, v16;
	v24 =	vmov s28;
	v20 =	vld.idx.msk [tilespmem:v20+s5+$0x0], $0xffff;
	[tilespmem:s25+$0xFFFFFF30] =	vst v14  }
0x1a1: {  	v33 =	vmov s31;
	v24 =	vperm.xlane v28, v24;
	v14 =	vshll.u32 v12, $0x7;
	v19 =	vld.idx.msk [tilespmem:v19+s5+$0x0], $0xffff;
	[tilespmem:s26+$0xFFFFFF70] =	vst v23  }
0x1a2: {  	v12 =	vshll.u32 v13, $0x7;
	v23 =	vperm.xlane v28, v33;
	v28 =	vor.u32 v0, v14;
	[tilespmem:s26+$0xFFFFFFD0] =	vst v25;
	v26 =	vld.idx.msk [tilespmem:v26+s5+$0x0], $0xffff  }
0x1a3: {  	[tilespmem:s25+$0xFFFFFEB0] =	vst v29;
	v25 =	vor.u32 v0, v12;
	v13 =	vshll.u32 v24, $0x7;
	v24 =	vld.idx.msk [tilespmem:v31+s5+$0x0], $0xffff  }
0x1a4: {  	[tilespmem:s26+$0xFFFFFEE0] =	vst v15;
	v31 =	vld.idx.msk [tilespmem:v32+s5+$0x0], $0xffff;
	v15 =	vshll.u32 v23, $0x7;
	v23 =	vor.u32 v0, v13  }
0x1a5: {  	v22 =	vld.idx.msk [tilespmem:v22+s5+$0x0], $0xffff;
	v29 =	vor.u32 v0, v15;
	[tilespmem:s26+$0xFFFFFE60] =	vst v21  }
0x1a6: {  	v21 =	vor.u32 v6, v18;
	[tilespmem:s25+$0xFFFFFE40] =	vst v20;
	v20 =	vld.idx.msk [tilespmem:v30+s5+$0x0], $0xffff  }
0x1a7: {  	v30 =	vor.u32 v4, v9;
	v28 =	vld.idx.msk [tilespmem:v28+s5+$0x0], $0xffff;
	[tilespmem:s25+$0xFFFFFF40] =	vst v19  }
0x1a8: {  	v17 =	vor.u32 v7, v17;
	v19 =	vld.idx.msk [tilespmem:v25+s5+$0x0], $0xffff;
	[tilespmem:s26+$0xFFFFFF80] =	vst v26  }
0x1a9: {  	v16 =	vor.u32 v7, v16;
	[tilespmem:s26+$0xFFFFFFE0] =	vst v24;
	v23 =	vld.idx.msk [tilespmem:v23+s5+$0x0], $0xffff  }
0x1aa: {  	v25 =	vor.u32 v4, v11;
	[tilespmem:s25+$0xFFFFFEC0] =	vst v31;
	v24 =	vld.idx.msk [tilespmem:v29+s5+$0x0], $0xffff  }
0x1ab: {  	v26 =	vor.u32 v2, v8;
	[tilespmem:s26+$0xFFFFFEF0] =	vst v22;
	v22 =	vld.idx.msk [tilespmem:v21+s5+$0x0], $0xffff  }
0x1ac: {  	v29 =	vor.u32 v1, v13;
	v21 =	vld.idx.msk [tilespmem:v30+s5+$0x0], $0xffff;
	[tilespmem:s26+$0xFFFFFE70] =	vst v20  }
0x1ad: {  	[tilespmem:s25+$0xFFFFFFA0] =	vst v27;
	s28 =	simm.s32 $0x5BF0;
	v18 =	vor.u32 v7, v18;
	v20 =	vld.idx.msk [tilespmem:v17+s5+$0x0], $0xffff  }
0x1ae: {  	v31 =	vor.u32 v1, v15;
	v62 =	vld.idx.msk [tilespmem:v16+s5+$0x0], $0xffff;
	[tilespmem:s28+$0xFFFFFE10] =	vst v28  }
0x1af: {  	v28 =	vor.u32 v1, v14;
	v30 =	vld.idx.msk [tilespmem:v25+s5+$0x0], $0xffff;
	[tilespmem:s28+$0xFFFFFF90] =	vst v23  }
0x1b0: {  	v23 =	vld.idx.msk [tilespmem:v26+s5+$0x0], $0xffff;
	[tilespmem:s28+$0xFFFFFF10] =	vst v24;
	v24 =	vor.u32 v5, v11  }
0x1b1: {  	v63 =	vor.u32 v3, v8;
	v17 =	vld.idx.msk [tilespmem:v29+s5+$0x0], $0xffff;
	[tilespmem:s26+$0xFFFFFFF0] =	vst v22  }
0x1b2: {  	v27 =	vld.idx.msk [tilespmem:v18+s5+$0x0], $0xffff;
	[tilespmem:s26+$0xFFFFFE80] =	vst v20;
	v20 =	vor.u32 v1, v12  }
0x1b3: {  	[tilespmem:s28+$0xFFFFFE90] =	vst v19;
	v29 =	vor.u32 v4, v10;
	v26 =	vld.idx.msk [tilespmem:v31+s5+$0x0], $0xffff  }
0x1b4: {  	v16 =	vor.u32 v6, v15;
	v25 =	vld.idx.msk [tilespmem:v28+s5+$0x0], $0xffff;
	[tilespmem:s25+$0xFFFFFF50] =	vst v30  }
0x1b5: {  	v19 =	vor.u32 v2, v12;
	v22 =	vor.u32 v2, v14;
	[tilespmem:s25+$0xFFFFFFB0] =	vst v23;
	v24 =	vld.idx.msk [tilespmem:v24+s5+$0x0], $0xffff  }
0x1b6: {  	v18 =	vor.u32 v6, v11;
	[tilespmem:s26+$0xFFFFFF00] =	vst v62;
	v28 =	vor.u32 v2, v15;
	v23 =	vld.idx.msk [tilespmem:v63+s5+$0x0], $0xffff  }
.LBB2_10:
0x1b7: {  	v20 =	vld.idx.msk [tilespmem:v20+s5+$0x0], $0xffff;
	[tilespmem:s25+$0xFFFFFED0] =	vst v21;
	s0 =	smov.u32 s29;
	s29 =	sadd.s32 $0x4, s29  }
0x1b8: {  	s2 =	sand.u32 $0xF0, s29;
	s30 =	sand.u32 $0xC, s29;
	p0 =	slt.u32 s29, $0xBC;
	v21 =	vld.idx.msk [tilespmem:v29+s5+$0x0], $0xffff;
	v29 =	vor.u32 v4, v8;
	[tilespmem:s26+$0x0] =	vst v27  }
0x1b9: {  	s26 =	smov.u32 s25;
	s25 =	smov.u32 s28;
	v27 =	vld [tilespmem:s2+$0x2400];
	[tilespmem:s28+$0xFFFFFE20] =	vst v25;
	v25 =	vor.u32 v5, v9  }
0x1ba: {  	v30 =	vor.u32 v7, v11;
	v11 =	vmov v15;
	v22 =	vld.idx.msk [tilespmem:v22+s5+$0x0], $0xffff;
	[tilespmem:s28+$0xFFFFFF20] =	vst v26;
	v26 =	vor.u32 v6, v10  }
0x1bb: {  	v31 =	vor.u32 v5, v10;
	s2 =	sadd.s32 $0x6, s0;
	v28 =	vld.idx.msk [tilespmem:v28+s5+$0x0], $0xffff;
	[tilespmem:s26+$0xFFFFFF60] =	vst v24;
	v24 =	vor.u32 v5, v8  }
0x1bc: {  	v32 =	vor.u32 v3, v14;
	s31 =	sadd.s32 $0x5, s0;
	v33 =	vor.u32 v3, v11;
	s0 =	sadd.s32 $0x7, s0;
	s2 =	sand.u32 $0xE, s2;
	v34 =	vld.idx.msk [tilespmem:v18+s5+$0x0], $0xffff;
	[tilespmem:s26+$0xFFFFFFC0] =	vst v23;
	v18 =	vmov v16  }
0x1bd: {  	v15 =	vmov s30;
	s30 =	sand.u32 $0xD, s31;
	v16 =	vmov s2;
	v23 =	vmov s0;
	v29 =	vld.idx.msk [tilespmem:v29+s5+$0x0], $0xffff  }
0x1be: {  	v35 =	vmov s30;
	v15 =	vperm.xlane v27, v15;
	v16 =	vperm.xlane v27, v16;
	[tilespmem:s28+$0xFFFFFEA0] =	vst v20;
	v20 =	vld.idx.msk [tilespmem:v25+s5+$0x0], $0xffff  }
0x1bf: {  	v25 =	vperm.xlane v27, v35;
	v23 =	vperm.xlane v27, v23;
	v19 =	vld.idx.msk [tilespmem:v19+s5+$0x0], $0xffff;
	[tilespmem:s26+$0xFFFFFE50] =	vst v21  }
0x1c0: {  	v27 =	vor.u32 v6, v9;
	v21 =	vshll.u32 v15, $0x7;
	v15 =	vshll.u32 v16, $0x7;
	[tilespmem:s28+$0xFFFFFE30] =	vst v22;
	v22 =	vld.idx.msk [tilespmem:v31+s5+$0x0], $0xffff  }
0x1c1: {  	v35 =	vor.u32 v3, v12;
	v25 =	vshll.u32 v25, $0x7;
	v31 =	vor.u32 v0, v21;
	v32 =	vld.idx.msk [tilespmem:v32+s5+$0x0], $0xffff;
	[tilespmem:s28+$0xFFFFFF30] =	vst v28  }
0x1c2: {  	v28 =	vor.u32 v0, v25;
	v16 =	vor.u32 v6, v15;
	v33 =	vld.idx.msk [tilespmem:v33+s5+$0x0], $0xffff;
	[tilespmem:s26+$0xFFFFFF70] =	vst v34  }
0x1c3: {  	v23 =	vshll.u32 v23, $0x7;
	v34 =	vor.u32 v0, v15;
	v30 =	vld.idx.msk [tilespmem:v30+s5+$0x0], $0xffff;
	[tilespmem:s26+$0xFFFFFFD0] =	vst v29  }
0x1c4: {  	v29 =	vor.u32 v0, v23;
	[tilespmem:s26+$0xFFFFFEE0] =	vst v20;
	v24 =	vld.idx.msk [tilespmem:v24+s5+$0x0], $0xffff  }
0x1c5: {  	[tilespmem:s28+$0xFFFFFEB0] =	vst v19;
	v19 =	vld.idx.msk [tilespmem:v27+s5+$0x0], $0xffff  }
0x1c6: {  	v27 =	vld.idx.msk [tilespmem:v35+s5+$0x0], $0xffff;
	[tilespmem:s26+$0xFFFFFE60] =	vst v22;
	v22 =	vor.u32 v6, v8  }
0x1c7: {  	[tilespmem:s28+$0xFFFFFE40] =	vst v32;
	v26 =	vld.idx.msk [tilespmem:v26+s5+$0x0], $0xffff  }
0x1c8: {  	v35 =	vor.u32 v4, v12;
	v32 =	vor.u32 v1, v21;
	v31 =	vld.idx.msk [tilespmem:v31+s5+$0x0], $0xffff;
	[tilespmem:s28+$0xFFFFFF40] =	vst v33  }
0x1c9: {  	v20 =	vor.u32 v1, v25;
	v33 =	vor.u32 v7, v10;
	v10 =	vmov v14;
	v28 =	vld.idx.msk [tilespmem:v28+s5+$0x0], $0xffff;
	[tilespmem:s26+$0xFFFFFF80] =	vst v30  }
0x1ca: {  	v36 =	vor.u32 v4, v11;
	v14 =	vmov v21;
	v30 =	vor.u32 v1, v15;
	v29 =	vld.idx.msk [tilespmem:v29+s5+$0x0], $0xffff;
	[tilespmem:s26+$0xFFFFFFE0] =	vst v24  }
0x1cb: {  	v37 =	vor.u32 v2, v13;
	s28 =	sadd.s32 $0x200, s28;
	v24 =	vld.idx.msk [tilespmem:v34+s5+$0x0], $0xffff;
	v34 =	vor.u32 v1, v23;
	[tilespmem:s26+$0xFFFFFEF0] =	vst v19  }
0x1cc: {  	[tilespmem:s25+$0xFFFFFEC0] =	vst v27;
	v27 =	vor.u32 v7, v9;
	v38 =	vld.idx.msk [tilespmem:v22+s5+$0x0], $0xffff;
	v9 =	vmov v12;
	v12 =	vmov v25  }
0x1cd: {  	v25 =	vor.u32 v7, v8;
	v8 =	vmov v13;
	v13 =	vmov v23;
	v21 =	vld.idx.msk [tilespmem:v35+s5+$0x0], $0xffff;
	[tilespmem:s26+$0xFFFFFE70] =	vst v26  }
0x1ce: {  	[tilespmem:s28+$0xFFFFFE10] =	vst v31;
	v23 =	vld.idx.msk [tilespmem:v33+s5+$0x0], $0xffff  }
0x1cf: {  	v22 =	vor.u32 v2, v14;
	v31 =	vld.idx.msk [tilespmem:v36+s5+$0x0], $0xffff;
	[tilespmem:s25+$0xFFFFFFA0] =	vst v17  }
0x1d0: {  	v19 =	vor.u32 v2, v12;
	[tilespmem:s28+$0xFFFFFF90] =	vst v29;
	v33 =	vld.idx.msk [tilespmem:v37+s5+$0x0], $0xffff  }
0x1d1: {  	[tilespmem:s28+$0xFFFFFF10] =	vst v24;
	v24 =	vor.u32 v5, v11;
	v35 =	vld.idx.msk [tilespmem:v27+s5+$0x0], $0xffff  }
0x1d2: {  	v17 =	vld.idx.msk [tilespmem:v34+s5+$0x0], $0xffff;
	v34 =	vor.u32 v3, v8;
	[tilespmem:s26+$0xFFFFFFF0] =	vst v38  }
.Ltmp9:
0x1d3: {  	[tilespmem:s28+$0xFFFFFE90] =	vst v28;
	v27 =	vld.idx.msk [tilespmem:v25+s5+$0x0], $0xffff;
	(pc) =	sbr.rel @p0 .LBB2_10-.Ltmp9, $4  }
0x1d4: {  	v29 =	vor.u32 v4, v10;
	v25 =	vld.idx.msk [tilespmem:v32+s5+$0x0], $0xffff;
	[tilespmem:s26+$0xFFFFFE80] =	vst v23  }
0x1d5: {  	v26 =	vld.idx.msk [tilespmem:v30+s5+$0x0], $0xffff;
	[tilespmem:s25+$0xFFFFFF50] =	vst v31  }
0x1d6: {  	v24 =	vld.idx.msk [tilespmem:v24+s5+$0x0], $0xffff;
	[tilespmem:s25+$0xFFFFFFB0] =	vst v33  }
0x1d7: {  	v28 =	vor.u32 v2, v15;
	v23 =	vld.idx.msk [tilespmem:v34+s5+$0x0], $0xffff;
	[tilespmem:s26+$0xFFFFFF00] =	vst v35  }
0x1d8: {  	_ =	sdelay $0x1  }
0x1d9: {  	[tilespmem:s25+$0xFFFFFED0] =	vst v21  }
0x1da: {  	[tilespmem:s26+$0x0] =	vst v27  }
0x1db: {  	v20 =	vld.idx.msk [tilespmem:v20+s5+$0x0], $0xffff;
	v27 =	vor.u32 v4, v8;
	[tilespmem:s28+$0xFFFFFE20] =	vst v25  }
0x1dc: {  	v21 =	vld.idx.msk [tilespmem:v29+s5+$0x0], $0xffff;
	[tilespmem:s28+$0xFFFFFF20] =	vst v26  }
0x1dd: {  	v22 =	vld.idx.msk [tilespmem:v22+s5+$0x0], $0xffff;
	[tilespmem:s25+$0xFFFFFF60] =	vst v24;
	v24 =	vor.u32 v2, v13  }
0x1de: {  	[tilespmem:s28+$0xFFFFFFA0] =	vst v17;
	v25 =	vor.u32 v5, v9;
	v26 =	vld.idx.msk [tilespmem:v28+s5+$0x0], $0xffff  }
0x1df: {  	[tilespmem:s25+$0xFFFFFFC0] =	vst v23;
	v23 =	vor.u32 v5, v10;
	v18 =	vld.idx.msk [tilespmem:v18+s5+$0x0], $0xffff  }
0x1e0: {  	[tilespmem:s28+$0xFFFFFEA0] =	vst v20;
	v20 =	vor.u32 v3, v15;
	v27 =	vld.idx.msk [tilespmem:v27+s5+$0x0], $0xffff  }
0x1e1: {  	[tilespmem:s25+$0xFFFFFE50] =	vst v21;
	v21 =	vor.u32 v3, v14;
	v19 =	vld.idx.msk [tilespmem:v19+s5+$0x0], $0xffff  }
0x1e2: {  	v17 =	vor.u32 v3, v12;
	[tilespmem:s28+$0xFFFFFE30] =	vst v22;
	v22 =	vld.idx.msk [tilespmem:v24+s5+$0x0], $0xffff  }
0x1e3: {  	v24 =	vld.idx.msk [tilespmem:v25+s5+$0x0], $0xffff;
	[tilespmem:s28+$0xFFFFFF30] =	vst v26;
	v25 =	vor.u32 v3, v13  }
0x1e4: {  	v11 =	vor.u32 v7, v11;
	v23 =	vld.idx.msk [tilespmem:v23+s5+$0x0], $0xffff;
	[tilespmem:s25+$0xFFFFFF70] =	vst v18  }
0x1e5: {  	v18 =	vor.u32 v5, v8;
	v20 =	vld.idx.msk [tilespmem:v20+s5+$0x0], $0xffff;
	[tilespmem:s25+$0xFFFFFFD0] =	vst v27  }
0x1e6: {  	v21 =	vld.idx.msk [tilespmem:v21+s5+$0x0], $0xffff;
	[tilespmem:s28+$0xFFFFFEB0] =	vst v19;
	v19 =	vor.u32 v4, v15  }
0x1e7: {  	v26 =	vor.u32 v4, v14;
	v17 =	vld.idx.msk [tilespmem:v17+s5+$0x0], $0xffff;
	[tilespmem:s28+$0xFFFFFFB0] =	vst v22  }
0x1e8: {  	[tilespmem:s25+$0xFFFFFEE0] =	vst v24;
	v22 =	vor.u32 v4, v12;
	v24 =	vld.idx.msk [tilespmem:v25+s5+$0x0], $0xffff  }
0x1e9: {  	v11 =	vld.idx.msk [tilespmem:v11+s5+$0x0], $0xffff;
	[tilespmem:s25+$0xFFFFFE60] =	vst v23;
	v23 =	vor.u32 v4, v13  }
0x1ea: {  	v25 =	vor.u32 v6, v9;
	v18 =	vld.idx.msk [tilespmem:v18+s5+$0x0], $0xffff;
	[tilespmem:s28+$0xFFFFFF40] =	vst v20  }
0x1eb: {  	v20 =	vor.u32 v6, v10;
	[tilespmem:s28+$0xFFFFFE40] =	vst v21;
	v19 =	vld.idx.msk [tilespmem:v19+s5+$0x0], $0xffff  }
0x1ec: {  	v21 =	vld.idx.msk [tilespmem:v26+s5+$0x0], $0xffff;
	[tilespmem:s28+$0xFFFFFEC0] =	vst v17;
	v17 =	vor.u32 v5, v15  }
0x1ed: {  	v26 =	vor.u32 v5, v14;
	v22 =	vld.idx.msk [tilespmem:v22+s5+$0x0], $0xffff;
	[tilespmem:s28+$0xFFFFFFC0] =	vst v24  }
0x1ee: {  	[tilespmem:s25+$0xFFFFFF80] =	vst v11;
	v11 =	vor.u32 v5, v12;
	v23 =	vld.idx.msk [tilespmem:v23+s5+$0x0], $0xffff  }
0x1ef: {  	v24 =	vld.idx.msk [tilespmem:v25+s5+$0x0], $0xffff;
	[tilespmem:s25+$0xFFFFFFE0] =	vst v18;
	v18 =	vor.u32 v5, v13  }
0x1f0: {  	v25 =	vor.u32 v6, v8;
	v20 =	vld.idx.msk [tilespmem:v20+s5+$0x0], $0xffff;
	[tilespmem:s28+$0xFFFFFF50] =	vst v19  }
0x1f1: {  	v10 =	vor.u32 v7, v10;
	[tilespmem:s28+$0xFFFFFE50] =	vst v21;
	v17 =	vld.idx.msk [tilespmem:v17+s5+$0x0], $0xffff  }
0x1f2: {  	v19 =	vld.idx.msk [tilespmem:v26+s5+$0x0], $0xffff;
	[tilespmem:s28+$0xFFFFFED0] =	vst v22  }
0x1f3: {  	v21 =	vor.u32 v6, v14;
	v11 =	vld.idx.msk [tilespmem:v11+s5+$0x0], $0xffff;
	[tilespmem:s28+$0xFFFFFFD0] =	vst v23  }
0x1f4: {  	v22 =	vor.u32 v6, v12;
	[tilespmem:s25+$0xFFFFFEF0] =	vst v24;
	v18 =	vld.idx.msk [tilespmem:v18+s5+$0x0], $0xffff  }
0x1f5: {  	v23 =	vld.idx.msk [tilespmem:v25+s5+$0x0], $0xffff;
	[tilespmem:s25+$0xFFFFFE70] =	vst v20;
	v20 =	vor.u32 v6, v13  }
0x1f6: {  	v9 =	vor.u32 v7, v9;
	v10 =	vld.idx.msk [tilespmem:v10+s5+$0x0], $0xffff;
	[tilespmem:s28+$0xFFFFFF60] =	vst v17  }
0x1f7: {  	v8 =	vor.u32 v7, v8;
	[tilespmem:s28+$0xFFFFFE60] =	vst v19;
	v16 =	vld.idx.msk [tilespmem:v16+s5+$0x0], $0xffff  }
0x1f8: {  	v15 =	vor.u32 v7, v15;
	[tilespmem:s28+$0xFFFFFEE0] =	vst v11;
	v11 =	vld.idx.msk [tilespmem:v21+s5+$0x0], $0xffff  }
0x1f9: {  	v14 =	vor.u32 v7, v14;
	v17 =	vld.idx.msk [tilespmem:v22+s5+$0x0], $0xffff;
	[tilespmem:s28+$0xFFFFFFE0] =	vst v18  }
0x1fa: {  	v12 =	vor.u32 v7, v12;
	[tilespmem:s25+$0xFFFFFFF0] =	vst v23;
	v18 =	vld.idx.msk [tilespmem:v20+s5+$0x0], $0xffff  }
0x1fb: {  	v9 =	vld.idx.msk [tilespmem:v9+s5+$0x0], $0xffff;
	[tilespmem:s25+$0xFFFFFE80] =	vst v10;
	v10 =	vor.u32 v7, v13  }
0x1fc: {  	v8 =	vld.idx.msk [tilespmem:v8+s5+$0x0], $0xffff;
	[tilespmem:s28+$0xFFFFFF70] =	vst v16  }
0x1fd: {  	v13 =	vld.idx.msk [tilespmem:v15+s5+$0x0], $0xffff;
	[tilespmem:s28+$0xFFFFFE70] =	vst v11  }
0x1fe: {  	[tilespmem:s28+$0xFFFFFEF0] =	vst v17;
	v11 =	vld.idx.msk [tilespmem:v14+s5+$0x0], $0xffff  }
0x1ff: {  	v12 =	vld.idx.msk [tilespmem:v12+s5+$0x0], $0xffff;
	[tilespmem:s28+$0xFFFFFFF0] =	vst v18  }
0x200: {  	[tilespmem:s25+$0xFFFFFF00] =	vst v9;
	v9 =	vld.idx.msk [tilespmem:v10+s5+$0x0], $0xffff  }
0x201: {  	[tilespmem:s25+$0x0] =	vst v8  }
0x202: {  	[tilespmem:s28+$0xFFFFFF80] =	vst v13  }
0x203: {  	[tilespmem:s28+$0xFFFFFE80] =	vst v11  }
0x204: {  	s0 =	simm.s32 $0xC0;
	[tilespmem:s28+$0xFFFFFF00] =	vst v12  }
0x205: {  	s2 =	sand.u32 $0x1F0, s0;
	[tilespmem:s28+$0x0] =	vst v9  }
0x206: {  	[hbm4b:s9+s5] =	stream.linear.scatter [tilespmem:s17], [sflag:$0x1], $0x3000, $0x38;
	[tilespmem:$0x1B600] =	vst v63  }
0x207: {  	v8 =	vld [tilespmem:s2+$0x2400];
	_ =	sdelay $0x2  }
0x208: {  	s30 =	simm.s32 $0xC2;
	s0 =	sand.u32 $0xC, s0  }
0x209: {  	s31 =	simm.s32 $0xC1;
	v9 =	vmov s0;
	s2 =	sand.u32 $0xE, s30  }
0x20a: {  	s3 =	sand.u32 $0xD, s31;
	v10 =	vmov s2;
	v9 =	vperm.xlane v8, v9  }
0x20b: {  	v11 =	vmov s3;
	v10 =	vperm.xlane v8, v10  }
0x20c: {  	v11 =	vperm.xlane v8, v11;
	v17 =	vshll.u32 v9, $0x7  }
0x20d: {  	v12 =	vshll.u32 v10, $0x7;
	v9 =	vor.u32 v0, v17  }
0x20e: {  	v16 =	vshll.u32 v11, $0x7;
	v10 =	vor.u32 v0, v12  }
0x20f: {  	v11 =	vor.u32 v0, v16;
	_ =	sdelay $0x2  }
0x210: {  	v9 =	vld.idx.msk [tilespmem:v9+s5+$0x0], $0xffff  }
0x211: {  	s13 =	simm.s32 $0xC3;
	v13 =	vor.u32 v1, v17;
	v10 =	vld.idx.msk [tilespmem:v10+s5+$0x0], $0xffff  }
0x212: {  	v15 =	vmov s13;
	v14 =	vor.u32 v1, v12;
	v11 =	vld.idx.msk [tilespmem:v11+s5+$0x0], $0xffff  }
0x213: {  	s25 =	simm.s32 $0xC4;
	v8 =	vperm.xlane v8, v15;
	v19 =	vor.u32 v1, v16  }
0x214: {  	s26 =	simm.s32 $0x87F0;
	s30 =	sand.u32 $0x1F0, s25  }
0x215: {  	v15 =	vld [tilespmem:s30+$0x2400];
	v18 =	vshll.u32 v8, $0x7;
	[tilespmem:s26+$0xFFFFFE10] =	vst v9  }
0x216: {  	[tilespmem:s26+$0xFFFFFF10] =	vst v10;
	v9 =	vor.u32 v0, v18;
	v8 =	vld.idx.msk [tilespmem:v13+s5+$0x0], $0xffff  }
0x217: {  	[tilespmem:s26+$0xFFFFFE90] =	vst v11;
	v11 =	vor.u32 v2, v17;
	v10 =	vld.idx.msk [tilespmem:v14+s5+$0x0], $0xffff  }
0x218: {  	v13 =	vld.idx.msk [tilespmem:v19+s5+$0x0], $0xffff;
	v14 =	vor.u32 v2, v12  }
0x219: {  	v19 =	vor.u32 v2, v16  }
0x21a: {  	s3 =	simm.s32 $0xC5  }
0x21b: {  	s0 =	sand.u32 $0xC, s25;
	s30 =	sand.u32 $0xD, s3;
	v9 =	vld.idx.msk [tilespmem:v9+s5+$0x0], $0xffff;
	[tilespmem:s26+$0xFFFFFE20] =	vst v8  }
0x21c: {  	s28 =	simm.s32 $0xC7;
	v23 =	vmov s30;
	v20 =	vor.u32 v1, v18;
	[tilespmem:s26+$0xFFFFFF20] =	vst v10;
	v8 =	vmov s0;
	v11 =	vld.idx.msk [tilespmem:v11+s5+$0x0], $0xffff  }
0x21d: {  	s31 =	simm.s32 $0xC6;
	v21 =	vor.u32 v3, v17;
	v10 =	vmov s28;
	[tilespmem:s26+$0xFFFFFEA0] =	vst v13;
	v14 =	vld.idx.msk [tilespmem:v14+s5+$0x0], $0xffff;
	v8 =	vperm.xlane v15, v8  }
0x21e: {  	s13 =	sand.u32 $0xE, s31;
	v22 =	vor.u32 v3, v12;
	v25 =	vor.u32 v3, v16;
	v24 =	vperm.xlane v15, v10;
	v19 =	vld.idx.msk [tilespmem:v19+s5+$0x0], $0xffff  }
0x21f: {  	v23 =	vperm.xlane v15, v23;
	v13 =	vmov s13;
	v10 =	vshll.u32 v8, $0x7  }
0x220: {  	v13 =	vperm.xlane v15, v13;
	v8 =	vshll.u32 v24, $0x7;
	[tilespmem:s26+$0xFFFFFF90] =	vst v9;
	v15 =	vor.u32 v0, v10  }
0x221: {  	v9 =	vshll.u32 v23, $0x7;
	v23 =	vor.u32 v0, v8;
	v20 =	vld.idx.msk [tilespmem:v20+s5+$0x0], $0xffff;
	[tilespmem:s26+$0xFFFFFE30] =	vst v11  }
0x222: {  	v11 =	vshll.u32 v13, $0x7;
	[tilespmem:s26+$0xFFFFFF30] =	vst v14;
	v14 =	vor.u32 v0, v9;
	v13 =	vld.idx.msk [tilespmem:v21+s5+$0x0], $0xffff  }
0x223: {  	[tilespmem:s26+$0xFFFFFEB0] =	vst v19;
	v21 =	vld.idx.msk [tilespmem:v22+s5+$0x0], $0xffff;
	v22 =	vor.u32 v0, v11  }
0x224: {  	v19 =	vld.idx.msk [tilespmem:v25+s5+$0x0], $0xffff;
	v25 =	vor.u32 v2, v18  }
0x225: {  	v24 =	vor.u32 v4, v12;
	v15 =	vld.idx.msk [tilespmem:v15+s5+$0x0], $0xffff  }
0x226: {  	v26 =	vor.u32 v4, v16;
	v23 =	vld.idx.msk [tilespmem:v23+s5+$0x0], $0xffff  }
0x227: {  	v27 =	vor.u32 v1, v8;
	[tilespmem:s26+$0xFFFFFFA0] =	vst v20;
	v14 =	vld.idx.msk [tilespmem:v14+s5+$0x0], $0xffff  }
0x228: {  	v28 =	vor.u32 v1, v10;
	[tilespmem:s26+$0xFFFFFF40] =	vst v21;
	v21 =	vld.idx.msk [tilespmem:v22+s5+$0x0], $0xffff  }
0x229: {  	[tilespmem:s26+$0xFFFFFEC0] =	vst v19;
	v19 =	vld.idx.msk [tilespmem:v25+s5+$0x0], $0xffff  }
0x22a: {  	s25 =	simm.s32 $0x89F0;
	v22 =	vor.u32 v1, v11;
	v24 =	vld.idx.msk [tilespmem:v24+s5+$0x0], $0xffff  }
0x22b: {  	v25 =	vld.idx.msk [tilespmem:v26+s5+$0x0], $0xffff;
	v26 =	vor.u32 v1, v9;
	[tilespmem:s25+$0xFFFFFF90] =	vst v23  }
0x22c: {  	s29 =	simm.s32 $0xC8;
	v20 =	vor.u32 v5, v12;
	[tilespmem:s25+$0xFFFFFE10] =	vst v15;
	v27 =	vld.idx.msk [tilespmem:v27+s5+$0x0], $0xffff  }
0x22d: {  	s31 =	sand.u32 $0x1F0, s29;
	v23 =	vor.u32 v3, v18;
	v15 =	vld.idx.msk [tilespmem:v28+s5+$0x0], $0xffff;
	[tilespmem:s25+$0xFFFFFE90] =	vst v14  }
0x22e: {  	v28 =	vld [tilespmem:s31+$0x2400];
	[tilespmem:s25+$0xFFFFFF10] =	vst v21;
	v21 =	vor.u32 v4, v17  }
0x22f: {  	v22 =	vld.idx.msk [tilespmem:v22+s5+$0x0], $0xffff;
	[tilespmem:s26+$0xFFFFFF50] =	vst v24;
	v24 =	vor.u32 v2, v10  }
0x230: {  	[tilespmem:s26+$0xFFFFFE40] =	vst v13;
	v14 =	vor.u32 v2, v11;
	v13 =	vld.idx.msk [tilespmem:v26+s5+$0x0], $0xffff  }
0x231: {  	v29 =	vor.u32 v2, v9;
	[tilespmem:s26+$0xFFFFFFB0] =	vst v19;
	v20 =	vld.idx.msk [tilespmem:v20+s5+$0x0], $0xffff  }
0x232: {  	v19 =	vld.idx.msk [tilespmem:v23+s5+$0x0], $0xffff;
	v23 =	vor.u32 v6, v12  }
0x233: {  	v26 =	vor.u32 v4, v18;
	[tilespmem:s25+$0xFFFFFE20] =	vst v15;
	v21 =	vld.idx.msk [tilespmem:v21+s5+$0x0], $0xffff  }
0x234: {  	v15 =	vor.u32 v5, v16;
	v24 =	vld.idx.msk [tilespmem:v24+s5+$0x0], $0xffff;
	[tilespmem:s25+$0xFFFFFF20] =	vst v22  }
0x235: {  	v22 =	vor.u32 v5, v17;
	[tilespmem:s25+$0xFFFFFEA0] =	vst v13;
	v14 =	vld.idx.msk [tilespmem:v14+s5+$0x0], $0xffff  }
0x236: {  	[tilespmem:s26+$0xFFFFFF60] =	vst v20;
	v20 =	vor.u32 v3, v10;
	v29 =	vld.idx.msk [tilespmem:v29+s5+$0x0], $0xffff  }
0x237: {  	[tilespmem:s26+$0xFFFFFFC0] =	vst v19;
	v19 =	vor.u32 v3, v11;
	v23 =	vld.idx.msk [tilespmem:v23+s5+$0x0], $0xffff  }
0x238: {  	s2 =	sand.u32 $0xC, s29;
	s3 =	simm.s32 $0xC9;
	[tilespmem:s26+$0xFFFFFED0] =	vst v25;
	v25 =	vld.idx.msk [tilespmem:v26+s5+$0x0], $0xffff;
	v26 =	vor.u32 v7, v12  }
0x239: {  	v30 =	vor.u32 v6, v17;
	v31 =	vor.u32 v5, v18;
	s13 =	sand.u32 $0xD, s3;
	v15 =	vld.idx.msk [tilespmem:v15+s5+$0x0], $0xffff;
	v12 =	vmov s2;
	[tilespmem:s26+$0xFFFFFE50] =	vst v21  }
0x23a: {  	s30 =	simm.s32 $0xCA;
	s28 =	simm.s32 $0xCB;
	v32 =	vor.u32 v3, v9;
	v13 =	vmov s13;
	v12 =	vperm.xlane v28, v12;
	[tilespmem:s25+$0xFFFFFE30] =	vst v24;
	v21 =	vld.idx.msk [tilespmem:v22+s5+$0x0], $0xffff  }
0x23b: {  	s31 =	sand.u32 $0xE, s30;
	v13 =	vperm.xlane v28, v13;
	v22 =	vor.u32 v6, v16;
	v24 =	vmov s28;
	v20 =	vld.idx.msk [tilespmem:v20+s5+$0x0], $0xffff;
	[tilespmem:s25+$0xFFFFFF30] =	vst v14  }
0x23c: {  	v33 =	vmov s31;
	v24 =	vperm.xlane v28, v24;
	v14 =	vshll.u32 v12, $0x7;
	v19 =	vld.idx.msk [tilespmem:v19+s5+$0x0], $0xffff;
	[tilespmem:s26+$0xFFFFFF70] =	vst v23  }
0x23d: {  	v12 =	vshll.u32 v13, $0x7;
	v23 =	vperm.xlane v28, v33;
	v28 =	vor.u32 v0, v14;
	[tilespmem:s26+$0xFFFFFFD0] =	vst v25;
	v26 =	vld.idx.msk [tilespmem:v26+s5+$0x0], $0xffff  }
0x23e: {  	[tilespmem:s25+$0xFFFFFEB0] =	vst v29;
	v25 =	vor.u32 v0, v12;
	v13 =	vshll.u32 v24, $0x7;
	v24 =	vld.idx.msk [tilespmem:v31+s5+$0x0], $0xffff  }
0x23f: {  	[tilespmem:s26+$0xFFFFFEE0] =	vst v15;
	v31 =	vld.idx.msk [tilespmem:v32+s5+$0x0], $0xffff;
	v15 =	vshll.u32 v23, $0x7;
	v23 =	vor.u32 v0, v13  }
0x240: {  	v22 =	vld.idx.msk [tilespmem:v22+s5+$0x0], $0xffff;
	v29 =	vor.u32 v0, v15;
	[tilespmem:s26+$0xFFFFFE60] =	vst v21  }
0x241: {  	v21 =	vor.u32 v6, v18;
	[tilespmem:s25+$0xFFFFFE40] =	vst v20;
	v20 =	vld.idx.msk [tilespmem:v30+s5+$0x0], $0xffff  }
0x242: {  	v30 =	vor.u32 v4, v9;
	v28 =	vld.idx.msk [tilespmem:v28+s5+$0x0], $0xffff;
	[tilespmem:s25+$0xFFFFFF40] =	vst v19  }
0x243: {  	v17 =	vor.u32 v7, v17;
	v19 =	vld.idx.msk [tilespmem:v25+s5+$0x0], $0xffff;
	[tilespmem:s26+$0xFFFFFF80] =	vst v26  }
0x244: {  	v16 =	vor.u32 v7, v16;
	[tilespmem:s26+$0xFFFFFFE0] =	vst v24;
	v23 =	vld.idx.msk [tilespmem:v23+s5+$0x0], $0xffff  }
0x245: {  	v25 =	vor.u32 v4, v11;
	[tilespmem:s25+$0xFFFFFEC0] =	vst v31;
	v24 =	vld.idx.msk [tilespmem:v29+s5+$0x0], $0xffff  }
0x246: {  	v26 =	vor.u32 v2, v8;
	[tilespmem:s26+$0xFFFFFEF0] =	vst v22;
	v22 =	vld.idx.msk [tilespmem:v21+s5+$0x0], $0xffff  }
0x247: {  	v29 =	vor.u32 v1, v13;
	v21 =	vld.idx.msk [tilespmem:v30+s5+$0x0], $0xffff;
	[tilespmem:s26+$0xFFFFFE70] =	vst v20  }
0x248: {  	[tilespmem:s25+$0xFFFFFFA0] =	vst v27;
	s28 =	simm.s32 $0x8BF0;
	v18 =	vor.u32 v7, v18;
	v20 =	vld.idx.msk [tilespmem:v17+s5+$0x0], $0xffff  }
0x249: {  	v31 =	vor.u32 v1, v15;
	v62 =	vld.idx.msk [tilespmem:v16+s5+$0x0], $0xffff;
	[tilespmem:s28+$0xFFFFFE10] =	vst v28  }
0x24a: {  	v28 =	vor.u32 v1, v14;
	v30 =	vld.idx.msk [tilespmem:v25+s5+$0x0], $0xffff;
	[tilespmem:s28+$0xFFFFFF90] =	vst v23  }
0x24b: {  	v23 =	vld.idx.msk [tilespmem:v26+s5+$0x0], $0xffff;
	[tilespmem:s28+$0xFFFFFF10] =	vst v24;
	v24 =	vor.u32 v5, v11  }
0x24c: {  	v63 =	vor.u32 v3, v8;
	v17 =	vld.idx.msk [tilespmem:v29+s5+$0x0], $0xffff;
	[tilespmem:s26+$0xFFFFFFF0] =	vst v22  }
0x24d: {  	v27 =	vld.idx.msk [tilespmem:v18+s5+$0x0], $0xffff;
	[tilespmem:s26+$0xFFFFFE80] =	vst v20;
	v20 =	vor.u32 v1, v12  }
0x24e: {  	[tilespmem:s28+$0xFFFFFE90] =	vst v19;
	v29 =	vor.u32 v4, v10;
	v26 =	vld.idx.msk [tilespmem:v31+s5+$0x0], $0xffff  }
0x24f: {  	v16 =	vor.u32 v6, v15;
	v25 =	vld.idx.msk [tilespmem:v28+s5+$0x0], $0xffff;
	[tilespmem:s25+$0xFFFFFF50] =	vst v30  }
0x250: {  	v19 =	vor.u32 v2, v12;
	v22 =	vor.u32 v2, v14;
	[tilespmem:s25+$0xFFFFFFB0] =	vst v23;
	v24 =	vld.idx.msk [tilespmem:v24+s5+$0x0], $0xffff  }
0x251: {  	v18 =	vor.u32 v6, v11;
	[tilespmem:s26+$0xFFFFFF00] =	vst v62;
	v28 =	vor.u32 v2, v15;
	v23 =	vld.idx.msk [tilespmem:v63+s5+$0x0], $0xffff  }
.LBB2_12:
0x252: {  	v20 =	vld.idx.msk [tilespmem:v20+s5+$0x0], $0xffff;
	[tilespmem:s25+$0xFFFFFED0] =	vst v21;
	s0 =	smov.u32 s29;
	s29 =	sadd.s32 $0x4, s29  }
0x253: {  	s2 =	sand.u32 $0x1F0, s29;
	s30 =	sand.u32 $0xC, s29;
	p0 =	slt.u32 s29, $0x11C;
	v21 =	vld.idx.msk [tilespmem:v29+s5+$0x0], $0xffff;
	v29 =	vor.u32 v4, v8;
	[tilespmem:s26+$0x0] =	vst v27  }
0x254: {  	s26 =	smov.u32 s25;
	s25 =	smov.u32 s28;
	v27 =	vld [tilespmem:s2+$0x2400];
	[tilespmem:s28+$0xFFFFFE20] =	vst v25;
	v25 =	vor.u32 v5, v9  }
0x255: {  	v30 =	vor.u32 v7, v11;
	v11 =	vmov v15;
	v22 =	vld.idx.msk [tilespmem:v22+s5+$0x0], $0xffff;
	[tilespmem:s28+$0xFFFFFF20] =	vst v26;
	v26 =	vor.u32 v6, v10  }
0x256: {  	v31 =	vor.u32 v5, v10;
	s2 =	sadd.s32 $0x6, s0;
	v28 =	vld.idx.msk [tilespmem:v28+s5+$0x0], $0xffff;
	[tilespmem:s26+$0xFFFFFF60] =	vst v24;
	v24 =	vor.u32 v5, v8  }
0x257: {  	v32 =	vor.u32 v3, v14;
	s31 =	sadd.s32 $0x5, s0;
	v33 =	vor.u32 v3, v11;
	s0 =	sadd.s32 $0x7, s0;
	s2 =	sand.u32 $0xE, s2;
	v34 =	vld.idx.msk [tilespmem:v18+s5+$0x0], $0xffff;
	[tilespmem:s26+$0xFFFFFFC0] =	vst v23;
	v18 =	vmov v16  }
0x258: {  	v15 =	vmov s30;
	s30 =	sand.u32 $0xD, s31;
	v16 =	vmov s2;
	v23 =	vmov s0;
	v29 =	vld.idx.msk [tilespmem:v29+s5+$0x0], $0xffff  }
0x259: {  	v35 =	vmov s30;
	v15 =	vperm.xlane v27, v15;
	v16 =	vperm.xlane v27, v16;
	[tilespmem:s28+$0xFFFFFEA0] =	vst v20;
	v20 =	vld.idx.msk [tilespmem:v25+s5+$0x0], $0xffff  }
0x25a: {  	v25 =	vperm.xlane v27, v35;
	v23 =	vperm.xlane v27, v23;
	v19 =	vld.idx.msk [tilespmem:v19+s5+$0x0], $0xffff;
	[tilespmem:s26+$0xFFFFFE50] =	vst v21  }
0x25b: {  	v27 =	vor.u32 v6, v9;
	v21 =	vshll.u32 v15, $0x7;
	v15 =	vshll.u32 v16, $0x7;
	[tilespmem:s28+$0xFFFFFE30] =	vst v22;
	v22 =	vld.idx.msk [tilespmem:v31+s5+$0x0], $0xffff  }
0x25c: {  	v35 =	vor.u32 v3, v12;
	v25 =	vshll.u32 v25, $0x7;
	v31 =	vor.u32 v0, v21;
	v32 =	vld.idx.msk [tilespmem:v32+s5+$0x0], $0xffff;
	[tilespmem:s28+$0xFFFFFF30] =	vst v28  }
0x25d: {  	v28 =	vor.u32 v0, v25;
	v16 =	vor.u32 v6, v15;
	v33 =	vld.idx.msk [tilespmem:v33+s5+$0x0], $0xffff;
	[tilespmem:s26+$0xFFFFFF70] =	vst v34  }
0x25e: {  	v23 =	vshll.u32 v23, $0x7;
	v34 =	vor.u32 v0, v15;
	v30 =	vld.idx.msk [tilespmem:v30+s5+$0x0], $0xffff;
	[tilespmem:s26+$0xFFFFFFD0] =	vst v29  }
0x25f: {  	v29 =	vor.u32 v0, v23;
	[tilespmem:s26+$0xFFFFFEE0] =	vst v20;
	v24 =	vld.idx.msk [tilespmem:v24+s5+$0x0], $0xffff  }
0x260: {  	[tilespmem:s28+$0xFFFFFEB0] =	vst v19;
	v19 =	vld.idx.msk [tilespmem:v27+s5+$0x0], $0xffff  }
0x261: {  	v27 =	vld.idx.msk [tilespmem:v35+s5+$0x0], $0xffff;
	[tilespmem:s26+$0xFFFFFE60] =	vst v22;
	v22 =	vor.u32 v6, v8  }
0x262: {  	[tilespmem:s28+$0xFFFFFE40] =	vst v32;
	v26 =	vld.idx.msk [tilespmem:v26+s5+$0x0], $0xffff  }
0x263: {  	v35 =	vor.u32 v4, v12;
	v32 =	vor.u32 v1, v21;
	v31 =	vld.idx.msk [tilespmem:v31+s5+$0x0], $0xffff;
	[tilespmem:s28+$0xFFFFFF40] =	vst v33  }
0x264: {  	v20 =	vor.u32 v1, v25;
	v33 =	vor.u32 v7, v10;
	v10 =	vmov v14;
	v28 =	vld.idx.msk [tilespmem:v28+s5+$0x0], $0xffff;
	[tilespmem:s26+$0xFFFFFF80] =	vst v30  }
0x265: {  	v36 =	vor.u32 v4, v11;
	v14 =	vmov v21;
	v30 =	vor.u32 v1, v15;
	v29 =	vld.idx.msk [tilespmem:v29+s5+$0x0], $0xffff;
	[tilespmem:s26+$0xFFFFFFE0] =	vst v24  }
0x266: {  	v37 =	vor.u32 v2, v13;
	s28 =	sadd.s32 $0x200, s28;
	v24 =	vld.idx.msk [tilespmem:v34+s5+$0x0], $0xffff;
	v34 =	vor.u32 v1, v23;
	[tilespmem:s26+$0xFFFFFEF0] =	vst v19  }
0x267: {  	[tilespmem:s25+$0xFFFFFEC0] =	vst v27;
	v27 =	vor.u32 v7, v9;
	v38 =	vld.idx.msk [tilespmem:v22+s5+$0x0], $0xffff;
	v9 =	vmov v12;
	v12 =	vmov v25  }
0x268: {  	v25 =	vor.u32 v7, v8;
	v8 =	vmov v13;
	v13 =	vmov v23;
	v21 =	vld.idx.msk [tilespmem:v35+s5+$0x0], $0xffff;
	[tilespmem:s26+$0xFFFFFE70] =	vst v26  }
0x269: {  	[tilespmem:s28+$0xFFFFFE10] =	vst v31;
	v23 =	vld.idx.msk [tilespmem:v33+s5+$0x0], $0xffff  }
0x26a: {  	v22 =	vor.u32 v2, v14;
	v31 =	vld.idx.msk [tilespmem:v36+s5+$0x0], $0xffff;
	[tilespmem:s25+$0xFFFFFFA0] =	vst v17  }
0x26b: {  	v19 =	vor.u32 v2, v12;
	[tilespmem:s28+$0xFFFFFF90] =	vst v29;
	v33 =	vld.idx.msk [tilespmem:v37+s5+$0x0], $0xffff  }
0x26c: {  	[tilespmem:s28+$0xFFFFFF10] =	vst v24;
	v24 =	vor.u32 v5, v11;
	v35 =	vld.idx.msk [tilespmem:v27+s5+$0x0], $0xffff  }
0x26d: {  	v17 =	vld.idx.msk [tilespmem:v34+s5+$0x0], $0xffff;
	v34 =	vor.u32 v3, v8;
	[tilespmem:s26+$0xFFFFFFF0] =	vst v38  }
.Ltmp10:
0x26e: {  	[tilespmem:s28+$0xFFFFFE90] =	vst v28;
	v27 =	vld.idx.msk [tilespmem:v25+s5+$0x0], $0xffff;
	(pc) =	sbr.rel @p0 .LBB2_12-.Ltmp10, $4  }
0x26f: {  	v29 =	vor.u32 v4, v10;
	v25 =	vld.idx.msk [tilespmem:v32+s5+$0x0], $0xffff;
	[tilespmem:s26+$0xFFFFFE80] =	vst v23  }
0x270: {  	v26 =	vld.idx.msk [tilespmem:v30+s5+$0x0], $0xffff;
	[tilespmem:s25+$0xFFFFFF50] =	vst v31  }
0x271: {  	v24 =	vld.idx.msk [tilespmem:v24+s5+$0x0], $0xffff;
	[tilespmem:s25+$0xFFFFFFB0] =	vst v33  }
0x272: {  	v28 =	vor.u32 v2, v15;
	v23 =	vld.idx.msk [tilespmem:v34+s5+$0x0], $0xffff;
	[tilespmem:s26+$0xFFFFFF00] =	vst v35  }
0x273: {  	_ =	sdelay $0x1  }
0x274: {  	[tilespmem:s25+$0xFFFFFED0] =	vst v21  }
0x275: {  	[tilespmem:s26+$0x0] =	vst v27  }
0x276: {  	v20 =	vld.idx.msk [tilespmem:v20+s5+$0x0], $0xffff;
	v27 =	vor.u32 v4, v8;
	[tilespmem:s28+$0xFFFFFE20] =	vst v25  }
0x277: {  	v21 =	vld.idx.msk [tilespmem:v29+s5+$0x0], $0xffff;
	[tilespmem:s28+$0xFFFFFF20] =	vst v26  }
0x278: {  	v22 =	vld.idx.msk [tilespmem:v22+s5+$0x0], $0xffff;
	[tilespmem:s25+$0xFFFFFF60] =	vst v24;
	v24 =	vor.u32 v2, v13  }
0x279: {  	[tilespmem:s28+$0xFFFFFFA0] =	vst v17;
	v25 =	vor.u32 v5, v9;
	v26 =	vld.idx.msk [tilespmem:v28+s5+$0x0], $0xffff  }
0x27a: {  	[tilespmem:s25+$0xFFFFFFC0] =	vst v23;
	v23 =	vor.u32 v5, v10;
	v18 =	vld.idx.msk [tilespmem:v18+s5+$0x0], $0xffff  }
0x27b: {  	[tilespmem:s28+$0xFFFFFEA0] =	vst v20;
	v20 =	vor.u32 v3, v15;
	v27 =	vld.idx.msk [tilespmem:v27+s5+$0x0], $0xffff  }
0x27c: {  	[tilespmem:s25+$0xFFFFFE50] =	vst v21;
	v21 =	vor.u32 v3, v14;
	v19 =	vld.idx.msk [tilespmem:v19+s5+$0x0], $0xffff  }
0x27d: {  	v17 =	vor.u32 v3, v12;
	[tilespmem:s28+$0xFFFFFE30] =	vst v22;
	v22 =	vld.idx.msk [tilespmem:v24+s5+$0x0], $0xffff  }
0x27e: {  	v24 =	vld.idx.msk [tilespmem:v25+s5+$0x0], $0xffff;
	[tilespmem:s28+$0xFFFFFF30] =	vst v26;
	v25 =	vor.u32 v3, v13  }
0x27f: {  	v11 =	vor.u32 v7, v11;
	v23 =	vld.idx.msk [tilespmem:v23+s5+$0x0], $0xffff;
	[tilespmem:s25+$0xFFFFFF70] =	vst v18  }
0x280: {  	v18 =	vor.u32 v5, v8;
	v20 =	vld.idx.msk [tilespmem:v20+s5+$0x0], $0xffff;
	[tilespmem:s25+$0xFFFFFFD0] =	vst v27  }
0x281: {  	v21 =	vld.idx.msk [tilespmem:v21+s5+$0x0], $0xffff;
	[tilespmem:s28+$0xFFFFFEB0] =	vst v19;
	v19 =	vor.u32 v4, v15  }
0x282: {  	v26 =	vor.u32 v4, v14;
	v17 =	vld.idx.msk [tilespmem:v17+s5+$0x0], $0xffff;
	[tilespmem:s28+$0xFFFFFFB0] =	vst v22  }
0x283: {  	[tilespmem:s25+$0xFFFFFEE0] =	vst v24;
	v22 =	vor.u32 v4, v12;
	v24 =	vld.idx.msk [tilespmem:v25+s5+$0x0], $0xffff  }
0x284: {  	v11 =	vld.idx.msk [tilespmem:v11+s5+$0x0], $0xffff;
	[tilespmem:s25+$0xFFFFFE60] =	vst v23;
	v23 =	vor.u32 v4, v13  }
0x285: {  	v25 =	vor.u32 v6, v9;
	v18 =	vld.idx.msk [tilespmem:v18+s5+$0x0], $0xffff;
	[tilespmem:s28+$0xFFFFFF40] =	vst v20  }
0x286: {  	v20 =	vor.u32 v6, v10;
	[tilespmem:s28+$0xFFFFFE40] =	vst v21;
	v19 =	vld.idx.msk [tilespmem:v19+s5+$0x0], $0xffff  }
0x287: {  	v21 =	vld.idx.msk [tilespmem:v26+s5+$0x0], $0xffff;
	[tilespmem:s28+$0xFFFFFEC0] =	vst v17;
	v17 =	vor.u32 v5, v15  }
0x288: {  	v26 =	vor.u32 v5, v14;
	v22 =	vld.idx.msk [tilespmem:v22+s5+$0x0], $0xffff;
	[tilespmem:s28+$0xFFFFFFC0] =	vst v24  }
0x289: {  	[tilespmem:s25+$0xFFFFFF80] =	vst v11;
	v11 =	vor.u32 v5, v12;
	v23 =	vld.idx.msk [tilespmem:v23+s5+$0x0], $0xffff  }
0x28a: {  	v24 =	vld.idx.msk [tilespmem:v25+s5+$0x0], $0xffff;
	[tilespmem:s25+$0xFFFFFFE0] =	vst v18;
	v18 =	vor.u32 v5, v13  }
0x28b: {  	v25 =	vor.u32 v6, v8;
	v20 =	vld.idx.msk [tilespmem:v20+s5+$0x0], $0xffff;
	[tilespmem:s28+$0xFFFFFF50] =	vst v19  }
0x28c: {  	v10 =	vor.u32 v7, v10;
	[tilespmem:s28+$0xFFFFFE50] =	vst v21;
	v17 =	vld.idx.msk [tilespmem:v17+s5+$0x0], $0xffff  }
0x28d: {  	v19 =	vld.idx.msk [tilespmem:v26+s5+$0x0], $0xffff;
	[tilespmem:s28+$0xFFFFFED0] =	vst v22  }
0x28e: {  	v21 =	vor.u32 v6, v14;
	v11 =	vld.idx.msk [tilespmem:v11+s5+$0x0], $0xffff;
	[tilespmem:s28+$0xFFFFFFD0] =	vst v23  }
0x28f: {  	v22 =	vor.u32 v6, v12;
	[tilespmem:s25+$0xFFFFFEF0] =	vst v24;
	v18 =	vld.idx.msk [tilespmem:v18+s5+$0x0], $0xffff  }
0x290: {  	v23 =	vld.idx.msk [tilespmem:v25+s5+$0x0], $0xffff;
	[tilespmem:s25+$0xFFFFFE70] =	vst v20;
	v20 =	vor.u32 v6, v13  }
0x291: {  	v9 =	vor.u32 v7, v9;
	v10 =	vld.idx.msk [tilespmem:v10+s5+$0x0], $0xffff;
	[tilespmem:s28+$0xFFFFFF60] =	vst v17  }
0x292: {  	v8 =	vor.u32 v7, v8;
	[tilespmem:s28+$0xFFFFFE60] =	vst v19;
	v16 =	vld.idx.msk [tilespmem:v16+s5+$0x0], $0xffff  }
0x293: {  	v15 =	vor.u32 v7, v15;
	[tilespmem:s28+$0xFFFFFEE0] =	vst v11;
	v11 =	vld.idx.msk [tilespmem:v21+s5+$0x0], $0xffff  }
0x294: {  	v14 =	vor.u32 v7, v14;
	v17 =	vld.idx.msk [tilespmem:v22+s5+$0x0], $0xffff;
	[tilespmem:s28+$0xFFFFFFE0] =	vst v18  }
0x295: {  	v12 =	vor.u32 v7, v12;
	[tilespmem:s25+$0xFFFFFFF0] =	vst v23;
	v18 =	vld.idx.msk [tilespmem:v20+s5+$0x0], $0xffff  }
0x296: {  	v9 =	vld.idx.msk [tilespmem:v9+s5+$0x0], $0xffff;
	[tilespmem:s25+$0xFFFFFE80] =	vst v10;
	v10 =	vor.u32 v7, v13  }
0x297: {  	v8 =	vld.idx.msk [tilespmem:v8+s5+$0x0], $0xffff;
	[tilespmem:s28+$0xFFFFFF70] =	vst v16  }
0x298: {  	v13 =	vld.idx.msk [tilespmem:v15+s5+$0x0], $0xffff;
	[tilespmem:s28+$0xFFFFFE70] =	vst v11  }
0x299: {  	[tilespmem:s28+$0xFFFFFEF0] =	vst v17;
	v11 =	vld.idx.msk [tilespmem:v14+s5+$0x0], $0xffff  }
0x29a: {  	v12 =	vld.idx.msk [tilespmem:v12+s5+$0x0], $0xffff;
	[tilespmem:s28+$0xFFFFFFF0] =	vst v18  }
0x29b: {  	[tilespmem:s25+$0xFFFFFF00] =	vst v9;
	v9 =	vld.idx.msk [tilespmem:v10+s5+$0x0], $0xffff  }
0x29c: {  	[tilespmem:s25+$0x0] =	vst v8  }
0x29d: {  	[tilespmem:s28+$0xFFFFFF80] =	vst v13  }
0x29e: {  	[tilespmem:s28+$0xFFFFFE80] =	vst v11  }
0x29f: {  	s0 =	simm.s32 $0x120;
	[tilespmem:s28+$0xFFFFFF00] =	vst v12  }
0x2a0: {  	s2 =	sand.u32 $0x1F0, s0;
	[tilespmem:s28+$0x0] =	vst v9  }
0x2a1: {  	[hbm4b:s10+s5] =	stream.linear.scatter [tilespmem:s18], [sflag:$0x1], $0x3000, $0x38;
	[tilespmem:$0x1B600] =	vst v63  }
0x2a2: {  	v8 =	vld [tilespmem:s2+$0x2400];
	_ =	sdelay $0x2  }
0x2a3: {  	s30 =	simm.s32 $0x122;
	s0 =	sand.u32 $0xC, s0  }
0x2a4: {  	s31 =	simm.s32 $0x121;
	v9 =	vmov s0;
	s2 =	sand.u32 $0xE, s30  }
0x2a5: {  	s3 =	sand.u32 $0xD, s31;
	v10 =	vmov s2;
	v9 =	vperm.xlane v8, v9  }
0x2a6: {  	v11 =	vmov s3;
	v10 =	vperm.xlane v8, v10  }
0x2a7: {  	v11 =	vperm.xlane v8, v11;
	v17 =	vshll.u32 v9, $0x7  }
0x2a8: {  	v12 =	vshll.u32 v10, $0x7;
	v9 =	vor.u32 v0, v17  }
0x2a9: {  	v16 =	vshll.u32 v11, $0x7;
	v10 =	vor.u32 v0, v12  }
0x2aa: {  	v11 =	vor.u32 v0, v16;
	_ =	sdelay $0x2  }
0x2ab: {  	v9 =	vld.idx.msk [tilespmem:v9+s5+$0x0], $0xffff  }
0x2ac: {  	s13 =	simm.s32 $0x123;
	v13 =	vor.u32 v1, v17;
	v10 =	vld.idx.msk [tilespmem:v10+s5+$0x0], $0xffff  }
0x2ad: {  	v15 =	vmov s13;
	v14 =	vor.u32 v1, v12;
	v11 =	vld.idx.msk [tilespmem:v11+s5+$0x0], $0xffff  }
0x2ae: {  	s25 =	simm.s32 $0x124;
	v8 =	vperm.xlane v8, v15;
	v19 =	vor.u32 v1, v16  }
0x2af: {  	s26 =	simm.s32 $0xB7F0;
	s30 =	sand.u32 $0x1F0, s25  }
0x2b0: {  	v15 =	vld [tilespmem:s30+$0x2400];
	v18 =	vshll.u32 v8, $0x7;
	[tilespmem:s26+$0xFFFFFE10] =	vst v9  }
0x2b1: {  	[tilespmem:s26+$0xFFFFFF10] =	vst v10;
	v9 =	vor.u32 v0, v18;
	v8 =	vld.idx.msk [tilespmem:v13+s5+$0x0], $0xffff  }
0x2b2: {  	[tilespmem:s26+$0xFFFFFE90] =	vst v11;
	v11 =	vor.u32 v2, v17;
	v10 =	vld.idx.msk [tilespmem:v14+s5+$0x0], $0xffff  }
0x2b3: {  	v13 =	vld.idx.msk [tilespmem:v19+s5+$0x0], $0xffff;
	v14 =	vor.u32 v2, v12  }
0x2b4: {  	v19 =	vor.u32 v2, v16  }
0x2b5: {  	s3 =	simm.s32 $0x125  }
0x2b6: {  	s0 =	sand.u32 $0xC, s25;
	s30 =	sand.u32 $0xD, s3;
	v9 =	vld.idx.msk [tilespmem:v9+s5+$0x0], $0xffff;
	[tilespmem:s26+$0xFFFFFE20] =	vst v8  }
0x2b7: {  	s28 =	simm.s32 $0x127;
	v23 =	vmov s30;
	v20 =	vor.u32 v1, v18;
	[tilespmem:s26+$0xFFFFFF20] =	vst v10;
	v8 =	vmov s0;
	v11 =	vld.idx.msk [tilespmem:v11+s5+$0x0], $0xffff  }
0x2b8: {  	s31 =	simm.s32 $0x126;
	v21 =	vor.u32 v3, v17;
	v10 =	vmov s28;
	[tilespmem:s26+$0xFFFFFEA0] =	vst v13;
	v14 =	vld.idx.msk [tilespmem:v14+s5+$0x0], $0xffff;
	v8 =	vperm.xlane v15, v8  }
0x2b9: {  	s13 =	sand.u32 $0xE, s31;
	v22 =	vor.u32 v3, v12;
	v25 =	vor.u32 v3, v16;
	v24 =	vperm.xlane v15, v10;
	v19 =	vld.idx.msk [tilespmem:v19+s5+$0x0], $0xffff  }
0x2ba: {  	v23 =	vperm.xlane v15, v23;
	v13 =	vmov s13;
	v10 =	vshll.u32 v8, $0x7  }
0x2bb: {  	v13 =	vperm.xlane v15, v13;
	v8 =	vshll.u32 v24, $0x7;
	[tilespmem:s26+$0xFFFFFF90] =	vst v9;
	v15 =	vor.u32 v0, v10  }
0x2bc: {  	v9 =	vshll.u32 v23, $0x7;
	v23 =	vor.u32 v0, v8;
	v20 =	vld.idx.msk [tilespmem:v20+s5+$0x0], $0xffff;
	[tilespmem:s26+$0xFFFFFE30] =	vst v11  }
0x2bd: {  	v11 =	vshll.u32 v13, $0x7;
	[tilespmem:s26+$0xFFFFFF30] =	vst v14;
	v14 =	vor.u32 v0, v9;
	v13 =	vld.idx.msk [tilespmem:v21+s5+$0x0], $0xffff  }
0x2be: {  	[tilespmem:s26+$0xFFFFFEB0] =	vst v19;
	v21 =	vld.idx.msk [tilespmem:v22+s5+$0x0], $0xffff;
	v22 =	vor.u32 v0, v11  }
0x2bf: {  	v19 =	vld.idx.msk [tilespmem:v25+s5+$0x0], $0xffff;
	v25 =	vor.u32 v2, v18  }
0x2c0: {  	v24 =	vor.u32 v4, v12;
	v15 =	vld.idx.msk [tilespmem:v15+s5+$0x0], $0xffff  }
0x2c1: {  	v26 =	vor.u32 v4, v16;
	v23 =	vld.idx.msk [tilespmem:v23+s5+$0x0], $0xffff  }
0x2c2: {  	v27 =	vor.u32 v1, v8;
	[tilespmem:s26+$0xFFFFFFA0] =	vst v20;
	v14 =	vld.idx.msk [tilespmem:v14+s5+$0x0], $0xffff  }
0x2c3: {  	v28 =	vor.u32 v1, v10;
	[tilespmem:s26+$0xFFFFFF40] =	vst v21;
	v21 =	vld.idx.msk [tilespmem:v22+s5+$0x0], $0xffff  }
0x2c4: {  	[tilespmem:s26+$0xFFFFFEC0] =	vst v19;
	v19 =	vld.idx.msk [tilespmem:v25+s5+$0x0], $0xffff  }
0x2c5: {  	s25 =	simm.s32 $0xB9F0;
	v22 =	vor.u32 v1, v11;
	v24 =	vld.idx.msk [tilespmem:v24+s5+$0x0], $0xffff  }
0x2c6: {  	v25 =	vld.idx.msk [tilespmem:v26+s5+$0x0], $0xffff;
	v26 =	vor.u32 v1, v9;
	[tilespmem:s25+$0xFFFFFF90] =	vst v23  }
0x2c7: {  	s29 =	simm.s32 $0x128;
	v20 =	vor.u32 v5, v12;
	[tilespmem:s25+$0xFFFFFE10] =	vst v15;
	v27 =	vld.idx.msk [tilespmem:v27+s5+$0x0], $0xffff  }
0x2c8: {  	s31 =	sand.u32 $0x1F0, s29;
	v23 =	vor.u32 v3, v18;
	v15 =	vld.idx.msk [tilespmem:v28+s5+$0x0], $0xffff;
	[tilespmem:s25+$0xFFFFFE90] =	vst v14  }
0x2c9: {  	v28 =	vld [tilespmem:s31+$0x2400];
	[tilespmem:s25+$0xFFFFFF10] =	vst v21;
	v21 =	vor.u32 v4, v17  }
0x2ca: {  	v22 =	vld.idx.msk [tilespmem:v22+s5+$0x0], $0xffff;
	[tilespmem:s26+$0xFFFFFF50] =	vst v24;
	v24 =	vor.u32 v2, v10  }
0x2cb: {  	[tilespmem:s26+$0xFFFFFE40] =	vst v13;
	v14 =	vor.u32 v2, v11;
	v13 =	vld.idx.msk [tilespmem:v26+s5+$0x0], $0xffff  }
0x2cc: {  	v29 =	vor.u32 v2, v9;
	[tilespmem:s26+$0xFFFFFFB0] =	vst v19;
	v20 =	vld.idx.msk [tilespmem:v20+s5+$0x0], $0xffff  }
0x2cd: {  	v19 =	vld.idx.msk [tilespmem:v23+s5+$0x0], $0xffff;
	v23 =	vor.u32 v6, v12  }
0x2ce: {  	v26 =	vor.u32 v4, v18;
	[tilespmem:s25+$0xFFFFFE20] =	vst v15;
	v21 =	vld.idx.msk [tilespmem:v21+s5+$0x0], $0xffff  }
0x2cf: {  	v15 =	vor.u32 v5, v16;
	v24 =	vld.idx.msk [tilespmem:v24+s5+$0x0], $0xffff;
	[tilespmem:s25+$0xFFFFFF20] =	vst v22  }
0x2d0: {  	v22 =	vor.u32 v5, v17;
	[tilespmem:s25+$0xFFFFFEA0] =	vst v13;
	v14 =	vld.idx.msk [tilespmem:v14+s5+$0x0], $0xffff  }
0x2d1: {  	[tilespmem:s26+$0xFFFFFF60] =	vst v20;
	v20 =	vor.u32 v3, v10;
	v29 =	vld.idx.msk [tilespmem:v29+s5+$0x0], $0xffff  }
0x2d2: {  	[tilespmem:s26+$0xFFFFFFC0] =	vst v19;
	v19 =	vor.u32 v3, v11;
	v23 =	vld.idx.msk [tilespmem:v23+s5+$0x0], $0xffff  }
0x2d3: {  	s2 =	sand.u32 $0xC, s29;
	s3 =	simm.s32 $0x129;
	[tilespmem:s26+$0xFFFFFED0] =	vst v25;
	v25 =	vld.idx.msk [tilespmem:v26+s5+$0x0], $0xffff;
	v26 =	vor.u32 v7, v12  }
0x2d4: {  	v30 =	vor.u32 v6, v17;
	v31 =	vor.u32 v5, v18;
	s13 =	sand.u32 $0xD, s3;
	v15 =	vld.idx.msk [tilespmem:v15+s5+$0x0], $0xffff;
	v12 =	vmov s2;
	[tilespmem:s26+$0xFFFFFE50] =	vst v21  }
0x2d5: {  	s30 =	simm.s32 $0x12A;
	s28 =	simm.s32 $0x12B;
	v32 =	vor.u32 v3, v9;
	v13 =	vmov s13;
	v12 =	vperm.xlane v28, v12;
	[tilespmem:s25+$0xFFFFFE30] =	vst v24;
	v21 =	vld.idx.msk [tilespmem:v22+s5+$0x0], $0xffff  }
0x2d6: {  	s31 =	sand.u32 $0xE, s30;
	v13 =	vperm.xlane v28, v13;
	v22 =	vor.u32 v6, v16;
	v24 =	vmov s28;
	v20 =	vld.idx.msk [tilespmem:v20+s5+$0x0], $0xffff;
	[tilespmem:s25+$0xFFFFFF30] =	vst v14  }
0x2d7: {  	v33 =	vmov s31;
	v24 =	vperm.xlane v28, v24;
	v14 =	vshll.u32 v12, $0x7;
	v19 =	vld.idx.msk [tilespmem:v19+s5+$0x0], $0xffff;
	[tilespmem:s26+$0xFFFFFF70] =	vst v23  }
0x2d8: {  	v12 =	vshll.u32 v13, $0x7;
	v23 =	vperm.xlane v28, v33;
	v28 =	vor.u32 v0, v14;
	[tilespmem:s26+$0xFFFFFFD0] =	vst v25;
	v26 =	vld.idx.msk [tilespmem:v26+s5+$0x0], $0xffff  }
0x2d9: {  	[tilespmem:s25+$0xFFFFFEB0] =	vst v29;
	v25 =	vor.u32 v0, v12;
	v13 =	vshll.u32 v24, $0x7;
	v24 =	vld.idx.msk [tilespmem:v31+s5+$0x0], $0xffff  }
0x2da: {  	[tilespmem:s26+$0xFFFFFEE0] =	vst v15;
	v31 =	vld.idx.msk [tilespmem:v32+s5+$0x0], $0xffff;
	v15 =	vshll.u32 v23, $0x7;
	v23 =	vor.u32 v0, v13  }
0x2db: {  	v22 =	vld.idx.msk [tilespmem:v22+s5+$0x0], $0xffff;
	v29 =	vor.u32 v0, v15;
	[tilespmem:s26+$0xFFFFFE60] =	vst v21  }
0x2dc: {  	v21 =	vor.u32 v6, v18;
	[tilespmem:s25+$0xFFFFFE40] =	vst v20;
	v20 =	vld.idx.msk [tilespmem:v30+s5+$0x0], $0xffff  }
0x2dd: {  	v30 =	vor.u32 v4, v9;
	v28 =	vld.idx.msk [tilespmem:v28+s5+$0x0], $0xffff;
	[tilespmem:s25+$0xFFFFFF40] =	vst v19  }
0x2de: {  	v17 =	vor.u32 v7, v17;
	v19 =	vld.idx.msk [tilespmem:v25+s5+$0x0], $0xffff;
	[tilespmem:s26+$0xFFFFFF80] =	vst v26  }
0x2df: {  	v16 =	vor.u32 v7, v16;
	[tilespmem:s26+$0xFFFFFFE0] =	vst v24;
	v23 =	vld.idx.msk [tilespmem:v23+s5+$0x0], $0xffff  }
0x2e0: {  	v25 =	vor.u32 v4, v11;
	[tilespmem:s25+$0xFFFFFEC0] =	vst v31;
	v24 =	vld.idx.msk [tilespmem:v29+s5+$0x0], $0xffff  }
0x2e1: {  	v26 =	vor.u32 v2, v8;
	[tilespmem:s26+$0xFFFFFEF0] =	vst v22;
	v22 =	vld.idx.msk [tilespmem:v21+s5+$0x0], $0xffff  }
0x2e2: {  	v29 =	vor.u32 v1, v13;
	v21 =	vld.idx.msk [tilespmem:v30+s5+$0x0], $0xffff;
	[tilespmem:s26+$0xFFFFFE70] =	vst v20  }
0x2e3: {  	[tilespmem:s25+$0xFFFFFFA0] =	vst v27;
	s28 =	simm.s32 $0xBBF0;
	v18 =	vor.u32 v7, v18;
	v20 =	vld.idx.msk [tilespmem:v17+s5+$0x0], $0xffff  }
0x2e4: {  	v31 =	vor.u32 v1, v15;
	v62 =	vld.idx.msk [tilespmem:v16+s5+$0x0], $0xffff;
	[tilespmem:s28+$0xFFFFFE10] =	vst v28  }
0x2e5: {  	v28 =	vor.u32 v1, v14;
	v30 =	vld.idx.msk [tilespmem:v25+s5+$0x0], $0xffff;
	[tilespmem:s28+$0xFFFFFF90] =	vst v23  }
0x2e6: {  	v23 =	vld.idx.msk [tilespmem:v26+s5+$0x0], $0xffff;
	[tilespmem:s28+$0xFFFFFF10] =	vst v24;
	v24 =	vor.u32 v5, v11  }
0x2e7: {  	v63 =	vor.u32 v3, v8;
	v17 =	vld.idx.msk [tilespmem:v29+s5+$0x0], $0xffff;
	[tilespmem:s26+$0xFFFFFFF0] =	vst v22  }
0x2e8: {  	v27 =	vld.idx.msk [tilespmem:v18+s5+$0x0], $0xffff;
	[tilespmem:s26+$0xFFFFFE80] =	vst v20;
	v20 =	vor.u32 v1, v12  }
0x2e9: {  	[tilespmem:s28+$0xFFFFFE90] =	vst v19;
	v29 =	vor.u32 v4, v10;
	v26 =	vld.idx.msk [tilespmem:v31+s5+$0x0], $0xffff  }
0x2ea: {  	v16 =	vor.u32 v6, v15;
	v25 =	vld.idx.msk [tilespmem:v28+s5+$0x0], $0xffff;
	[tilespmem:s25+$0xFFFFFF50] =	vst v30  }
0x2eb: {  	v19 =	vor.u32 v2, v12;
	v22 =	vor.u32 v2, v14;
	[tilespmem:s25+$0xFFFFFFB0] =	vst v23;
	v24 =	vld.idx.msk [tilespmem:v24+s5+$0x0], $0xffff  }
0x2ec: {  	v18 =	vor.u32 v6, v11;
	[tilespmem:s26+$0xFFFFFF00] =	vst v62;
	v28 =	vor.u32 v2, v15;
	v23 =	vld.idx.msk [tilespmem:v63+s5+$0x0], $0xffff  }
.LBB2_14:
0x2ed: {  	v20 =	vld.idx.msk [tilespmem:v20+s5+$0x0], $0xffff;
	[tilespmem:s25+$0xFFFFFED0] =	vst v21;
	s0 =	smov.u32 s29;
	s29 =	sadd.s32 $0x4, s29  }
0x2ee: {  	s2 =	sand.u32 $0x1F0, s29;
	s30 =	sand.u32 $0xC, s29;
	p0 =	slt.u32 s29, $0x18C;
	v21 =	vld.idx.msk [tilespmem:v29+s5+$0x0], $0xffff;
	v29 =	vor.u32 v4, v8;
	[tilespmem:s26+$0x0] =	vst v27  }
0x2ef: {  	s26 =	smov.u32 s25;
	s25 =	smov.u32 s28;
	v27 =	vld [tilespmem:s2+$0x2400];
	[tilespmem:s28+$0xFFFFFE20] =	vst v25;
	v25 =	vor.u32 v5, v9  }
0x2f0: {  	v30 =	vor.u32 v7, v11;
	v11 =	vmov v15;
	v22 =	vld.idx.msk [tilespmem:v22+s5+$0x0], $0xffff;
	[tilespmem:s28+$0xFFFFFF20] =	vst v26;
	v26 =	vor.u32 v6, v10  }
0x2f1: {  	v31 =	vor.u32 v5, v10;
	s2 =	sadd.s32 $0x6, s0;
	v28 =	vld.idx.msk [tilespmem:v28+s5+$0x0], $0xffff;
	[tilespmem:s26+$0xFFFFFF60] =	vst v24;
	v24 =	vor.u32 v5, v8  }
0x2f2: {  	v32 =	vor.u32 v3, v14;
	s31 =	sadd.s32 $0x5, s0;
	v33 =	vor.u32 v3, v11;
	s0 =	sadd.s32 $0x7, s0;
	s2 =	sand.u32 $0xE, s2;
	v34 =	vld.idx.msk [tilespmem:v18+s5+$0x0], $0xffff;
	[tilespmem:s26+$0xFFFFFFC0] =	vst v23;
	v18 =	vmov v16  }
0x2f3: {  	v15 =	vmov s30;
	s30 =	sand.u32 $0xD, s31;
	v16 =	vmov s2;
	v23 =	vmov s0;
	v29 =	vld.idx.msk [tilespmem:v29+s5+$0x0], $0xffff  }
0x2f4: {  	v35 =	vmov s30;
	v15 =	vperm.xlane v27, v15;
	v16 =	vperm.xlane v27, v16;
	[tilespmem:s28+$0xFFFFFEA0] =	vst v20;
	v20 =	vld.idx.msk [tilespmem:v25+s5+$0x0], $0xffff  }
0x2f5: {  	v25 =	vperm.xlane v27, v35;
	v23 =	vperm.xlane v27, v23;
	v19 =	vld.idx.msk [tilespmem:v19+s5+$0x0], $0xffff;
	[tilespmem:s26+$0xFFFFFE50] =	vst v21  }
0x2f6: {  	v27 =	vor.u32 v6, v9;
	v21 =	vshll.u32 v15, $0x7;
	v15 =	vshll.u32 v16, $0x7;
	[tilespmem:s28+$0xFFFFFE30] =	vst v22;
	v22 =	vld.idx.msk [tilespmem:v31+s5+$0x0], $0xffff  }
0x2f7: {  	v35 =	vor.u32 v3, v12;
	v25 =	vshll.u32 v25, $0x7;
	v31 =	vor.u32 v0, v21;
	v32 =	vld.idx.msk [tilespmem:v32+s5+$0x0], $0xffff;
	[tilespmem:s28+$0xFFFFFF30] =	vst v28  }
0x2f8: {  	v28 =	vor.u32 v0, v25;
	v16 =	vor.u32 v6, v15;
	v33 =	vld.idx.msk [tilespmem:v33+s5+$0x0], $0xffff;
	[tilespmem:s26+$0xFFFFFF70] =	vst v34  }
0x2f9: {  	v23 =	vshll.u32 v23, $0x7;
	v34 =	vor.u32 v0, v15;
	v30 =	vld.idx.msk [tilespmem:v30+s5+$0x0], $0xffff;
	[tilespmem:s26+$0xFFFFFFD0] =	vst v29  }
0x2fa: {  	v29 =	vor.u32 v0, v23;
	[tilespmem:s26+$0xFFFFFEE0] =	vst v20;
	v24 =	vld.idx.msk [tilespmem:v24+s5+$0x0], $0xffff  }
0x2fb: {  	[tilespmem:s28+$0xFFFFFEB0] =	vst v19;
	v19 =	vld.idx.msk [tilespmem:v27+s5+$0x0], $0xffff  }
0x2fc: {  	v27 =	vld.idx.msk [tilespmem:v35+s5+$0x0], $0xffff;
	[tilespmem:s26+$0xFFFFFE60] =	vst v22;
	v22 =	vor.u32 v6, v8  }
0x2fd: {  	[tilespmem:s28+$0xFFFFFE40] =	vst v32;
	v26 =	vld.idx.msk [tilespmem:v26+s5+$0x0], $0xffff  }
0x2fe: {  	v35 =	vor.u32 v4, v12;
	v32 =	vor.u32 v1, v21;
	v31 =	vld.idx.msk [tilespmem:v31+s5+$0x0], $0xffff;
	[tilespmem:s28+$0xFFFFFF40] =	vst v33  }
0x2ff: {  	v20 =	vor.u32 v1, v25;
	v33 =	vor.u32 v7, v10;
	v10 =	vmov v14;
	v28 =	vld.idx.msk [tilespmem:v28+s5+$0x0], $0xffff;
	[tilespmem:s26+$0xFFFFFF80] =	vst v30  }
0x300: {  	v36 =	vor.u32 v4, v11;
	v14 =	vmov v21;
	v30 =	vor.u32 v1, v15;
	v29 =	vld.idx.msk [tilespmem:v29+s5+$0x0], $0xffff;
	[tilespmem:s26+$0xFFFFFFE0] =	vst v24  }
0x301: {  	v37 =	vor.u32 v2, v13;
	s28 =	sadd.s32 $0x200, s28;
	v24 =	vld.idx.msk [tilespmem:v34+s5+$0x0], $0xffff;
	v34 =	vor.u32 v1, v23;
	[tilespmem:s26+$0xFFFFFEF0] =	vst v19  }
0x302: {  	[tilespmem:s25+$0xFFFFFEC0] =	vst v27;
	v27 =	vor.u32 v7, v9;
	v38 =	vld.idx.msk [tilespmem:v22+s5+$0x0], $0xffff;
	v9 =	vmov v12;
	v12 =	vmov v25  }
0x303: {  	v25 =	vor.u32 v7, v8;
	v8 =	vmov v13;
	v13 =	vmov v23;
	v21 =	vld.idx.msk [tilespmem:v35+s5+$0x0], $0xffff;
	[tilespmem:s26+$0xFFFFFE70] =	vst v26  }
0x304: {  	[tilespmem:s28+$0xFFFFFE10] =	vst v31;
	v23 =	vld.idx.msk [tilespmem:v33+s5+$0x0], $0xffff  }
0x305: {  	v22 =	vor.u32 v2, v14;
	v31 =	vld.idx.msk [tilespmem:v36+s5+$0x0], $0xffff;
	[tilespmem:s25+$0xFFFFFFA0] =	vst v17  }
0x306: {  	v19 =	vor.u32 v2, v12;
	[tilespmem:s28+$0xFFFFFF90] =	vst v29;
	v33 =	vld.idx.msk [tilespmem:v37+s5+$0x0], $0xffff  }
0x307: {  	[tilespmem:s28+$0xFFFFFF10] =	vst v24;
	v24 =	vor.u32 v5, v11;
	v35 =	vld.idx.msk [tilespmem:v27+s5+$0x0], $0xffff  }
0x308: {  	v17 =	vld.idx.msk [tilespmem:v34+s5+$0x0], $0xffff;
	v34 =	vor.u32 v3, v8;
	[tilespmem:s26+$0xFFFFFFF0] =	vst v38  }
.Ltmp11:
0x309: {  	[tilespmem:s28+$0xFFFFFE90] =	vst v28;
	v27 =	vld.idx.msk [tilespmem:v25+s5+$0x0], $0xffff;
	(pc) =	sbr.rel @p0 .LBB2_14-.Ltmp11, $4  }
0x30a: {  	v29 =	vor.u32 v4, v10;
	v25 =	vld.idx.msk [tilespmem:v32+s5+$0x0], $0xffff;
	[tilespmem:s26+$0xFFFFFE80] =	vst v23  }
0x30b: {  	v26 =	vld.idx.msk [tilespmem:v30+s5+$0x0], $0xffff;
	[tilespmem:s25+$0xFFFFFF50] =	vst v31  }
0x30c: {  	v24 =	vld.idx.msk [tilespmem:v24+s5+$0x0], $0xffff;
	[tilespmem:s25+$0xFFFFFFB0] =	vst v33  }
0x30d: {  	v28 =	vor.u32 v2, v15;
	v23 =	vld.idx.msk [tilespmem:v34+s5+$0x0], $0xffff;
	[tilespmem:s26+$0xFFFFFF00] =	vst v35  }
0x30e: {  	_ =	sdelay $0x1  }
0x30f: {  	[tilespmem:s25+$0xFFFFFED0] =	vst v21  }
0x310: {  	[tilespmem:s26+$0x0] =	vst v27  }
0x311: {  	v20 =	vld.idx.msk [tilespmem:v20+s5+$0x0], $0xffff;
	v59 =	vor.u32 v4, v8;
	[tilespmem:s28+$0xFFFFFFA0] =	vst v17  }
0x312: {  	v58 =	vld.idx.msk [tilespmem:v29+s5+$0x0], $0xffff;
	v60 =	vor.u32 v2, v13;
	[tilespmem:s28+$0xFFFFFE20] =	vst v25  }
0x313: {  	[tilespmem:s28+$0xFFFFFF20] =	vst v26;
	v22 =	vld.idx.msk [tilespmem:v22+s5+$0x0], $0xffff  }
0x314: {  	v61 =	vor.u32 v5, v9;
	[tilespmem:s25+$0xFFFFFF60] =	vst v24;
	v26 =	vld.idx.msk [tilespmem:v28+s5+$0x0], $0xffff  }
0x315: {  	v62 =	vor.u32 v5, v10;
	[tilespmem:s25+$0xFFFFFFC0] =	vst v23;
	v18 =	vld.idx.msk [tilespmem:v18+s5+$0x0], $0xffff  }
0x316: {  	v30 =	vor.u32 v3, v14;
	[tilespmem:s28+$0xFFFFFEA0] =	vst v20;
	v27 =	vld.idx.msk [tilespmem:v59+s5+$0x0], $0xffff  }
0x317: {  	v63 =	vor.u32 v3, v15;
	[tilespmem:s25+$0xFFFFFE50] =	vst v58;
	v32 =	vld.idx.msk [tilespmem:v60+s5+$0x0], $0xffff  }
0x318: {  	v34 =	vor.u32 v3, v13;
	v19 =	vld.idx.msk [tilespmem:v19+s5+$0x0], $0xffff;
	[tilespmem:s28+$0xFFFFFE30] =	vst v22  }
0x319: {  	v31 =	vor.u32 v3, v12;
	v33 =	vld.idx.msk [tilespmem:v61+s5+$0x0], $0xffff;
	[tilespmem:s28+$0xFFFFFF30] =	vst v26  }
0x31a: {  	v11 =	vor.u32 v7, v11;
	v23 =	vld.idx.msk [tilespmem:v62+s5+$0x0], $0xffff;
	[tilespmem:s25+$0xFFFFFF70] =	vst v18  }
0x31b: {  	v35 =	vor.u32 v5, v8;
	v21 =	vld.idx.msk [tilespmem:v30+s5+$0x0], $0xffff;
	[tilespmem:s25+$0xFFFFFFD0] =	vst v27  }
0x31c: {  	v37 =	vor.u32 v4, v14;
	v20 =	vld.idx.msk [tilespmem:v63+s5+$0x0], $0xffff;
	[tilespmem:s28+$0xFFFFFFB0] =	vst v32  }
0x31d: {  	v36 =	vor.u32 v4, v15;
	[tilespmem:s28+$0xFFFFFEB0] =	vst v19;
	v39 =	vld.idx.msk [tilespmem:v34+s5+$0x0], $0xffff  }
0x31e: {  	v40 =	vor.u32 v4, v13;
	[tilespmem:s25+$0xFFFFFEE0] =	vst v33;
	v17 =	vld.idx.msk [tilespmem:v31+s5+$0x0], $0xffff  }
0x31f: {  	v38 =	vor.u32 v4, v12;
	v11 =	vld.idx.msk [tilespmem:v11+s5+$0x0], $0xffff;
	[tilespmem:s25+$0xFFFFFE60] =	vst v23  }
0x320: {  	v41 =	vor.u32 v6, v9;
	v18 =	vld.idx.msk [tilespmem:v35+s5+$0x0], $0xffff;
	[tilespmem:s28+$0xFFFFFE40] =	vst v21  }
0x321: {  	v42 =	vor.u32 v6, v10;
	[tilespmem:s28+$0xFFFFFF40] =	vst v20;
	v21 =	vld.idx.msk [tilespmem:v37+s5+$0x0], $0xffff  }
0x322: {  	v44 =	vor.u32 v5, v14;
	v19 =	vld.idx.msk [tilespmem:v36+s5+$0x0], $0xffff;
	[tilespmem:s28+$0xFFFFFFC0] =	vst v39  }
0x323: {  	v43 =	vor.u32 v5, v15;
	[tilespmem:s28+$0xFFFFFEC0] =	vst v17;
	v23 =	vld.idx.msk [tilespmem:v40+s5+$0x0], $0xffff  }
0x324: {  	v47 =	vor.u32 v5, v13;
	[tilespmem:s25+$0xFFFFFF80] =	vst v11;
	v22 =	vld.idx.msk [tilespmem:v38+s5+$0x0], $0xffff  }
0x325: {  	v45 =	vor.u32 v5, v12;
	v46 =	vld.idx.msk [tilespmem:v41+s5+$0x0], $0xffff;
	[tilespmem:s25+$0xFFFFFFE0] =	vst v18  }
0x326: {  	v48 =	vor.u32 v6, v8;
	v20 =	vld.idx.msk [tilespmem:v42+s5+$0x0], $0xffff;
	[tilespmem:s28+$0xFFFFFE50] =	vst v21  }
0x327: {  	v55 =	vor.u32 v7, v9;
	[tilespmem:s28+$0xFFFFFF50] =	vst v19;
	v50 =	vld.idx.msk [tilespmem:v44+s5+$0x0], $0xffff  }
0x328: {  	v51 =	vor.u32 v6, v14;
	v17 =	vld.idx.msk [tilespmem:v43+s5+$0x0], $0xffff;
	[tilespmem:s28+$0xFFFFFFD0] =	vst v23  }
0x329: {  	[tilespmem:s28+$0xFFFFFED0] =	vst v22;
	v18 =	vld.idx.msk [tilespmem:v47+s5+$0x0], $0xffff  }
0x32a: {  	v54 =	vor.u32 v6, v13;
	[tilespmem:s25+$0xFFFFFEF0] =	vst v46;
	v11 =	vld.idx.msk [tilespmem:v45+s5+$0x0], $0xffff  }
0x32b: {  	v52 =	vor.u32 v6, v12;
	v53 =	vld.idx.msk [tilespmem:v48+s5+$0x0], $0xffff;
	[tilespmem:s25+$0xFFFFFE70] =	vst v20  }
0x32c: {  	v49 =	vor.u32 v7, v10;
	v9 =	vld.idx.msk [tilespmem:v55+s5+$0x0], $0xffff;
	[tilespmem:s28+$0xFFFFFE60] =	vst v50  }
0x32d: {  	v8 =	vor.u32 v7, v8;
	[tilespmem:s28+$0xFFFFFF60] =	vst v17;
	v57 =	vld.idx.msk [tilespmem:v51+s5+$0x0], $0xffff  }
0x32e: {  	v59 =	vor.u32 v7, v14;
	v16 =	vld.idx.msk [tilespmem:v16+s5+$0x0], $0xffff;
	[tilespmem:s28+$0xFFFFFFE0] =	vst v18  }
0x32f: {  	v56 =	vor.u32 v7, v15;
	[tilespmem:s28+$0xFFFFFEE0] =	vst v11;
	v18 =	vld.idx.msk [tilespmem:v54+s5+$0x0], $0xffff  }
0x330: {  	v61 =	vor.u32 v7, v13;
	[tilespmem:s25+$0xFFFFFFF0] =	vst v53;
	v58 =	vld.idx.msk [tilespmem:v52+s5+$0x0], $0xffff  }
0x331: {  	v60 =	vor.u32 v7, v12;
	v10 =	vld.idx.msk [tilespmem:v49+s5+$0x0], $0xffff;
	[tilespmem:s25+$0xFFFFFF00] =	vst v9  }
0x332: {  	v8 =	vld.idx.msk [tilespmem:v8+s5+$0x0], $0xffff;
	[tilespmem:s28+$0xFFFFFE70] =	vst v57  }
0x333: {  	[tilespmem:s28+$0xFFFFFF70] =	vst v16;
	v11 =	vld.idx.msk [tilespmem:v59+s5+$0x0], $0xffff  }
0x334: {  	v62 =	vld.idx.msk [tilespmem:v56+s5+$0x0], $0xffff;
	[tilespmem:s28+$0xFFFFFFF0] =	vst v18  }
0x335: {  	[tilespmem:s28+$0xFFFFFEF0] =	vst v58;
	v63 =	vld.idx.msk [tilespmem:v61+s5+$0x0], $0xffff  }
0x336: {  	[tilespmem:s25+$0xFFFFFE80] =	vst v10;
	v12 =	vld.idx.msk [tilespmem:v60+s5+$0x0], $0xffff  }
0x337: {  	[tilespmem:s25+$0x0] =	vst v8  }
0x338: {  	[tilespmem:s28+$0xFFFFFE80] =	vst v11  }
0x339: {  	[tilespmem:s28+$0xFFFFFF80] =	vst v62  }
0x33a: {  	[tilespmem:s28+$0x0] =	vst v63  }
0x33b: {  	s25 =	smov.u32 s12;
	[tilespmem:s28+$0xFFFFFF00] =	vst v12  }
0x33c: {  	[hbm4b:s11+s5] =	stream.linear.scatter [tilespmem:s19], [sflag:$0x1], $0x3800, $0x38;
	[tilespmem:$0x1B600] =	vst v63  }
.LBB2_16:
0x33d: {  	s0 =	smul.u32 $0x32, s25;
	_ =	sdelay $0x1  }
0x33e: {  	s0 =	sadd.s32 s1, s0  }
0x33f: {  	[tilespmem:s15], [sflag:$0x3] =	stream.linear.gather [hbm4b:s0+s5], $0x190, $0x38;
	[tilespmem:$0x1B600] =	vst v63  }
0x340: {  	_ =	swait.ge [sflag:s14], $0x190  }
0x341: {  	s13 =	simm.s32 $0x0;
	[sflag:s14] =	ssyncset.done $0x0  }
0x342: {  	s2 =	sand.u32 $0x1F0, s13;
	[sflag:s14] =	ssyncadd.s32 $0xFFFFFE70  }
0x343: {  	v8 =	vld [tilespmem:s2+$0x2400];
	_ =	sdelay $0x2  }
0x344: {  	s26 =	simm.s32 $0x2;
	s0 =	sand.u32 $0xC, s13  }
0x345: {  	s3 =	simm.s32 $0x1;
	v9 =	vmov s0;
	s2 =	sand.u32 $0xE, s26  }
0x346: {  	s31 =	sand.u32 $0xD, s3;
	v10 =	vmov s2;
	v9 =	vperm.xlane v8, v9  }
0x347: {  	v11 =	vmov s31;
	v10 =	vperm.xlane v8, v10  }
0x348: {  	v11 =	vperm.xlane v8, v11;
	v17 =	vshll.u32 v9, $0x7  }
0x349: {  	v12 =	vshll.u32 v10, $0x7;
	v9 =	vor.u32 v0, v17  }
0x34a: {  	v16 =	vshll.u32 v11, $0x7;
	v10 =	vor.u32 v0, v12  }
0x34b: {  	v11 =	vor.u32 v0, v16;
	_ =	sdelay $0x2  }
0x34c: {  	v9 =	vld.idx.msk [tilespmem:v9+s5+$0x0], $0xffff  }
0x34d: {  	s2 =	simm.s32 $0x3;
	v13 =	vor.u32 v1, v17;
	v10 =	vld.idx.msk [tilespmem:v10+s5+$0x0], $0xffff  }
0x34e: {  	v15 =	vmov s2;
	v14 =	vor.u32 v1, v12;
	v11 =	vld.idx.msk [tilespmem:v11+s5+$0x0], $0xffff  }
0x34f: {  	s3 =	simm.s32 $0x4;
	v8 =	vperm.xlane v8, v15;
	v19 =	vor.u32 v1, v16  }
0x350: {  	s28 =	simm.s32 $0xEF00;
	s13 =	sand.u32 $0x1F0, s3  }
0x351: {  	v15 =	vld [tilespmem:s13+$0x2400];
	v18 =	vshll.u32 v8, $0x7;
	[tilespmem:s28+$0xFFFFFF00] =	vst v9  }
0x352: {  	[tilespmem:s28+$0x0] =	vst v10;
	v9 =	vor.u32 v0, v18;
	v8 =	vld.idx.msk [tilespmem:v13+s5+$0x0], $0xffff  }
0x353: {  	[tilespmem:s28+$0xFFFFFF80] =	vst v11;
	v11 =	vor.u32 v2, v17;
	v10 =	vld.idx.msk [tilespmem:v14+s5+$0x0], $0xffff  }
0x354: {  	v13 =	vld.idx.msk [tilespmem:v19+s5+$0x0], $0xffff;
	v14 =	vor.u32 v2, v12  }
0x355: {  	v19 =	vor.u32 v2, v16  }
0x356: {  	s31 =	simm.s32 $0x5  }
0x357: {  	s31 =	sand.u32 $0xD, s31;
	s0 =	sand.u32 $0xC, s3;
	v9 =	vld.idx.msk [tilespmem:v9+s5+$0x0], $0xffff;
	[tilespmem:s28+$0xFFFFFF10] =	vst v8  }
0x358: {  	v23 =	vmov s31;
	s13 =	simm.s32 $0x7;
	v20 =	vor.u32 v1, v18;
	[tilespmem:s28+$0x10] =	vst v10;
	v8 =	vmov s0;
	v11 =	vld.idx.msk [tilespmem:v11+s5+$0x0], $0xffff  }
0x359: {  	s26 =	simm.s32 $0x6;
	v21 =	vor.u32 v3, v17;
	v10 =	vmov s13;
	[tilespmem:s28+$0xFFFFFF90] =	vst v13;
	v14 =	vld.idx.msk [tilespmem:v14+s5+$0x0], $0xffff;
	v8 =	vperm.xlane v15, v8  }
0x35a: {  	s26 =	sand.u32 $0xE, s26;
	v22 =	vor.u32 v3, v12;
	v25 =	vor.u32 v3, v16;
	v24 =	vperm.xlane v15, v10;
	v19 =	vld.idx.msk [tilespmem:v19+s5+$0x0], $0xffff  }
0x35b: {  	v23 =	vperm.xlane v15, v23;
	v13 =	vmov s26;
	v10 =	vshll.u32 v8, $0x7  }
0x35c: {  	v13 =	vperm.xlane v15, v13;
	v8 =	vshll.u32 v24, $0x7;
	[tilespmem:s28+$0x80] =	vst v9;
	v15 =	vor.u32 v0, v10  }
0x35d: {  	v9 =	vshll.u32 v23, $0x7;
	v23 =	vor.u32 v0, v8;
	v20 =	vld.idx.msk [tilespmem:v20+s5+$0x0], $0xffff;
	[tilespmem:s28+$0xFFFFFF20] =	vst v11  }
0x35e: {  	v11 =	vshll.u32 v13, $0x7;
	[tilespmem:s28+$0x20] =	vst v14;
	v14 =	vor.u32 v0, v9;
	v13 =	vld.idx.msk [tilespmem:v21+s5+$0x0], $0xffff  }
0x35f: {  	[tilespmem:s28+$0xFFFFFFA0] =	vst v19;
	v21 =	vld.idx.msk [tilespmem:v22+s5+$0x0], $0xffff;
	v22 =	vor.u32 v0, v11  }
0x360: {  	v19 =	vld.idx.msk [tilespmem:v25+s5+$0x0], $0xffff;
	v25 =	vor.u32 v2, v18  }
0x361: {  	v24 =	vor.u32 v4, v12;
	v15 =	vld.idx.msk [tilespmem:v15+s5+$0x0], $0xffff  }
0x362: {  	v26 =	vor.u32 v4, v16;
	v23 =	vld.idx.msk [tilespmem:v23+s5+$0x0], $0xffff  }
0x363: {  	v27 =	vor.u32 v1, v8;
	[tilespmem:s28+$0x90] =	vst v20;
	v14 =	vld.idx.msk [tilespmem:v14+s5+$0x0], $0xffff  }
0x364: {  	v28 =	vor.u32 v1, v10;
	[tilespmem:s28+$0x30] =	vst v21;
	v21 =	vld.idx.msk [tilespmem:v22+s5+$0x0], $0xffff  }
0x365: {  	[tilespmem:s28+$0xFFFFFFB0] =	vst v19;
	v19 =	vld.idx.msk [tilespmem:v25+s5+$0x0], $0xffff  }
0x366: {  	s26 =	simm.s32 $0xF100;
	v22 =	vor.u32 v1, v11;
	v24 =	vld.idx.msk [tilespmem:v24+s5+$0x0], $0xffff  }
0x367: {  	v25 =	vld.idx.msk [tilespmem:v26+s5+$0x0], $0xffff;
	v26 =	vor.u32 v1, v9;
	[tilespmem:s26+$0x80] =	vst v23  }
0x368: {  	s30 =	simm.s32 $0x8;
	v20 =	vor.u32 v5, v12;
	[tilespmem:s26+$0xFFFFFF00] =	vst v15;
	v27 =	vld.idx.msk [tilespmem:v27+s5+$0x0], $0xffff  }
0x369: {  	s3 =	sand.u32 $0x1F0, s30;
	v23 =	vor.u32 v3, v18;
	v15 =	vld.idx.msk [tilespmem:v28+s5+$0x0], $0xffff;
	[tilespmem:s26+$0xFFFFFF80] =	vst v14  }
0x36a: {  	v28 =	vld [tilespmem:s3+$0x2400];
	[tilespmem:s26+$0x0] =	vst v21;
	v21 =	vor.u32 v4, v17  }
0x36b: {  	v22 =	vld.idx.msk [tilespmem:v22+s5+$0x0], $0xffff;
	[tilespmem:s28+$0x40] =	vst v24;
	v24 =	vor.u32 v2, v10  }
0x36c: {  	[tilespmem:s28+$0xFFFFFF30] =	vst v13;
	v14 =	vor.u32 v2, v11;
	v13 =	vld.idx.msk [tilespmem:v26+s5+$0x0], $0xffff  }
0x36d: {  	v29 =	vor.u32 v2, v9;
	[tilespmem:s28+$0xA0] =	vst v19;
	v20 =	vld.idx.msk [tilespmem:v20+s5+$0x0], $0xffff  }
0x36e: {  	v19 =	vld.idx.msk [tilespmem:v23+s5+$0x0], $0xffff;
	v23 =	vor.u32 v6, v12  }
0x36f: {  	v26 =	vor.u32 v4, v18;
	[tilespmem:s26+$0xFFFFFF10] =	vst v15;
	v21 =	vld.idx.msk [tilespmem:v21+s5+$0x0], $0xffff  }
0x370: {  	v15 =	vor.u32 v5, v16;
	v24 =	vld.idx.msk [tilespmem:v24+s5+$0x0], $0xffff;
	[tilespmem:s26+$0x10] =	vst v22  }
0x371: {  	v22 =	vor.u32 v5, v17;
	[tilespmem:s26+$0xFFFFFF90] =	vst v13;
	v14 =	vld.idx.msk [tilespmem:v14+s5+$0x0], $0xffff  }
0x372: {  	[tilespmem:s28+$0x50] =	vst v20;
	v20 =	vor.u32 v3, v10;
	v29 =	vld.idx.msk [tilespmem:v29+s5+$0x0], $0xffff  }
0x373: {  	[tilespmem:s28+$0xB0] =	vst v19;
	v19 =	vor.u32 v3, v11;
	v23 =	vld.idx.msk [tilespmem:v23+s5+$0x0], $0xffff  }
0x374: {  	s31 =	simm.s32 $0x9;
	s13 =	sand.u32 $0xC, s30;
	[tilespmem:s28+$0xFFFFFFC0] =	vst v25;
	v25 =	vld.idx.msk [tilespmem:v26+s5+$0x0], $0xffff;
	v26 =	vor.u32 v7, v12  }
0x375: {  	s2 =	sand.u32 $0xD, s31;
	v30 =	vor.u32 v6, v17;
	v31 =	vor.u32 v5, v18;
	v15 =	vld.idx.msk [tilespmem:v15+s5+$0x0], $0xffff;
	v12 =	vmov s13;
	[tilespmem:s28+$0xFFFFFF40] =	vst v21  }
0x376: {  	v32 =	vor.u32 v3, v9;
	s3 =	simm.s32 $0xA;
	v13 =	vmov s2;
	s13 =	simm.s32 $0xB;
	v12 =	vperm.xlane v28, v12;
	[tilespmem:s26+$0xFFFFFF20] =	vst v24;
	v21 =	vld.idx.msk [tilespmem:v22+s5+$0x0], $0xffff  }
0x377: {  	s31 =	sand.u32 $0xE, s3;
	v13 =	vperm.xlane v28, v13;
	v22 =	vor.u32 v6, v16;
	v24 =	vmov s13;
	v20 =	vld.idx.msk [tilespmem:v20+s5+$0x0], $0xffff;
	[tilespmem:s26+$0x20] =	vst v14  }
0x378: {  	v33 =	vmov s31;
	v24 =	vperm.xlane v28, v24;
	v14 =	vshll.u32 v12, $0x7;
	v19 =	vld.idx.msk [tilespmem:v19+s5+$0x0], $0xffff;
	[tilespmem:s28+$0x60] =	vst v23  }
0x379: {  	v12 =	vshll.u32 v13, $0x7;
	v23 =	vperm.xlane v28, v33;
	v28 =	vor.u32 v0, v14;
	[tilespmem:s28+$0xC0] =	vst v25;
	v26 =	vld.idx.msk [tilespmem:v26+s5+$0x0], $0xffff  }
0x37a: {  	[tilespmem:s26+$0xFFFFFFA0] =	vst v29;
	v25 =	vor.u32 v0, v12;
	v13 =	vshll.u32 v24, $0x7;
	v24 =	vld.idx.msk [tilespmem:v31+s5+$0x0], $0xffff  }
0x37b: {  	[tilespmem:s28+$0xFFFFFFD0] =	vst v15;
	v31 =	vld.idx.msk [tilespmem:v32+s5+$0x0], $0xffff;
	v15 =	vshll.u32 v23, $0x7;
	v23 =	vor.u32 v0, v13  }
0x37c: {  	v22 =	vld.idx.msk [tilespmem:v22+s5+$0x0], $0xffff;
	v29 =	vor.u32 v0, v15;
	[tilespmem:s28+$0xFFFFFF50] =	vst v21  }
0x37d: {  	v21 =	vor.u32 v6, v18;
	[tilespmem:s26+$0xFFFFFF30] =	vst v20;
	v20 =	vld.idx.msk [tilespmem:v30+s5+$0x0], $0xffff  }
0x37e: {  	v30 =	vor.u32 v4, v9;
	v28 =	vld.idx.msk [tilespmem:v28+s5+$0x0], $0xffff;
	[tilespmem:s26+$0x30] =	vst v19  }
0x37f: {  	v17 =	vor.u32 v7, v17;
	v19 =	vld.idx.msk [tilespmem:v25+s5+$0x0], $0xffff;
	[tilespmem:s28+$0x70] =	vst v26  }
0x380: {  	v16 =	vor.u32 v7, v16;
	[tilespmem:s28+$0xD0] =	vst v24;
	v23 =	vld.idx.msk [tilespmem:v23+s5+$0x0], $0xffff  }
0x381: {  	v25 =	vor.u32 v4, v11;
	[tilespmem:s26+$0xFFFFFFB0] =	vst v31;
	v24 =	vld.idx.msk [tilespmem:v29+s5+$0x0], $0xffff  }
0x382: {  	v26 =	vor.u32 v2, v8;
	[tilespmem:s28+$0xFFFFFFE0] =	vst v22;
	v22 =	vld.idx.msk [tilespmem:v21+s5+$0x0], $0xffff  }
0x383: {  	v29 =	vor.u32 v1, v13;
	v21 =	vld.idx.msk [tilespmem:v30+s5+$0x0], $0xffff;
	[tilespmem:s28+$0xFFFFFF60] =	vst v20  }
0x384: {  	s29 =	simm.s32 $0xF300;
	[tilespmem:s26+$0x90] =	vst v27;
	v18 =	vor.u32 v7, v18;
	v20 =	vld.idx.msk [tilespmem:v17+s5+$0x0], $0xffff  }
0x385: {  	v31 =	vor.u32 v1, v15;
	v62 =	vld.idx.msk [tilespmem:v16+s5+$0x0], $0xffff;
	[tilespmem:s29+$0xFFFFFF00] =	vst v28  }
0x386: {  	v28 =	vor.u32 v1, v14;
	v30 =	vld.idx.msk [tilespmem:v25+s5+$0x0], $0xffff;
	[tilespmem:s29+$0x80] =	vst v23  }
0x387: {  	v23 =	vld.idx.msk [tilespmem:v26+s5+$0x0], $0xffff;
	[tilespmem:s29+$0x0] =	vst v24;
	v24 =	vor.u32 v5, v11  }
0x388: {  	v63 =	vor.u32 v3, v8;
	v17 =	vld.idx.msk [tilespmem:v29+s5+$0x0], $0xffff;
	[tilespmem:s28+$0xE0] =	vst v22  }
0x389: {  	v27 =	vld.idx.msk [tilespmem:v18+s5+$0x0], $0xffff;
	[tilespmem:s28+$0xFFFFFF70] =	vst v20;
	v20 =	vor.u32 v1, v12  }
0x38a: {  	[tilespmem:s29+$0xFFFFFF80] =	vst v19;
	v29 =	vor.u32 v4, v10;
	v26 =	vld.idx.msk [tilespmem:v31+s5+$0x0], $0xffff  }
0x38b: {  	v16 =	vor.u32 v6, v15;
	v25 =	vld.idx.msk [tilespmem:v28+s5+$0x0], $0xffff;
	[tilespmem:s26+$0x40] =	vst v30  }
0x38c: {  	v19 =	vor.u32 v2, v12;
	v22 =	vor.u32 v2, v14;
	[tilespmem:s26+$0xA0] =	vst v23;
	v24 =	vld.idx.msk [tilespmem:v24+s5+$0x0], $0xffff  }
0x38d: {  	v18 =	vor.u32 v6, v11;
	[tilespmem:s28+$0xFFFFFFF0] =	vst v62;
	v28 =	vor.u32 v2, v15;
	v23 =	vld.idx.msk [tilespmem:v63+s5+$0x0], $0xffff  }
.LBB2_17:
0x38e: {  	v20 =	vld.idx.msk [tilespmem:v20+s5+$0x0], $0xffff;
	[tilespmem:s26+$0xFFFFFFC0] =	vst v21;
	s0 =	smov.u32 s30;
	s30 =	sadd.s32 $0x4, s30  }
0x38f: {  	s2 =	sand.u32 $0x1F0, s30;
	s3 =	sand.u32 $0xC, s30;
	p0 =	slt.u32 s30, $0x18C;
	v21 =	vld.idx.msk [tilespmem:v29+s5+$0x0], $0xffff;
	v29 =	vor.u32 v4, v8;
	[tilespmem:s28+$0xF0] =	vst v27  }
0x390: {  	s28 =	smov.u32 s26;
	s26 =	smov.u32 s29;
	v27 =	vld [tilespmem:s2+$0x2400];
	[tilespmem:s29+$0xFFFFFF10] =	vst v25;
	v25 =	vor.u32 v5, v9  }
0x391: {  	v30 =	vor.u32 v7, v11;
	v11 =	vmov v15;
	v22 =	vld.idx.msk [tilespmem:v22+s5+$0x0], $0xffff;
	[tilespmem:s29+$0x10] =	vst v26;
	v26 =	vor.u32 v6, v10  }
0x392: {  	v31 =	vor.u32 v5, v10;
	s2 =	sadd.s32 $0x6, s0;
	v28 =	vld.idx.msk [tilespmem:v28+s5+$0x0], $0xffff;
	[tilespmem:s28+$0x50] =	vst v24;
	v24 =	vor.u32 v5, v8  }
0x393: {  	v32 =	vor.u32 v3, v14;
	s13 =	sadd.s32 $0x5, s0;
	v33 =	vor.u32 v3, v11;
	s0 =	sadd.s32 $0x7, s0;
	s2 =	sand.u32 $0xE, s2;
	v34 =	vld.idx.msk [tilespmem:v18+s5+$0x0], $0xffff;
	[tilespmem:s28+$0xB0] =	vst v23;
	v18 =	vmov v16  }
0x394: {  	v15 =	vmov s3;
	s3 =	sand.u32 $0xD, s13;
	v16 =	vmov s2;
	v23 =	vmov s0;
	v29 =	vld.idx.msk [tilespmem:v29+s5+$0x0], $0xffff  }
0x395: {  	v35 =	vmov s3;
	v15 =	vperm.xlane v27, v15;
	v16 =	vperm.xlane v27, v16;
	[tilespmem:s29+$0xFFFFFF90] =	vst v20;
	v20 =	vld.idx.msk [tilespmem:v25+s5+$0x0], $0xffff  }
0x396: {  	v25 =	vperm.xlane v27, v35;
	v23 =	vperm.xlane v27, v23;
	v19 =	vld.idx.msk [tilespmem:v19+s5+$0x0], $0xffff;
	[tilespmem:s28+$0xFFFFFF40] =	vst v21  }
0x397: {  	v27 =	vor.u32 v6, v9;
	v21 =	vshll.u32 v15, $0x7;
	v15 =	vshll.u32 v16, $0x7;
	[tilespmem:s29+$0xFFFFFF20] =	vst v22;
	v22 =	vld.idx.msk [tilespmem:v31+s5+$0x0], $0xffff  }
0x398: {  	v35 =	vor.u32 v3, v12;
	v25 =	vshll.u32 v25, $0x7;
	v31 =	vor.u32 v0, v21;
	v32 =	vld.idx.msk [tilespmem:v32+s5+$0x0], $0xffff;
	[tilespmem:s29+$0x20] =	vst v28  }
0x399: {  	v28 =	vor.u32 v0, v25;
	v16 =	vor.u32 v6, v15;
	v33 =	vld.idx.msk [tilespmem:v33+s5+$0x0], $0xffff;
	[tilespmem:s28+$0x60] =	vst v34  }
0x39a: {  	v23 =	vshll.u32 v23, $0x7;
	v34 =	vor.u32 v0, v15;
	v30 =	vld.idx.msk [tilespmem:v30+s5+$0x0], $0xffff;
	[tilespmem:s28+$0xC0] =	vst v29  }
0x39b: {  	v29 =	vor.u32 v0, v23;
	[tilespmem:s28+$0xFFFFFFD0] =	vst v20;
	v24 =	vld.idx.msk [tilespmem:v24+s5+$0x0], $0xffff  }
0x39c: {  	[tilespmem:s29+$0xFFFFFFA0] =	vst v19;
	v19 =	vld.idx.msk [tilespmem:v27+s5+$0x0], $0xffff  }
0x39d: {  	v27 =	vld.idx.msk [tilespmem:v35+s5+$0x0], $0xffff;
	[tilespmem:s28+$0xFFFFFF50] =	vst v22;
	v22 =	vor.u32 v6, v8  }
0x39e: {  	[tilespmem:s29+$0xFFFFFF30] =	vst v32;
	v26 =	vld.idx.msk [tilespmem:v26+s5+$0x0], $0xffff  }
0x39f: {  	v35 =	vor.u32 v4, v12;
	v32 =	vor.u32 v1, v21;
	v31 =	vld.idx.msk [tilespmem:v31+s5+$0x0], $0xffff;
	[tilespmem:s29+$0x30] =	vst v33  }
0x3a0: {  	v20 =	vor.u32 v1, v25;
	v33 =	vor.u32 v7, v10;
	v10 =	vmov v14;
	v28 =	vld.idx.msk [tilespmem:v28+s5+$0x0], $0xffff;
	[tilespmem:s28+$0x70] =	vst v30  }
0x3a1: {  	v36 =	vor.u32 v4, v11;
	v14 =	vmov v21;
	v30 =	vor.u32 v1, v15;
	v29 =	vld.idx.msk [tilespmem:v29+s5+$0x0], $0xffff;
	[tilespmem:s28+$0xD0] =	vst v24  }
0x3a2: {  	v37 =	vor.u32 v2, v13;
	s29 =	sadd.s32 $0x200, s29;
	v24 =	vld.idx.msk [tilespmem:v34+s5+$0x0], $0xffff;
	v34 =	vor.u32 v1, v23;
	[tilespmem:s28+$0xFFFFFFE0] =	vst v19  }
0x3a3: {  	[tilespmem:s26+$0xFFFFFFB0] =	vst v27;
	v27 =	vor.u32 v7, v9;
	v38 =	vld.idx.msk [tilespmem:v22+s5+$0x0], $0xffff;
	v9 =	vmov v12;
	v12 =	vmov v25  }
0x3a4: {  	v25 =	vor.u32 v7, v8;
	v8 =	vmov v13;
	v13 =	vmov v23;
	v21 =	vld.idx.msk [tilespmem:v35+s5+$0x0], $0xffff;
	[tilespmem:s28+$0xFFFFFF60] =	vst v26  }
0x3a5: {  	[tilespmem:s29+$0xFFFFFF00] =	vst v31;
	v23 =	vld.idx.msk [tilespmem:v33+s5+$0x0], $0xffff  }
0x3a6: {  	v22 =	vor.u32 v2, v14;
	v31 =	vld.idx.msk [tilespmem:v36+s5+$0x0], $0xffff;
	[tilespmem:s26+$0x90] =	vst v17  }
0x3a7: {  	v19 =	vor.u32 v2, v12;
	[tilespmem:s29+$0x80] =	vst v29;
	v33 =	vld.idx.msk [tilespmem:v37+s5+$0x0], $0xffff  }
0x3a8: {  	[tilespmem:s29+$0x0] =	vst v24;
	v24 =	vor.u32 v5, v11;
	v35 =	vld.idx.msk [tilespmem:v27+s5+$0x0], $0xffff  }
0x3a9: {  	v17 =	vld.idx.msk [tilespmem:v34+s5+$0x0], $0xffff;
	v34 =	vor.u32 v3, v8;
	[tilespmem:s28+$0xE0] =	vst v38  }
.Ltmp12:
0x3aa: {  	[tilespmem:s29+$0xFFFFFF80] =	vst v28;
	v27 =	vld.idx.msk [tilespmem:v25+s5+$0x0], $0xffff;
	(pc) =	sbr.rel @p0 .LBB2_17-.Ltmp12, $4  }
0x3ab: {  	v29 =	vor.u32 v4, v10;
	v25 =	vld.idx.msk [tilespmem:v32+s5+$0x0], $0xffff;
	[tilespmem:s28+$0xFFFFFF70] =	vst v23  }
0x3ac: {  	v26 =	vld.idx.msk [tilespmem:v30+s5+$0x0], $0xffff;
	[tilespmem:s26+$0x40] =	vst v31  }
0x3ad: {  	v24 =	vld.idx.msk [tilespmem:v24+s5+$0x0], $0xffff;
	[tilespmem:s26+$0xA0] =	vst v33  }
0x3ae: {  	v28 =	vor.u32 v2, v15;
	v23 =	vld.idx.msk [tilespmem:v34+s5+$0x0], $0xffff;
	[tilespmem:s28+$0xFFFFFFF0] =	vst v35  }
0x3af: {  	_ =	sdelay $0x1  }
0x3b0: {  	[tilespmem:s26+$0xFFFFFFC0] =	vst v21  }
0x3b1: {  	[tilespmem:s28+$0xF0] =	vst v27  }
0x3b2: {  	v20 =	vld.idx.msk [tilespmem:v20+s5+$0x0], $0xffff;
	v59 =	vor.u32 v4, v8;
	[tilespmem:s29+$0x90] =	vst v17  }
0x3b3: {  	v58 =	vld.idx.msk [tilespmem:v29+s5+$0x0], $0xffff;
	v60 =	vor.u32 v2, v13;
	[tilespmem:s29+$0xFFFFFF10] =	vst v25  }
0x3b4: {  	[tilespmem:s29+$0x10] =	vst v26;
	v22 =	vld.idx.msk [tilespmem:v22+s5+$0x0], $0xffff  }
0x3b5: {  	v61 =	vor.u32 v5, v9;
	[tilespmem:s26+$0x50] =	vst v24;
	v26 =	vld.idx.msk [tilespmem:v28+s5+$0x0], $0xffff  }
0x3b6: {  	v62 =	vor.u32 v5, v10;
	[tilespmem:s26+$0xB0] =	vst v23;
	v18 =	vld.idx.msk [tilespmem:v18+s5+$0x0], $0xffff  }
0x3b7: {  	v30 =	vor.u32 v3, v14;
	[tilespmem:s29+$0xFFFFFF90] =	vst v20;
	v27 =	vld.idx.msk [tilespmem:v59+s5+$0x0], $0xffff  }
0x3b8: {  	v63 =	vor.u32 v3, v15;
	[tilespmem:s26+$0xFFFFFF40] =	vst v58;
	v32 =	vld.idx.msk [tilespmem:v60+s5+$0x0], $0xffff  }
0x3b9: {  	v34 =	vor.u32 v3, v13;
	v19 =	vld.idx.msk [tilespmem:v19+s5+$0x0], $0xffff;
	[tilespmem:s29+$0xFFFFFF20] =	vst v22  }
0x3ba: {  	v31 =	vor.u32 v3, v12;
	v33 =	vld.idx.msk [tilespmem:v61+s5+$0x0], $0xffff;
	[tilespmem:s29+$0x20] =	vst v26  }
0x3bb: {  	v11 =	vor.u32 v7, v11;
	v23 =	vld.idx.msk [tilespmem:v62+s5+$0x0], $0xffff;
	[tilespmem:s26+$0x60] =	vst v18  }
0x3bc: {  	v35 =	vor.u32 v5, v8;
	v21 =	vld.idx.msk [tilespmem:v30+s5+$0x0], $0xffff;
	[tilespmem:s26+$0xC0] =	vst v27  }
0x3bd: {  	v37 =	vor.u32 v4, v14;
	v20 =	vld.idx.msk [tilespmem:v63+s5+$0x0], $0xffff;
	[tilespmem:s29+$0xA0] =	vst v32  }
0x3be: {  	v36 =	vor.u32 v4, v15;
	[tilespmem:s29+$0xFFFFFFA0] =	vst v19;
	v39 =	vld.idx.msk [tilespmem:v34+s5+$0x0], $0xffff  }
0x3bf: {  	v40 =	vor.u32 v4, v13;
	[tilespmem:s26+$0xFFFFFFD0] =	vst v33;
	v17 =	vld.idx.msk [tilespmem:v31+s5+$0x0], $0xffff  }
0x3c0: {  	v38 =	vor.u32 v4, v12;
	v11 =	vld.idx.msk [tilespmem:v11+s5+$0x0], $0xffff;
	[tilespmem:s26+$0xFFFFFF50] =	vst v23  }
0x3c1: {  	v41 =	vor.u32 v6, v9;
	v18 =	vld.idx.msk [tilespmem:v35+s5+$0x0], $0xffff;
	[tilespmem:s29+$0xFFFFFF30] =	vst v21  }
0x3c2: {  	v42 =	vor.u32 v6, v10;
	[tilespmem:s29+$0x30] =	vst v20;
	v21 =	vld.idx.msk [tilespmem:v37+s5+$0x0], $0xffff  }
0x3c3: {  	v44 =	vor.u32 v5, v14;
	v19 =	vld.idx.msk [tilespmem:v36+s5+$0x0], $0xffff;
	[tilespmem:s29+$0xB0] =	vst v39  }
0x3c4: {  	v43 =	vor.u32 v5, v15;
	[tilespmem:s29+$0xFFFFFFB0] =	vst v17;
	v23 =	vld.idx.msk [tilespmem:v40+s5+$0x0], $0xffff  }
0x3c5: {  	v47 =	vor.u32 v5, v13;
	[tilespmem:s26+$0x70] =	vst v11;
	v22 =	vld.idx.msk [tilespmem:v38+s5+$0x0], $0xffff  }
0x3c6: {  	v45 =	vor.u32 v5, v12;
	v46 =	vld.idx.msk [tilespmem:v41+s5+$0x0], $0xffff;
	[tilespmem:s26+$0xD0] =	vst v18  }
0x3c7: {  	v48 =	vor.u32 v6, v8;
	v20 =	vld.idx.msk [tilespmem:v42+s5+$0x0], $0xffff;
	[tilespmem:s29+$0xFFFFFF40] =	vst v21  }
0x3c8: {  	v55 =	vor.u32 v7, v9;
	[tilespmem:s29+$0x40] =	vst v19;
	v50 =	vld.idx.msk [tilespmem:v44+s5+$0x0], $0xffff  }
0x3c9: {  	v51 =	vor.u32 v6, v14;
	v17 =	vld.idx.msk [tilespmem:v43+s5+$0x0], $0xffff;
	[tilespmem:s29+$0xC0] =	vst v23  }
0x3ca: {  	[tilespmem:s29+$0xFFFFFFC0] =	vst v22;
	v18 =	vld.idx.msk [tilespmem:v47+s5+$0x0], $0xffff  }
0x3cb: {  	v54 =	vor.u32 v6, v13;
	[tilespmem:s26+$0xFFFFFFE0] =	vst v46;
	v11 =	vld.idx.msk [tilespmem:v45+s5+$0x0], $0xffff  }
0x3cc: {  	v52 =	vor.u32 v6, v12;
	v53 =	vld.idx.msk [tilespmem:v48+s5+$0x0], $0xffff;
	[tilespmem:s26+$0xFFFFFF60] =	vst v20  }
0x3cd: {  	v49 =	vor.u32 v7, v10;
	v9 =	vld.idx.msk [tilespmem:v55+s5+$0x0], $0xffff;
	[tilespmem:s29+$0xFFFFFF50] =	vst v50  }
0x3ce: {  	v8 =	vor.u32 v7, v8;
	[tilespmem:s29+$0x50] =	vst v17;
	v57 =	vld.idx.msk [tilespmem:v51+s5+$0x0], $0xffff  }
0x3cf: {  	v59 =	vor.u32 v7, v14;
	v16 =	vld.idx.msk [tilespmem:v16+s5+$0x0], $0xffff;
	[tilespmem:s29+$0xD0] =	vst v18  }
0x3d0: {  	v56 =	vor.u32 v7, v15;
	[tilespmem:s29+$0xFFFFFFD0] =	vst v11;
	v18 =	vld.idx.msk [tilespmem:v54+s5+$0x0], $0xffff  }
0x3d1: {  	v61 =	vor.u32 v7, v13;
	[tilespmem:s26+$0xE0] =	vst v53;
	v58 =	vld.idx.msk [tilespmem:v52+s5+$0x0], $0xffff  }
0x3d2: {  	v60 =	vor.u32 v7, v12;
	v10 =	vld.idx.msk [tilespmem:v49+s5+$0x0], $0xffff;
	[tilespmem:s26+$0xFFFFFFF0] =	vst v9  }
0x3d3: {  	v8 =	vld.idx.msk [tilespmem:v8+s5+$0x0], $0xffff;
	[tilespmem:s29+$0xFFFFFF60] =	vst v57  }
0x3d4: {  	[tilespmem:s29+$0x60] =	vst v16;
	v11 =	vld.idx.msk [tilespmem:v59+s5+$0x0], $0xffff  }
0x3d5: {  	v62 =	vld.idx.msk [tilespmem:v56+s5+$0x0], $0xffff;
	[tilespmem:s29+$0xE0] =	vst v18  }
0x3d6: {  	[tilespmem:s29+$0xFFFFFFE0] =	vst v58;
	v63 =	vld.idx.msk [tilespmem:v61+s5+$0x0], $0xffff  }
0x3d7: {  	[tilespmem:s26+$0xFFFFFF70] =	vst v10;
	v12 =	vld.idx.msk [tilespmem:v60+s5+$0x0], $0xffff  }
0x3d8: {  	[tilespmem:s26+$0xF0] =	vst v8  }
.Ltmp13:
0x3d9: {  	[tilespmem:s29+$0xFFFFFF70] =	vst v11;
	(pc) =	sbr.rel .LBB2_19-.Ltmp13, $4  }
0x3da: {  	s0 =	smul.u32 $0x1900, s25;
	[tilespmem:s29+$0x70] =	vst v62  }
0x3db: {  	[tilespmem:s29+$0xF0] =	vst v63  }
0x3dc: {  	s0 =	sadd.s32 s4, s0;
	[tilespmem:s29+$0xFFFFFFF0] =	vst v12  }
0x3dd: {  	[hbm4b:s0+s5] =	stream.linear.scatter [tilespmem:s20], [sflag:$0x2], $0xC800, $0x38;
	[tilespmem:$0x1B600] =	vst v63  }
.LBB2_21:
0x3de: {  	_ =	sfence.sel $0x180000  }
0x3df: {  	[bflag:$0x0] =	sbarrier.arrive $0xFFFF  }
0x3e0: {  	_ =	strace $0x90000047  }
0x3e1: {  	s0 =	stileid.u32;
	[bflag:$0x2] =	sbarrier.arrive $0xFFFF  }
0x3e2: {  	p0 =	sne.s32 s0, $0x0;
	s0 =	rddreg [dreg:$0x3]  }
0x3e3: {  	s0 =	sadd.s32 @!p0 $0x100000, s0  }
0x3e4: {  	[sflag:s0] =	ssyncadd.tile.s32 @!p0 $0x1;
	_ =	shalt  }
.Lfunc_end2:
_tile_overlayer_lowered:
.L_overlay_start_2:
0x3e5: {  	(tag) =	ssettag $0x2  }
0x3e6: {  	s0 =	rddreg [dreg:$0x0];
	s2 =	stileid.u32  }
0x3e7: {  	s1 =	rddreg [dreg:$0x1];
	p0 =	sne.s32 s2, $0x0  }
0x3e8: {  	s3 =	rddreg [dreg:$0x2];
	[bflag:$0x3] =	sbarrier.arrive $0xFFFF;
	s2 =	simm.s32 @!p0 $0x1C03  }
0x3e9: {  	[timem:s3], [sflag:s2] =	dma.local @!p0 [hbm:s0], s1  }
0x3ea: {  	s0 =	simm.s32 @!p0 $0x3  }
0x3eb: {  	_ =	swait.ge @!p0 [sflag:s0], s1  }
0x3ec: {  	s1 =	ssub.s32 @!p0 $0x0, s1;
	[sflag:s0] =	ssyncset.done @!p0 $0x0  }
0x3ed: {  	[sflag:s0] =	ssyncadd.s32 @!p0 s1  }
0x3ee: {  	[bflag:$0x3] =	sbarrier.arrive $0xFFFF  }
0x3ef: {  	_ =	shalt  }

</sc_bundles>
